<compile_context>
chip_gen: v7x
topology: tpu7x:2x2x1
jax: 0.10.2.dev20260603
libtpu: 0.0.44.dev20260713+nightly
codegen_flags: <defaults>
</compile_context>

<pallas_src>
import functools

import jax
import jax.numpy as jnp
from jax import lax
from jax.experimental import pallas as pl
from jax.experimental.pallas import tpu as pltpu
from jax.experimental.pallas import tpu_sc as plsc

N = 10000
E = 320000
D = 128

_NC = 2
_NS = 16
_NW = _NC * _NS
_CHUNK = 80
_PER_W = E // _NW
_T = _PER_W // _CHUNK
_NBUF = 4


def _gather_body(x_hbm, ec, out, idx, ra, rb, wo, si, sga, sgb, swb):
    sid = lax.axis_index("s")
    wid = sid * _NC + lax.axis_index("c")
    w_base = wid * _PER_W

    def istart(t, b):
        base = w_base + t * _CHUNK
        pltpu.async_copy(ec.at[pl.ds(base, _CHUNK)], idx.at[b, 0], si.at[b])
        pltpu.async_copy(ec.at[pl.ds(E + base, _CHUNK)], idx.at[b, 1],
                         si.at[b])

    def iwait(t, b):
        base = w_base + t * _CHUNK
        pltpu.make_async_copy(ec.at[pl.ds(base, _CHUNK)], idx.at[b, 0],
                              si.at[b]).wait()
        pltpu.make_async_copy(ec.at[pl.ds(E + base, _CHUNK)], idx.at[b, 1],
                              si.at[b]).wait()

    def gstart(b):
        pltpu.async_copy(x_hbm.at[idx.at[b, 0]], ra.at[b], sga.at[b])
        pltpu.async_copy(x_hbm.at[idx.at[b, 1]], rb.at[b], sgb.at[b])

    def gwait(b):
        pltpu.make_async_copy(x_hbm.at[idx.at[b, 0]], ra.at[b],
                              sga.at[b]).wait()
        pltpu.make_async_copy(x_hbm.at[idx.at[b, 1]], rb.at[b],
                              sgb.at[b]).wait()

    def wbwait(t, b):
        sl = pl.ds(w_base + t * _CHUNK, _CHUNK)
        pltpu.make_async_copy(wo.at[b], out.at[sl], swb.at[b]).wait()

    def body(t, carry):
        b0 = lax.rem(t, _NBUF)
        b2 = lax.rem(t + 2, _NBUF)
        b3 = lax.rem(t + 3, _NBUF)

        @pl.when(t + 3 < _T)
        def _():
            istart(t + 3, b3)

        @pl.when(t + 2 < _T)
        def _():
            iwait(t + 2, b2)

            @pl.when(t >= 2)
            def _():
                wbwait(t - 2, b2)

            gstart(b2)

        gwait(b0)

        @plsc.parallel_loop(0, _CHUNK, unroll=4)
        def row_body(r):
            for k in range(D // 16):
                sl = pl.ds(k * 16, 16)
                wo[b0, r, sl] = ra[b0, r, sl] * rb[b0, r, sl]

        sl = pl.ds(w_base + t * _CHUNK, _CHUNK)
        pltpu.async_copy(wo.at[b0], out.at[sl], swb.at[b0])
        return carry

    for t in range(3):
        istart(t, t)
    for t in range(2):
        iwait(t, t)
        gstart(t)
    lax.fori_loop(0, _T, body, 0)
    for t in range(_T - _NBUF, _T):
        wbwait(t, t % _NBUF)


def _gather(x, ei):
    mesh = plsc.VectorSubcoreMesh(core_axis_name="c", subcore_axis_name="s")
    f = functools.partial(
        pl.kernel,
        mesh=mesh,
        out_type=jax.ShapeDtypeStruct((E, D), jnp.float32),
        scratch_types=[
            pltpu.VMEM((_NBUF, 2, _CHUNK), jnp.int32),
            pltpu.VMEM((_NBUF, _CHUNK, D), jnp.float32),
            pltpu.VMEM((_NBUF, _CHUNK, D), jnp.float32),
            pltpu.VMEM((_NBUF, _CHUNK, D), jnp.float32),
            pltpu.SemaphoreType.DMA((_NBUF,)),
            pltpu.SemaphoreType.DMA((_NBUF,)),
            pltpu.SemaphoreType.DMA((_NBUF,)),
            pltpu.SemaphoreType.DMA((_NBUF,)),
        ],
    )(_gather_body)
    return f(x, ei.reshape(2 * E))


_B = 4000
_G = E // _B

_EWISE = pl.BlockSpec((_B, D), lambda i: (i, 0))
_HEAD = pl.BlockSpec((_B, 8), lambda i: (i, 0))
_HEAD_SHAPE = jax.ShapeDtypeStruct((E, 8), jnp.float32)


def _decode_pos_body(em_ref, wcat_ref, b1_ref, be1_ref, w2t_ref,
                     b2_ref, we2t_ref, be2_ref, attr_ref, pos_ref):
    h = jnp.maximum(em_ref[...], 0.0)
    a = jnp.dot(h, wcat_ref[...])
    a1 = jnp.maximum(a[:, :D] + b1_ref[...], 0.0)
    attr_ref[...] = jax.nn.sigmoid(jnp.dot(a1, w2t_ref[...]) + b2_ref[...])
    ae = jnp.maximum(a[:, D:] + be1_ref[...], 0.0)
    pos_ref[...] = jax.nn.sigmoid(jnp.dot(ae, we2t_ref[...]) + be2_ref[...])


def _decode_neg_body(em_ref, we1t_ref, be1_ref, we2t_ref, be2_ref,
                     neg_ref):
    h = jnp.maximum(em_ref[...], 0.0)
    an = jnp.maximum(jnp.dot(h, we1t_ref[...]) + be1_ref[...], 0.0)
    neg_ref[...] = jax.nn.sigmoid(jnp.dot(an, we2t_ref[...]) + be2_ref[...])


def _decode_pos(em, wcat_t, b1r, be1r, w2t8, b2r, we2t8, be2r):
    return pl.pallas_call(
        _decode_pos_body,
        grid=(_G,),
        in_specs=[
            _EWISE,
            pl.BlockSpec((D, 2 * D), lambda i: (0, 0)),
            pl.BlockSpec((1, D), lambda i: (0, 0)),
            pl.BlockSpec((1, D), lambda i: (0, 0)),
            pl.BlockSpec((D, 8), lambda i: (0, 0)),
            pl.BlockSpec((1, 8), lambda i: (0, 0)),
            pl.BlockSpec((D, 8), lambda i: (0, 0)),
            pl.BlockSpec((1, 1), lambda i: (0, 0)),
        ],
        out_specs=[_HEAD, _HEAD],
        out_shape=[_HEAD_SHAPE, _HEAD_SHAPE],
        compiler_params=pltpu.CompilerParams(
            dimension_semantics=("arbitrary",),
        ),
    )(em, wcat_t, b1r, be1r, w2t8, b2r, we2t8, be2r)


def _decode_neg(em, we1t, be1r, we2t8, be2r):
    return pl.pallas_call(
        _decode_neg_body,
        grid=(_G,),
        in_specs=[
            _EWISE,
            pl.BlockSpec((D, D), lambda i: (0, 0)),
            pl.BlockSpec((1, D), lambda i: (0, 0)),
            pl.BlockSpec((D, 8), lambda i: (0, 0)),
            pl.BlockSpec((1, 1), lambda i: (0, 0)),
        ],
        out_specs=[_HEAD],
        out_shape=[_HEAD_SHAPE],
        compiler_params=pltpu.CompilerParams(
            dimension_semantics=("arbitrary",),
        ),
    )(em, we1t, be1r, we2t8, be2r)


def kernel(x, edge_index, edge_index_neg, W1, b1, W2, b2, We1, be1, We2, be2):
    em_pos = _gather(x, edge_index)
    em_neg = _gather(x, edge_index_neg)

    wcat_t = jnp.concatenate([W1, We1], axis=0).T
    w2t8 = jnp.pad(W2, ((0, 1), (0, 0))).T
    b2r = jnp.pad(b2, (0, 1)).reshape(1, 8)
    we2t8 = jnp.pad(We2, ((0, 7), (0, 0))).T
    b1r = b1.reshape(1, D)
    be1r = be1.reshape(1, D)
    be2r = be2.reshape(1, 1)
    attr8, pos8 = _decode_pos(em_pos, wcat_t, b1r, be1r, w2t8, b2r,
                              we2t8, be2r)
    neg8, = _decode_neg(em_neg, We1.T, be1r, we2t8, be2r)
    return attr8[:, :7], pos8[:, 0], neg8[:, 0]

# --- scband reference (transcript-rebuilt; emitter-appended) ---
"""Pipeline reference for scband-vgae-206158430566 (READ-ONLY COPY).

The authoritative reference and input builder live on the scoring server;
editing this copy changes nothing except your own understanding.
"""

import jax, jax.numpy as jnp
import numpy as np

N = 10000
E = 320000
D = 128

def setup_inputs(seed: int = 0) -> dict:
    key = jax.random.key(seed)
    ks = jax.random.split(key, 12)
    x = jax.random.normal(ks[0], (N, D), dtype=jnp.float32)
    edge_index = jax.random.randint(ks[1], (2, E), 0, N, dtype=jnp.int32)
    edge_index_neg = jax.random.randint(ks[2], (2, E), 0, N, dtype=jnp.int32)
    s = 0.05
    # decoder: ReLU -> Linear(D, D) -> ReLU -> Linear(D, 7) -> Sigmoid
    W1 = jax.random.normal(ks[3], (D, D), dtype=jnp.float32) * s
    b1 = jnp.zeros((D,), dtype=jnp.float32)
    W2 = jax.random.normal(ks[4], (7, D), dtype=jnp.float32) * s
    b2 = jnp.zeros((7,), dtype=jnp.float32)
    # decoder_edge: ReLU -> Linear(D, D) -> ReLU -> Linear(D, 1)
    We1 = jax.random.normal(ks[5], (D, D), dtype=jnp.float32) * s
    be1 = jnp.zeros((D,), dtype=jnp.float32)
    We2 = jax.random.normal(ks[6], (1, D), dtype=jnp.float32) * s
    be2 = jnp.zeros((1,), dtype=jnp.float32)
    return {"x": x, "edge_index": edge_index, "edge_index_neg": edge_index_neg,
            "W1": W1, "b1": b1, "W2": W2, "b2": b2,
            "We1": We1, "be1": be1, "We2": We2, "be2": be2}

def _decoder(em, W1, b1, W2, b2):
    h = jax.nn.relu(em)
    h = h @ W1.T + b1
    h = jax.nn.relu(h)
    return jax.nn.sigmoid(h @ W2.T + b2)

def _decoder_edge(em, We1, be1, We2, be2):
    h = jax.nn.relu(em)
    h = h @ We1.T + be1
    h = jax.nn.relu(h)
    return h @ We2.T + be2

def reference(x, edge_index, edge_index_neg, W1, b1, W2, b2, We1, be1, We2, be2):
    # vgae.forward_decoder
    eleWise_mul = x[edge_index[0]] * x[edge_index[1]]
    edge_attr_pred = _decoder(eleWise_mul, W1, b1, W2, b2)
    edge_pos = jax.nn.sigmoid(_decoder_edge(eleWise_mul, We1, be1, We2, be2)).squeeze(-1)
    em_neg = x[edge_index_neg[0]] * x[edge_index_neg[1]]
    edge_neg = jax.nn.sigmoid(_decoder_edge(em_neg, We1, be1, We2, be2)).squeeze(-1)
    return (edge_attr_pred, edge_pos, edge_neg)

if __name__ == "__main__":
    import jax
    _d = setup_inputs()
    print(jax.jit(kernel)(*tuple(_d.values())))

</pallas_src>

<mosaic_0001>
#map = affine_map<(d0, d1) -> (0, 0)>
#map1 = affine_map<(d0, d1) -> (0)>
module attributes {stable_mosaic.version = 14 : i64} {
  func.func @_gather_body(%arg0: i32, %arg1: i32, %arg2: memref<10000x128xf32, #tpu.memory_space<hbm>>, %arg3: memref<640000xi32, #tpu.memory_space<hbm>>, %arg4: memref<320000x128xf32, #tpu.memory_space<hbm>>, %arg5: memref<4x2x80xi32, #tpu.memory_space<vmem>>, %arg6: memref<4x80x128xf32, #tpu.memory_space<vmem>>, %arg7: memref<4x80x128xf32, #tpu.memory_space<vmem>>, %arg8: memref<4x80x128xf32, #tpu.memory_space<vmem>>, %arg9: memref<4x!tpu.dma_semaphore, #tpu.memory_space<semaphore_mem>>, %arg10: memref<4x!tpu.dma_semaphore, #tpu.memory_space<semaphore_mem>>, %arg11: memref<4x!tpu.dma_semaphore, #tpu.memory_space<semaphore_mem>>, %arg12: memref<4x!tpu.dma_semaphore, #tpu.memory_space<semaphore_mem>>) attributes {dimension_semantics = [#tpu.dimension_semantics<core_parallel>, #tpu.dimension_semantics<subcore_parallel>], iteration_bounds = array<i64: 2, 16>, scalar_prefetch = 0 : i64, scratch_operands = 8 : i64, tpu.core_type = #tpu.core_type<sc_vector_subcore>, window_params = [{transform_indices = #map}, {transform_indices = #map1}, {transform_indices = #map}]} {
    %mul3A = arith.constant 2 : i32
    %mul3A_0 = arith.muli %arg1, %mul3A : i32
    %add3A = arith.addi %mul3A_0, %arg0 : i32
    %mul3A_1 = arith.constant 10000 : i32
    %mul3A_2 = arith.muli %add3A, %mul3A_1 : i32
    %add3A_3 = arith.constant 0 : i32
    %add3A_4 = arith.addi %mul3A_2, %add3A_3 : i32
    %dma_start3A = arith.constant 0 : i32
    %dma_start3A_5 = arith.constant 0 : i32
    %dma_start3A_6 = arith.constant 0 : i32
    %dma_start3A_7 = arith.constant 0 : i32
    %dma_start3A_8 = tpu.memref_slice %arg5[%dma_start3A, %dma_start3A_5, %dma_start3A_7] : memref<4x2x80xi32, #tpu.memory_space<vmem>> -> memref<1x1x80xi32, #tpu.memory_space<vmem>>
    %dma_start3A_9 = tpu.memref_squeeze %dma_start3A_8 : memref<1x1x80xi32, #tpu.memory_space<vmem>> -> memref<80xi32, #tpu.memory_space<vmem>>
    %dma_start3A_10 = tpu.memref_slice %arg3[%add3A_4] : memref<640000xi32, #tpu.memory_space<hbm>> -> memref<80xi32, #tpu.memory_space<hbm>>
    %dma_start3A_11 = tpu.memref_slice %arg9[%dma_start3A_6] : memref<4x!tpu.dma_semaphore, #tpu.memory_space<semaphore_mem>> -> memref<1x!tpu.dma_semaphore, #tpu.memory_space<semaphore_mem>>
    %dma_start3A_12 = tpu.memref_squeeze %dma_start3A_11 : memref<1x!tpu.dma_semaphore, #tpu.memory_space<semaphore_mem>> -> memref<!tpu.dma_semaphore, #tpu.memory_space<semaphore_mem>>
    %dma_start3A_13 = arith.constant 0 : i32
    %dma_start3A_14 = tpu.memref_slice %arg5[%dma_start3A, %dma_start3A_5, %dma_start3A_13] : memref<4x2x80xi32, #tpu.memory_space<vmem>> -> memref<1x1x80xi32, #tpu.memory_space<vmem>>
    %dma_start3A_15 = tpu.memref_squeeze %dma_start3A_14 : memref<1x1x80xi32, #tpu.memory_space<vmem>> -> memref<80xi32, #tpu.memory_space<vmem>>
    %dma_start3A_16 = tpu.memref_slice %arg3[%add3A_4] : memref<640000xi32, #tpu.memory_space<hbm>> -> memref<80xi32, #tpu.memory_space<hbm>>
    tpu.enqueue_dma source(%dma_start3A_16 : memref<80xi32, #tpu.memory_space<hbm>>) target(%dma_start3A_15 : memref<80xi32, #tpu.memory_space<vmem>>) target_semaphore(%dma_start3A_12 : memref<!tpu.dma_semaphore, #tpu.memory_space<semaphore_mem>>)
    %add3A_17 = arith.constant 320000 : i32
    %add3A_18 = arith.addi %add3A_17, %add3A_4 : i32
    %dma_start3A_19 = arith.constant 0 : i32
    %dma_start3A_20 = arith.constant 1 : i32
    %dma_start3A_21 = arith.constant 0 : i32
    %dma_start3A_22 = arith.constant 0 : i32
    %dma_start3A_23 = tpu.memref_slice %arg5[%dma_start3A_19, %dma_start3A_20, %dma_start3A_22] : memref<4x2x80xi32, #tpu.memory_space<vmem>> -> memref<1x1x80xi32, #tpu.memory_space<vmem>>
    %dma_start3A_24 = tpu.memref_squeeze %dma_start3A_23 : memref<1x1x80xi32, #tpu.memory_space<vmem>> -> memref<80xi32, #tpu.memory_space<vmem>>
    %dma_start3A_25 = tpu.memref_slice %arg3[%add3A_18] : memref<640000xi32, #tpu.memory_space<hbm>> -> memref<80xi32, #tpu.memory_space<hbm>>
    %dma_start3A_26 = tpu.memref_slice %arg9[%dma_start3A_21] : memref<4x!tpu.dma_semaphore, #tpu.memory_space<semaphore_mem>> -> memref<1x!tpu.dma_semaphore, #tpu.memory_space<semaphore_mem>>
    %dma_start3A_27 = tpu.memref_squeeze %dma_start3A_26 : memref<1x!tpu.dma_semaphore, #tpu.memory_space<semaphore_mem>> -> memref<!tpu.dma_semaphore, #tpu.memory_space<semaphore_mem>>
    %dma_start3A_28 = arith.constant 0 : i32
    %dma_start3A_29 = tpu.memref_slice %arg5[%dma_start3A_19, %dma_start3A_20, %dma_start3A_28] : memref<4x2x80xi32, #tpu.memory_space<vmem>> -> memref<1x1x80xi32, #tpu.memory_space<vmem>>
    %dma_start3A_30 = tpu.memref_squeeze %dma_start3A_29 : memref<1x1x80xi32, #tpu.memory_space<vmem>> -> memref<80xi32, #tpu.memory_space<vmem>>
    %dma_start3A_31 = tpu.memref_slice %arg3[%add3A_18] : memref<640000xi32, #tpu.memory_space<hbm>> -> memref<80xi32, #tpu.memory_space<hbm>>
    tpu.enqueue_dma source(%dma_start3A_31 : memref<80xi32, #tpu.memory_space<hbm>>) target(%dma_start3A_30 : memref<80xi32, #tpu.memory_space<vmem>>) target_semaphore(%dma_start3A_27 : memref<!tpu.dma_semaphore, #tpu.memory_space<semaphore_mem>>)
    %add3A_32 = arith.constant 80 : i32
    %add3A_33 = arith.addi %mul3A_2, %add3A_32 : i32
    %dma_start3A_34 = arith.constant 1 : i32
    %dma_start3A_35 = arith.constant 0 : i32
    %dma_start3A_36 = arith.constant 1 : i32
    %dma_start3A_37 = arith.constant 0 : i32
    %dma_start3A_38 = tpu.memref_slice %arg5[%dma_start3A_34, %dma_start3A_35, %dma_start3A_37] : memref<4x2x80xi32, #tpu.memory_space<vmem>> -> memref<1x1x80xi32, #tpu.memory_space<vmem>>
    %dma_start3A_39 = tpu.memref_squeeze %dma_start3A_38 : memref<1x1x80xi32, #tpu.memory_space<vmem>> -> memref<80xi32, #tpu.memory_space<vmem>>
    %dma_start3A_40 = tpu.memref_slice %arg3[%add3A_33] : memref<640000xi32, #tpu.memory_space<hbm>> -> memref<80xi32, #tpu.memory_space<hbm>>
    %dma_start3A_41 = tpu.memref_slice %arg9[%dma_start3A_36] : memref<4x!tpu.dma_semaphore, #tpu.memory_space<semaphore_mem>> -> memref<1x!tpu.dma_semaphore, #tpu.memory_space<semaphore_mem>>
    %dma_start3A_42 = tpu.memref_squeeze %dma_start3A_41 : memref<1x!tpu.dma_semaphore, #tpu.memory_space<semaphore_mem>> -> memref<!tpu.dma_semaphore, #tpu.memory_space<semaphore_mem>>
    %dma_start3A_43 = arith.constant 0 : i32
    %dma_start3A_44 = tpu.memref_slice %arg5[%dma_start3A_34, %dma_start3A_35, %dma_start3A_43] : memref<4x2x80xi32, #tpu.memory_space<vmem>> -> memref<1x1x80xi32, #tpu.memory_space<vmem>>
    %dma_start3A_45 = tpu.memref_squeeze %dma_start3A_44 : memref<1x1x80xi32, #tpu.memory_space<vmem>> -> memref<80xi32, #tpu.memory_space<vmem>>
    %dma_start3A_46 = tpu.memref_slice %arg3[%add3A_33] : memref<640000xi32, #tpu.memory_space<hbm>> -> memref<80xi32, #tpu.memory_space<hbm>>
    tpu.enqueue_dma source(%dma_start3A_46 : memref<80xi32, #tpu.memory_space<hbm>>) target(%dma_start3A_45 : memref<80xi32, #tpu.memory_space<vmem>>) target_semaphore(%dma_start3A_42 : memref<!tpu.dma_semaphore, #tpu.memory_space<semaphore_mem>>)
    %add3A_47 = arith.constant 320000 : i32
    %add3A_48 = arith.addi %add3A_47, %add3A_33 : i32
    %dma_start3A_49 = arith.constant 1 : i32
    %dma_start3A_50 = arith.constant 1 : i32
    %dma_start3A_51 = arith.constant 1 : i32
    %dma_start3A_52 = arith.constant 0 : i32
    %dma_start3A_53 = tpu.memref_slice %arg5[%dma_start3A_49, %dma_start3A_50, %dma_start3A_52] : memref<4x2x80xi32, #tpu.memory_space<vmem>> -> memref<1x1x80xi32, #tpu.memory_space<vmem>>
    %dma_start3A_54 = tpu.memref_squeeze %dma_start3A_53 : memref<1x1x80xi32, #tpu.memory_space<vmem>> -> memref<80xi32, #tpu.memory_space<vmem>>
    %dma_start3A_55 = tpu.memref_slice %arg3[%add3A_48] : memref<640000xi32, #tpu.memory_space<hbm>> -> memref<80xi32, #tpu.memory_space<hbm>>
    %dma_start3A_56 = tpu.memref_slice %arg9[%dma_start3A_51] : memref<4x!tpu.dma_semaphore, #tpu.memory_space<semaphore_mem>> -> memref<1x!tpu.dma_semaphore, #tpu.memory_space<semaphore_mem>>
    %dma_start3A_57 = tpu.memref_squeeze %dma_start3A_56 : memref<1x!tpu.dma_semaphore, #tpu.memory_space<semaphore_mem>> -> memref<!tpu.dma_semaphore, #tpu.memory_space<semaphore_mem>>
    %dma_start3A_58 = arith.constant 0 : i32
    %dma_start3A_59 = tpu.memref_slice %arg5[%dma_start3A_49, %dma_start3A_50, %dma_start3A_58] : memref<4x2x80xi32, #tpu.memory_space<vmem>> -> memref<1x1x80xi32, #tpu.memory_space<vmem>>
    %dma_start3A_60 = tpu.memref_squeeze %dma_start3A_59 : memref<1x1x80xi32, #tpu.memory_space<vmem>> -> memref<80xi32, #tpu.memory_space<vmem>>
    %dma_start3A_61 = tpu.memref_slice %arg3[%add3A_48] : memref<640000xi32, #tpu.memory_space<hbm>> -> memref<80xi32, #tpu.memory_space<hbm>>
    tpu.enqueue_dma source(%dma_start3A_61 : memref<80xi32, #tpu.memory_space<hbm>>) target(%dma_start3A_60 : memref<80xi32, #tpu.memory_space<vmem>>) target_semaphore(%dma_start3A_57 : memref<!tpu.dma_semaphore, #tpu.memory_space<semaphore_mem>>)
    %add3A_62 = arith.constant 160 : i32
    %add3A_63 = arith.addi %mul3A_2, %add3A_62 : i32
    %dma_start3A_64 = arith.constant 2 : i32
    %dma_start3A_65 = arith.constant 0 : i32
    %dma_start3A_66 = arith.constant 2 : i32
    %dma_start3A_67 = arith.constant 0 : i32
    %dma_start3A_68 = tpu.memref_slice %arg5[%dma_start3A_64, %dma_start3A_65, %dma_start3A_67] : memref<4x2x80xi32, #tpu.memory_space<vmem>> -> memref<1x1x80xi32, #tpu.memory_space<vmem>>
    %dma_start3A_69 = tpu.memref_squeeze %dma_start3A_68 : memref<1x1x80xi32, #tpu.memory_space<vmem>> -> memref<80xi32, #tpu.memory_space<vmem>>
    %dma_start3A_70 = tpu.memref_slice %arg3[%add3A_63] : memref<640000xi32, #tpu.memory_space<hbm>> -> memref<80xi32, #tpu.memory_space<hbm>>
    %dma_start3A_71 = tpu.memref_slice %arg9[%dma_start3A_66] : memref<4x!tpu.dma_semaphore, #tpu.memory_space<semaphore_mem>> -> memref<1x!tpu.dma_semaphore, #tpu.memory_space<semaphore_mem>>
    %dma_start3A_72 = tpu.memref_squeeze %dma_start3A_71 : memref<1x!tpu.dma_semaphore, #tpu.memory_space<semaphore_mem>> -> memref<!tpu.dma_semaphore, #tpu.memory_space<semaphore_mem>>
    %dma_start3A_73 = arith.constant 0 : i32
    %dma_start3A_74 = tpu.memref_slice %arg5[%dma_start3A_64, %dma_start3A_65, %dma_start3A_73] : memref<4x2x80xi32, #tpu.memory_space<vmem>> -> memref<1x1x80xi32, #tpu.memory_space<vmem>>
    %dma_start3A_75 = tpu.memref_squeeze %dma_start3A_74 : memref<1x1x80xi32, #tpu.memory_space<vmem>> -> memref<80xi32, #tpu.memory_space<vmem>>
    %dma_start3A_76 = tpu.memref_slice %arg3[%add3A_63] : memref<640000xi32, #tpu.memory_space<hbm>> -> memref<80xi32, #tpu.memory_space<hbm>>
    tpu.enqueue_dma source(%dma_start3A_76 : memref<80xi32, #tpu.memory_space<hbm>>) target(%dma_start3A_75 : memref<80xi32, #tpu.memory_space<vmem>>) target_semaphore(%dma_start3A_72 : memref<!tpu.dma_semaphore, #tpu.memory_space<semaphore_mem>>)
    %add3A_77 = arith.constant 320000 : i32
    %add3A_78 = arith.addi %add3A_77, %add3A_63 : i32
    %dma_start3A_79 = arith.constant 2 : i32
    %dma_start3A_80 = arith.constant 1 : i32
    %dma_start3A_81 = arith.constant 2 : i32
    %dma_start3A_82 = arith.constant 0 : i32
    %dma_start3A_83 = tpu.memref_slice %arg5[%dma_start3A_79, %dma_start3A_80, %dma_start3A_82] : memref<4x2x80xi32, #tpu.memory_space<vmem>> -> memref<1x1x80xi32, #tpu.memory_space<vmem>>
    %dma_start3A_84 = tpu.memref_squeeze %dma_start3A_83 : memref<1x1x80xi32, #tpu.memory_space<vmem>> -> memref<80xi32, #tpu.memory_space<vmem>>
    %dma_start3A_85 = tpu.memref_slice %arg3[%add3A_78] : memref<640000xi32, #tpu.memory_space<hbm>> -> memref<80xi32, #tpu.memory_space<hbm>>
    %dma_start3A_86 = tpu.memref_slice %arg9[%dma_start3A_81] : memref<4x!tpu.dma_semaphore, #tpu.memory_space<semaphore_mem>> -> memref<1x!tpu.dma_semaphore, #tpu.memory_space<semaphore_mem>>
    %dma_start3A_87 = tpu.memref_squeeze %dma_start3A_86 : memref<1x!tpu.dma_semaphore, #tpu.memory_space<semaphore_mem>> -> memref<!tpu.dma_semaphore, #tpu.memory_space<semaphore_mem>>
    %dma_start3A_88 = arith.constant 0 : i32
    %dma_start3A_89 = tpu.memref_slice %arg5[%dma_start3A_79, %dma_start3A_80, %dma_start3A_88] : memref<4x2x80xi32, #tpu.memory_space<vmem>> -> memref<1x1x80xi32, #tpu.memory_space<vmem>>
    %dma_start3A_90 = tpu.memref_squeeze %dma_start3A_89 : memref<1x1x80xi32, #tpu.memory_space<vmem>> -> memref<80xi32, #tpu.memory_space<vmem>>
    %dma_start3A_91 = tpu.memref_slice %arg3[%add3A_78] : memref<640000xi32, #tpu.memory_space<hbm>> -> memref<80xi32, #tpu.memory_space<hbm>>
    tpu.enqueue_dma source(%dma_start3A_91 : memref<80xi32, #tpu.memory_space<hbm>>) target(%dma_start3A_90 : memref<80xi32, #tpu.memory_space<vmem>>) target_semaphore(%dma_start3A_87 : memref<!tpu.dma_semaphore, #tpu.memory_space<semaphore_mem>>)
    %add3A_92 = arith.constant 0 : i32
    %add3A_93 = arith.addi %mul3A_2, %add3A_92 : i32
    %dma_wait3A = arith.constant 0 : i32
    %dma_wait3A_94 = arith.constant 0 : i32
    %dma_wait3A_95 = arith.constant 0 : i32
    %dma_wait3A_96 = arith.constant 0 : i32
    %dma_wait3A_97 = tpu.memref_slice %arg5[%dma_wait3A, %dma_wait3A_94, %dma_wait3A_96] : memref<4x2x80xi32, #tpu.memory_space<vmem>> -> memref<1x1x80xi32, #tpu.memory_space<vmem>>
    %dma_wait3A_98 = tpu.memref_squeeze %dma_wait3A_97 : memref<1x1x80xi32, #tpu.memory_space<vmem>> -> memref<80xi32, #tpu.memory_space<vmem>>
    %dma_wait3A_99 = tpu.memref_slice %arg3[%add3A_93] : memref<640000xi32, #tpu.memory_space<hbm>> -> memref<80xi32, #tpu.memory_space<hbm>>
    %dma_wait3A_100 = tpu.memref_slice %arg9[%dma_wait3A_95] : memref<4x!tpu.dma_semaphore, #tpu.memory_space<semaphore_mem>> -> memref<1x!tpu.dma_semaphore, #tpu.memory_space<semaphore_mem>>
    %dma_wait3A_101 = tpu.memref_squeeze %dma_wait3A_100 : memref<1x!tpu.dma_semaphore, #tpu.memory_space<semaphore_mem>> -> memref<!tpu.dma_semaphore, #tpu.memory_space<semaphore_mem>>
    %dma_wait3A_102 = arith.constant 0 : i32
    %dma_wait3A_103 = tpu.memref_slice %arg5[%dma_wait3A, %dma_wait3A_94, %dma_wait3A_102] : memref<4x2x80xi32, #tpu.memory_space<vmem>> -> memref<1x1x80xi32, #tpu.memory_space<vmem>>
    %dma_wait3A_104 = tpu.memref_squeeze %dma_wait3A_103 : memref<1x1x80xi32, #tpu.memory_space<vmem>> -> memref<80xi32, #tpu.memory_space<vmem>>
    %dma_wait3A_105 = tpu.memref_slice %arg3[%add3A_93] : memref<640000xi32, #tpu.memory_space<hbm>> -> memref<80xi32, #tpu.memory_space<hbm>>
    tpu.wait_dma2 semaphore(%dma_wait3A_101 : memref<!tpu.dma_semaphore, #tpu.memory_space<semaphore_mem>>) src(%dma_wait3A_105 : memref<80xi32, #tpu.memory_space<hbm>>) dst(%dma_wait3A_104 : memref<80xi32, #tpu.memory_space<vmem>>)
    %add3A_106 = arith.constant 320000 : i32
    %add3A_107 = arith.addi %add3A_106, %add3A_93 : i32
    %dma_wait3A_108 = arith.constant 0 : i32
    %dma_wait3A_109 = arith.constant 1 : i32
    %dma_wait3A_110 = arith.constant 0 : i32
    %dma_wait3A_111 = arith.constant 0 : i32
    %dma_wait3A_112 = tpu.memref_slice %arg5[%dma_wait3A_108, %dma_wait3A_109, %dma_wait3A_111] : memref<4x2x80xi32, #tpu.memory_space<vmem>> -> memref<1x1x80xi32, #tpu.memory_space<vmem>>
    %dma_wait3A_113 = tpu.memref_squeeze %dma_wait3A_112 : memref<1x1x80xi32, #tpu.memory_space<vmem>> -> memref<80xi32, #tpu.memory_space<vmem>>
    %dma_wait3A_114 = tpu.memref_slice %arg3[%add3A_107] : memref<640000xi32, #tpu.memory_space<hbm>> -> memref<80xi32, #tpu.memory_space<hbm>>
    %dma_wait3A_115 = tpu.memref_slice %arg9[%dma_wait3A_110] : memref<4x!tpu.dma_semaphore, #tpu.memory_space<semaphore_mem>> -> memref<1x!tpu.dma_semaphore, #tpu.memory_space<semaphore_mem>>
    %dma_wait3A_116 = tpu.memref_squeeze %dma_wait3A_115 : memref<1x!tpu.dma_semaphore, #tpu.memory_space<semaphore_mem>> -> memref<!tpu.dma_semaphore, #tpu.memory_space<semaphore_mem>>
    %dma_wait3A_117 = arith.constant 0 : i32
    %dma_wait3A_118 = tpu.memref_slice %arg5[%dma_wait3A_108, %dma_wait3A_109, %dma_wait3A_117] : memref<4x2x80xi32, #tpu.memory_space<vmem>> -> memref<1x1x80xi32, #tpu.memory_space<vmem>>
    %dma_wait3A_119 = tpu.memref_squeeze %dma_wait3A_118 : memref<1x1x80xi32, #tpu.memory_space<vmem>> -> memref<80xi32, #tpu.memory_space<vmem>>
    %dma_wait3A_120 = tpu.memref_slice %arg3[%add3A_107] : memref<640000xi32, #tpu.memory_space<hbm>> -> memref<80xi32, #tpu.memory_space<hbm>>
    tpu.wait_dma2 semaphore(%dma_wait3A_116 : memref<!tpu.dma_semaphore, #tpu.memory_space<semaphore_mem>>) src(%dma_wait3A_120 : memref<80xi32, #tpu.memory_space<hbm>>) dst(%dma_wait3A_119 : memref<80xi32, #tpu.memory_space<vmem>>)
    %dma_start3A_121 = arith.constant 0 : i32
    %dma_start3A_122 = arith.constant 0 : i32
    %dma_start3A_123 = arith.constant 0 : i32
    %dma_start3A_124 = arith.constant 0 : i32
    %dma_start3A_125 = arith.constant 0 : i32
    %dma_start3A_126 = arith.constant 0 : i32
    %dma_start3A_127 = tpu.memref_slice %arg6[%dma_start3A_123, %dma_start3A_125, %dma_start3A_126] : memref<4x80x128xf32, #tpu.memory_space<vmem>> -> memref<1x80x128xf32, #tpu.memory_space<vmem>>
    %dma_start3A_128 = tpu.memref_squeeze %dma_start3A_127 : memref<1x80x128xf32, #tpu.memory_space<vmem>> -> memref<80x128xf32, #tpu.memory_space<vmem>>
    %dma_start3A_129 = arith.constant 0 : i32
    %dma_start3A_130 = tpu.memref_slice %arg5[%dma_start3A_121, %dma_start3A_122, %dma_start3A_129] : memref<4x2x80xi32, #tpu.memory_space<vmem>> -> memref<1x1x80xi32, #tpu.memory_space<vmem>>
    %dma_start3A_131 = tpu.memref_squeeze %dma_start3A_130 : memref<1x1x80xi32, #tpu.memory_space<vmem>> -> memref<80xi32, #tpu.memory_space<vmem>>
    %dma_start3A_132 = arith.constant 0 : i32
    %dma_start3A_133 = arith.constant 0 : i32
    %dma_start3A_134 = tpu.memref_slice %arg2[%dma_start3A_132, %dma_start3A_133] : memref<10000x128xf32, #tpu.memory_space<hbm>> -> memref<10000x128xf32, #tpu.memory_space<hbm>>
    %dma_start3A_135 = tpu.memref_slice %arg10[%dma_start3A_124] : memref<4x!tpu.dma_semaphore, #tpu.memory_space<semaphore_mem>> -> memref<1x!tpu.dma_semaphore, #tpu.memory_space<semaphore_mem>>
    %dma_start3A_136 = tpu.memref_squeeze %dma_start3A_135 : memref<1x!tpu.dma_semaphore, #tpu.memory_space<semaphore_mem>> -> memref<!tpu.dma_semaphore, #tpu.memory_space<semaphore_mem>>
    tpu.enqueue_indirect_dma source(%dma_start3A_134 : memref<10000x128xf32, #tpu.memory_space<hbm>>) target(%dma_start3A_128 : memref<80x128xf32, #tpu.memory_space<vmem>>) offsets(%dma_start3A_131 : memref<80xi32, #tpu.memory_space<vmem>>) semaphore(%dma_start3A_136 : memref<!tpu.dma_semaphore, #tpu.memory_space<semaphore_mem>>)
    %dma_start3A_137 = arith.constant 0 : i32
    %dma_start3A_138 = arith.constant 1 : i32
    %dma_start3A_139 = arith.constant 0 : i32
    %dma_start3A_140 = arith.constant 0 : i32
    %dma_start3A_141 = arith.constant 0 : i32
    %dma_start3A_142 = arith.constant 0 : i32
    %dma_start3A_143 = tpu.memref_slice %arg7[%dma_start3A_139, %dma_start3A_141, %dma_start3A_142] : memref<4x80x128xf32, #tpu.memory_space<vmem>> -> memref<1x80x128xf32, #tpu.memory_space<vmem>>
    %dma_start3A_144 = tpu.memref_squeeze %dma_start3A_143 : memref<1x80x128xf32, #tpu.memory_space<vmem>> -> memref<80x128xf32, #tpu.memory_space<vmem>>
    %dma_start3A_145 = arith.constant 0 : i32
    %dma_start3A_146 = tpu.memref_slice %arg5[%dma_start3A_137, %dma_start3A_138, %dma_start3A_145] : memref<4x2x80xi32, #tpu.memory_space<vmem>> -> memref<1x1x80xi32, #tpu.memory_space<vmem>>
    %dma_start3A_147 = tpu.memref_squeeze %dma_start3A_146 : memref<1x1x80xi32, #tpu.memory_space<vmem>> -> memref<80xi32, #tpu.memory_space<vmem>>
    %dma_start3A_148 = arith.constant 0 : i32
    %dma_start3A_149 = arith.constant 0 : i32
    %dma_start3A_150 = tpu.memref_slice %arg2[%dma_start3A_148, %dma_start3A_149] : memref<10000x128xf32, #tpu.memory_space<hbm>> -> memref<10000x128xf32, #tpu.memory_space<hbm>>
    %dma_start3A_151 = tpu.memref_slice %arg11[%dma_start3A_140] : memref<4x!tpu.dma_semaphore, #tpu.memory_space<semaphore_mem>> -> memref<1x!tpu.dma_semaphore, #tpu.memory_space<semaphore_mem>>
    %dma_start3A_152 = tpu.memref_squeeze %dma_start3A_151 : memref<1x!tpu.dma_semaphore, #tpu.memory_space<semaphore_mem>> -> memref<!tpu.dma_semaphore, #tpu.memory_space<semaphore_mem>>
    tpu.enqueue_indirect_dma source(%dma_start3A_150 : memref<10000x128xf32, #tpu.memory_space<hbm>>) target(%dma_start3A_144 : memref<80x128xf32, #tpu.memory_space<vmem>>) offsets(%dma_start3A_147 : memref<80xi32, #tpu.memory_space<vmem>>) semaphore(%dma_start3A_152 : memref<!tpu.dma_semaphore, #tpu.memory_space<semaphore_mem>>)
    %add3A_153 = arith.constant 80 : i32
    %add3A_154 = arith.addi %mul3A_2, %add3A_153 : i32
    %dma_wait3A_155 = arith.constant 1 : i32
    %dma_wait3A_156 = arith.constant 0 : i32
    %dma_wait3A_157 = arith.constant 1 : i32
    %dma_wait3A_158 = arith.constant 0 : i32
    %dma_wait3A_159 = tpu.memref_slice %arg5[%dma_wait3A_155, %dma_wait3A_156, %dma_wait3A_158] : memref<4x2x80xi32, #tpu.memory_space<vmem>> -> memref<1x1x80xi32, #tpu.memory_space<vmem>>
    %dma_wait3A_160 = tpu.memref_squeeze %dma_wait3A_159 : memref<1x1x80xi32, #tpu.memory_space<vmem>> -> memref<80xi32, #tpu.memory_space<vmem>>
    %dma_wait3A_161 = tpu.memref_slice %arg3[%add3A_154] : memref<640000xi32, #tpu.memory_space<hbm>> -> memref<80xi32, #tpu.memory_space<hbm>>
    %dma_wait3A_162 = tpu.memref_slice %arg9[%dma_wait3A_157] : memref<4x!tpu.dma_semaphore, #tpu.memory_space<semaphore_mem>> -> memref<1x!tpu.dma_semaphore, #tpu.memory_space<semaphore_mem>>
    %dma_wait3A_163 = tpu.memref_squeeze %dma_wait3A_162 : memref<1x!tpu.dma_semaphore, #tpu.memory_space<semaphore_mem>> -> memref<!tpu.dma_semaphore, #tpu.memory_space<semaphore_mem>>
    %dma_wait3A_164 = arith.constant 0 : i32
    %dma_wait3A_165 = tpu.memref_slice %arg5[%dma_wait3A_155, %dma_wait3A_156, %dma_wait3A_164] : memref<4x2x80xi32, #tpu.memory_space<vmem>> -> memref<1x1x80xi32, #tpu.memory_space<vmem>>
    %dma_wait3A_166 = tpu.memref_squeeze %dma_wait3A_165 : memref<1x1x80xi32, #tpu.memory_space<vmem>> -> memref<80xi32, #tpu.memory_space<vmem>>
    %dma_wait3A_167 = tpu.memref_slice %arg3[%add3A_154] : memref<640000xi32, #tpu.memory_space<hbm>> -> memref<80xi32, #tpu.memory_space<hbm>>
    tpu.wait_dma2 semaphore(%dma_wait3A_163 : memref<!tpu.dma_semaphore, #tpu.memory_space<semaphore_mem>>) src(%dma_wait3A_167 : memref<80xi32, #tpu.memory_space<hbm>>) dst(%dma_wait3A_166 : memref<80xi32, #tpu.memory_space<vmem>>)
    %add3A_168 = arith.constant 320000 : i32
    %add3A_169 = arith.addi %add3A_168, %add3A_154 : i32
    %dma_wait3A_170 = arith.constant 1 : i32
    %dma_wait3A_171 = arith.constant 1 : i32
    %dma_wait3A_172 = arith.constant 1 : i32
    %dma_wait3A_173 = arith.constant 0 : i32
    %dma_wait3A_174 = tpu.memref_slice %arg5[%dma_wait3A_170, %dma_wait3A_171, %dma_wait3A_173] : memref<4x2x80xi32, #tpu.memory_space<vmem>> -> memref<1x1x80xi32, #tpu.memory_space<vmem>>
    %dma_wait3A_175 = tpu.memref_squeeze %dma_wait3A_174 : memref<1x1x80xi32, #tpu.memory_space<vmem>> -> memref<80xi32, #tpu.memory_space<vmem>>
    %dma_wait3A_176 = tpu.memref_slice %arg3[%add3A_169] : memref<640000xi32, #tpu.memory_space<hbm>> -> memref<80xi32, #tpu.memory_space<hbm>>
    %dma_wait3A_177 = tpu.memref_slice %arg9[%dma_wait3A_172] : memref<4x!tpu.dma_semaphore, #tpu.memory_space<semaphore_mem>> -> memref<1x!tpu.dma_semaphore, #tpu.memory_space<semaphore_mem>>
    %dma_wait3A_178 = tpu.memref_squeeze %dma_wait3A_177 : memref<1x!tpu.dma_semaphore, #tpu.memory_space<semaphore_mem>> -> memref<!tpu.dma_semaphore, #tpu.memory_space<semaphore_mem>>
    %dma_wait3A_179 = arith.constant 0 : i32
    %dma_wait3A_180 = tpu.memref_slice %arg5[%dma_wait3A_170, %dma_wait3A_171, %dma_wait3A_179] : memref<4x2x80xi32, #tpu.memory_space<vmem>> -> memref<1x1x80xi32, #tpu.memory_space<vmem>>
    %dma_wait3A_181 = tpu.memref_squeeze %dma_wait3A_180 : memref<1x1x80xi32, #tpu.memory_space<vmem>> -> memref<80xi32, #tpu.memory_space<vmem>>
    %dma_wait3A_182 = tpu.memref_slice %arg3[%add3A_169] : memref<640000xi32, #tpu.memory_space<hbm>> -> memref<80xi32, #tpu.memory_space<hbm>>
    tpu.wait_dma2 semaphore(%dma_wait3A_178 : memref<!tpu.dma_semaphore, #tpu.memory_space<semaphore_mem>>) src(%dma_wait3A_182 : memref<80xi32, #tpu.memory_space<hbm>>) dst(%dma_wait3A_181 : memref<80xi32, #tpu.memory_space<vmem>>)
    %dma_start3A_183 = arith.constant 1 : i32
    %dma_start3A_184 = arith.constant 0 : i32
    %dma_start3A_185 = arith.constant 1 : i32
    %dma_start3A_186 = arith.constant 1 : i32
    %dma_start3A_187 = arith.constant 0 : i32
    %dma_start3A_188 = arith.constant 0 : i32
    %dma_start3A_189 = tpu.memref_slice %arg6[%dma_start3A_185, %dma_start3A_187, %dma_start3A_188] : memref<4x80x128xf32, #tpu.memory_space<vmem>> -> memref<1x80x128xf32, #tpu.memory_space<vmem>>
    %dma_start3A_190 = tpu.memref_squeeze %dma_start3A_189 : memref<1x80x128xf32, #tpu.memory_space<vmem>> -> memref<80x128xf32, #tpu.memory_space<vmem>>
    %dma_start3A_191 = arith.constant 0 : i32
    %dma_start3A_192 = tpu.memref_slice %arg5[%dma_start3A_183, %dma_start3A_184, %dma_start3A_191] : memref<4x2x80xi32, #tpu.memory_space<vmem>> -> memref<1x1x80xi32, #tpu.memory_space<vmem>>
    %dma_start3A_193 = tpu.memref_squeeze %dma_start3A_192 : memref<1x1x80xi32, #tpu.memory_space<vmem>> -> memref<80xi32, #tpu.memory_space<vmem>>
    %dma_start3A_194 = arith.constant 0 : i32
    %dma_start3A_195 = arith.constant 0 : i32
    %dma_start3A_196 = tpu.memref_slice %arg2[%dma_start3A_194, %dma_start3A_195] : memref<10000x128xf32, #tpu.memory_space<hbm>> -> memref<10000x128xf32, #tpu.memory_space<hbm>>
    %dma_start3A_197 = tpu.memref_slice %arg10[%dma_start3A_186] : memref<4x!tpu.dma_semaphore, #tpu.memory_space<semaphore_mem>> -> memref<1x!tpu.dma_semaphore, #tpu.memory_space<semaphore_mem>>
    %dma_start3A_198 = tpu.memref_squeeze %dma_start3A_197 : memref<1x!tpu.dma_semaphore, #tpu.memory_space<semaphore_mem>> -> memref<!tpu.dma_semaphore, #tpu.memory_space<semaphore_mem>>
    tpu.enqueue_indirect_dma source(%dma_start3A_196 : memref<10000x128xf32, #tpu.memory_space<hbm>>) target(%dma_start3A_190 : memref<80x128xf32, #tpu.memory_space<vmem>>) offsets(%dma_start3A_193 : memref<80xi32, #tpu.memory_space<vmem>>) semaphore(%dma_start3A_198 : memref<!tpu.dma_semaphore, #tpu.memory_space<semaphore_mem>>)
    %dma_start3A_199 = arith.constant 1 : i32
    %dma_start3A_200 = arith.constant 1 : i32
    %dma_start3A_201 = arith.constant 1 : i32
    %dma_start3A_202 = arith.constant 1 : i32
    %dma_start3A_203 = arith.constant 0 : i32
    %dma_start3A_204 = arith.constant 0 : i32
    %dma_start3A_205 = tpu.memref_slice %arg7[%dma_start3A_201, %dma_start3A_203, %dma_start3A_204] : memref<4x80x128xf32, #tpu.memory_space<vmem>> -> memref<1x80x128xf32, #tpu.memory_space<vmem>>
    %dma_start3A_206 = tpu.memref_squeeze %dma_start3A_205 : memref<1x80x128xf32, #tpu.memory_space<vmem>> -> memref<80x128xf32, #tpu.memory_space<vmem>>
    %dma_start3A_207 = arith.constant 0 : i32
    %dma_start3A_208 = tpu.memref_slice %arg5[%dma_start3A_199, %dma_start3A_200, %dma_start3A_207] : memref<4x2x80xi32, #tpu.memory_space<vmem>> -> memref<1x1x80xi32, #tpu.memory_space<vmem>>
    %dma_start3A_209 = tpu.memref_squeeze %dma_start3A_208 : memref<1x1x80xi32, #tpu.memory_space<vmem>> -> memref<80xi32, #tpu.memory_space<vmem>>
    %dma_start3A_210 = arith.constant 0 : i32
    %dma_start3A_211 = arith.constant 0 : i32
    %dma_start3A_212 = tpu.memref_slice %arg2[%dma_start3A_210, %dma_start3A_211] : memref<10000x128xf32, #tpu.memory_space<hbm>> -> memref<10000x128xf32, #tpu.memory_space<hbm>>
    %dma_start3A_213 = tpu.memref_slice %arg11[%dma_start3A_202] : memref<4x!tpu.dma_semaphore, #tpu.memory_space<semaphore_mem>> -> memref<1x!tpu.dma_semaphore, #tpu.memory_space<semaphore_mem>>
    %dma_start3A_214 = tpu.memref_squeeze %dma_start3A_213 : memref<1x!tpu.dma_semaphore, #tpu.memory_space<semaphore_mem>> -> memref<!tpu.dma_semaphore, #tpu.memory_space<semaphore_mem>>
    tpu.enqueue_indirect_dma source(%dma_start3A_212 : memref<10000x128xf32, #tpu.memory_space<hbm>>) target(%dma_start3A_206 : memref<80x128xf32, #tpu.memory_space<vmem>>) offsets(%dma_start3A_209 : memref<80xi32, #tpu.memory_space<vmem>>) semaphore(%dma_start3A_214 : memref<!tpu.dma_semaphore, #tpu.memory_space<semaphore_mem>>)
    %scan3A = arith.constant 0 : i32
    %scan3A_215 = arith.constant 0 : i32
    %scan3A_216 = arith.constant 125 : i32
    %scan3A_217 = arith.addi %scan3A_215, %scan3A_216 : i32
    %scan3A_218 = arith.constant 1 : i32
    scf.for %scan3A_292 = %scan3A_215 to %scan3A_217 step %scan3A_218  : i32 {
      %rem3A = arith.constant 4 : i32
      %rem3A_293 = arith.remsi %scan3A_292, %rem3A : i32
      %add3A_294 = arith.constant 2 : i32
      %add3A_295 = arith.addi %scan3A_292, %add3A_294 : i32
      %rem3A_296 = arith.constant 4 : i32
      %rem3A_297 = arith.remsi %add3A_295, %rem3A_296 : i32
      %add3A_298 = arith.constant 3 : i32
      %add3A_299 = arith.addi %scan3A_292, %add3A_298 : i32
      %rem3A_300 = arith.constant 4 : i32
      %rem3A_301 = arith.remsi %add3A_299, %rem3A_300 : i32
      %add3A_302 = arith.constant 3 : i32
      %add3A_303 = arith.addi %scan3A_292, %add3A_302 : i32
      %lt3A = arith.constant 125 : i32
      %lt3A_304 = arith.cmpi slt, %add3A_303, %lt3A : i32
      %convert_element_type3A = arith.extui %lt3A_304 : i1 to i32
      %cond3A = arith.constant 0 : i32
      %cond3A_305 = arith.cmpi ne, %convert_element_type3A, %cond3A : i32
      scf.if %cond3A_305 {
        %add3A_358 = arith.constant 3 : i32
        %add3A_359 = arith.addi %scan3A_292, %add3A_358 : i32
        %mul3A_360 = arith.constant 80 : i32
        %mul3A_361 = arith.muli %add3A_359, %mul3A_360 : i32
        %add3A_362 = arith.addi %mul3A_2, %mul3A_361 : i32
        %dma_start3A_363 = arith.constant 0 : i32
        %dma_start3A_364 = arith.constant 0 : i32
        %dma_start3A_365 = tpu.memref_slice %arg5[%rem3A_301, %dma_start3A_363, %dma_start3A_364] : memref<4x2x80xi32, #tpu.memory_space<vmem>> -> memref<1x1x80xi32, #tpu.memory_space<vmem>>
        %dma_start3A_366 = tpu.memref_squeeze %dma_start3A_365 : memref<1x1x80xi32, #tpu.memory_space<vmem>> -> memref<80xi32, #tpu.memory_space<vmem>>
        %dma_start3A_367 = tpu.memref_slice %arg3[%add3A_362] : memref<640000xi32, #tpu.memory_space<hbm>> -> memref<80xi32, #tpu.memory_space<hbm>>
        %dma_start3A_368 = tpu.memref_slice %arg9[%rem3A_301] : memref<4x!tpu.dma_semaphore, #tpu.memory_space<semaphore_mem>> -> memref<1x!tpu.dma_semaphore, #tpu.memory_space<semaphore_mem>>
        %dma_start3A_369 = tpu.memref_squeeze %dma_start3A_368 : memref<1x!tpu.dma_semaphore, #tpu.memory_space<semaphore_mem>> -> memref<!tpu.dma_semaphore, #tpu.memory_space<semaphore_mem>>
        %dma_start3A_370 = arith.constant 0 : i32
        %dma_start3A_371 = tpu.memref_slice %arg5[%rem3A_301, %dma_start3A_363, %dma_start3A_370] : memref<4x2x80xi32, #tpu.memory_space<vmem>> -> memref<1x1x80xi32, #tpu.memory_space<vmem>>
        %dma_start3A_372 = tpu.memref_squeeze %dma_start3A_371 : memref<1x1x80xi32, #tpu.memory_space<vmem>> -> memref<80xi32, #tpu.memory_space<vmem>>
        %dma_start3A_373 = tpu.memref_slice %arg3[%add3A_362] : memref<640000xi32, #tpu.memory_space<hbm>> -> memref<80xi32, #tpu.memory_space<hbm>>
        tpu.enqueue_dma source(%dma_start3A_373 : memref<80xi32, #tpu.memory_space<hbm>>) target(%dma_start3A_372 : memref<80xi32, #tpu.memory_space<vmem>>) target_semaphore(%dma_start3A_369 : memref<!tpu.dma_semaphore, #tpu.memory_space<semaphore_mem>>)
        %add3A_374 = arith.constant 320000 : i32
        %add3A_375 = arith.addi %add3A_374, %add3A_362 : i32
        %dma_start3A_376 = arith.constant 1 : i32
        %dma_start3A_377 = arith.constant 0 : i32
        %dma_start3A_378 = tpu.memref_slice %arg5[%rem3A_301, %dma_start3A_376, %dma_start3A_377] : memref<4x2x80xi32, #tpu.memory_space<vmem>> -> memref<1x1x80xi32, #tpu.memory_space<vmem>>
        %dma_start3A_379 = tpu.memref_squeeze %dma_start3A_378 : memref<1x1x80xi32, #tpu.memory_space<vmem>> -> memref<80xi32, #tpu.memory_space<vmem>>
        %dma_start3A_380 = tpu.memref_slice %arg3[%add3A_375] : memref<640000xi32, #tpu.memory_space<hbm>> -> memref<80xi32, #tpu.memory_space<hbm>>
        %dma_start3A_381 = tpu.memref_slice %arg9[%rem3A_301] : memref<4x!tpu.dma_semaphore, #tpu.memory_space<semaphore_mem>> -> memref<1x!tpu.dma_semaphore, #tpu.memory_space<semaphore_mem>>
        %dma_start3A_382 = tpu.memref_squeeze %dma_start3A_381 : memref<1x!tpu.dma_semaphore, #tpu.memory_space<semaphore_mem>> -> memref<!tpu.dma_semaphore, #tpu.memory_space<semaphore_mem>>
        %dma_start3A_383 = arith.constant 0 : i32
        %dma_start3A_384 = tpu.memref_slice %arg5[%rem3A_301, %dma_start3A_376, %dma_start3A_383] : memref<4x2x80xi32, #tpu.memory_space<vmem>> -> memref<1x1x80xi32, #tpu.memory_space<vmem>>
        %dma_start3A_385 = tpu.memref_squeeze %dma_start3A_384 : memref<1x1x80xi32, #tpu.memory_space<vmem>> -> memref<80xi32, #tpu.memory_space<vmem>>
        %dma_start3A_386 = tpu.memref_slice %arg3[%add3A_375] : memref<640000xi32, #tpu.memory_space<hbm>> -> memref<80xi32, #tpu.memory_space<hbm>>
        tpu.enqueue_dma source(%dma_start3A_386 : memref<80xi32, #tpu.memory_space<hbm>>) target(%dma_start3A_385 : memref<80xi32, #tpu.memory_space<vmem>>) target_semaphore(%dma_start3A_382 : memref<!tpu.dma_semaphore, #tpu.memory_space<semaphore_mem>>)
      } else {
      }
      %add3A_306 = arith.constant 2 : i32
      %add3A_307 = arith.addi %scan3A_292, %add3A_306 : i32
      %lt3A_308 = arith.constant 125 : i32
      %lt3A_309 = arith.cmpi slt, %add3A_307, %lt3A_308 : i32
      %convert_element_type3A_310 = arith.extui %lt3A_309 : i1 to i32
      %cond3A_311 = arith.constant 0 : i32
      %cond3A_312 = arith.cmpi ne, %convert_element_type3A_310, %cond3A_311 : i32
      scf.if %cond3A_312 {
        %add3A_358 = arith.constant 2 : i32
        %add3A_359 = arith.addi %scan3A_292, %add3A_358 : i32
        %mul3A_360 = arith.constant 80 : i32
        %mul3A_361 = arith.muli %add3A_359, %mul3A_360 : i32
        %add3A_362 = arith.addi %mul3A_2, %mul3A_361 : i32
        %dma_wait3A_363 = arith.constant 0 : i32
        %dma_wait3A_364 = arith.constant 0 : i32
        %dma_wait3A_365 = tpu.memref_slice %arg5[%rem3A_297, %dma_wait3A_363, %dma_wait3A_364] : memref<4x2x80xi32, #tpu.memory_space<vmem>> -> memref<1x1x80xi32, #tpu.memory_space<vmem>>
        %dma_wait3A_366 = tpu.memref_squeeze %dma_wait3A_365 : memref<1x1x80xi32, #tpu.memory_space<vmem>> -> memref<80xi32, #tpu.memory_space<vmem>>
        %dma_wait3A_367 = tpu.memref_slice %arg3[%add3A_362] : memref<640000xi32, #tpu.memory_space<hbm>> -> memref<80xi32, #tpu.memory_space<hbm>>
        %dma_wait3A_368 = tpu.memref_slice %arg9[%rem3A_297] : memref<4x!tpu.dma_semaphore, #tpu.memory_space<semaphore_mem>> -> memref<1x!tpu.dma_semaphore, #tpu.memory_space<semaphore_mem>>
        %dma_wait3A_369 = tpu.memref_squeeze %dma_wait3A_368 : memref<1x!tpu.dma_semaphore, #tpu.memory_space<semaphore_mem>> -> memref<!tpu.dma_semaphore, #tpu.memory_space<semaphore_mem>>
        %dma_wait3A_370 = arith.constant 0 : i32
        %dma_wait3A_371 = tpu.memref_slice %arg5[%rem3A_297, %dma_wait3A_363, %dma_wait3A_370] : memref<4x2x80xi32, #tpu.memory_space<vmem>> -> memref<1x1x80xi32, #tpu.memory_space<vmem>>
        %dma_wait3A_372 = tpu.memref_squeeze %dma_wait3A_371 : memref<1x1x80xi32, #tpu.memory_space<vmem>> -> memref<80xi32, #tpu.memory_space<vmem>>
        %dma_wait3A_373 = tpu.memref_slice %arg3[%add3A_362] : memref<640000xi32, #tpu.memory_space<hbm>> -> memref<80xi32, #tpu.memory_space<hbm>>
        tpu.wait_dma2 semaphore(%dma_wait3A_369 : memref<!tpu.dma_semaphore, #tpu.memory_space<semaphore_mem>>) src(%dma_wait3A_373 : memref<80xi32, #tpu.memory_space<hbm>>) dst(%dma_wait3A_372 : memref<80xi32, #tpu.memory_space<vmem>>)
        %add3A_374 = arith.constant 320000 : i32
        %add3A_375 = arith.addi %add3A_374, %add3A_362 : i32
        %dma_wait3A_376 = arith.constant 1 : i32
        %dma_wait3A_377 = arith.constant 0 : i32
        %dma_wait3A_378 = tpu.memref_slice %arg5[%rem3A_297, %dma_wait3A_376, %dma_wait3A_377] : memref<4x2x80xi32, #tpu.memory_space<vmem>> -> memref<1x1x80xi32, #tpu.memory_space<vmem>>
        %dma_wait3A_379 = tpu.memref_squeeze %dma_wait3A_378 : memref<1x1x80xi32, #tpu.memory_space<vmem>> -> memref<80xi32, #tpu.memory_space<vmem>>
        %dma_wait3A_380 = tpu.memref_slice %arg3[%add3A_375] : memref<640000xi32, #tpu.memory_space<hbm>> -> memref<80xi32, #tpu.memory_space<hbm>>
        %dma_wait3A_381 = tpu.memref_slice %arg9[%rem3A_297] : memref<4x!tpu.dma_semaphore, #tpu.memory_space<semaphore_mem>> -> memref<1x!tpu.dma_semaphore, #tpu.memory_space<semaphore_mem>>
        %dma_wait3A_382 = tpu.memref_squeeze %dma_wait3A_381 : memref<1x!tpu.dma_semaphore, #tpu.memory_space<semaphore_mem>> -> memref<!tpu.dma_semaphore, #tpu.memory_space<semaphore_mem>>
        %dma_wait3A_383 = arith.constant 0 : i32
        %dma_wait3A_384 = tpu.memref_slice %arg5[%rem3A_297, %dma_wait3A_376, %dma_wait3A_383] : memref<4x2x80xi32, #tpu.memory_space<vmem>> -> memref<1x1x80xi32, #tpu.memory_space<vmem>>
        %dma_wait3A_385 = tpu.memref_squeeze %dma_wait3A_384 : memref<1x1x80xi32, #tpu.memory_space<vmem>> -> memref<80xi32, #tpu.memory_space<vmem>>
        %dma_wait3A_386 = tpu.memref_slice %arg3[%add3A_375] : memref<640000xi32, #tpu.memory_space<hbm>> -> memref<80xi32, #tpu.memory_space<hbm>>
        tpu.wait_dma2 semaphore(%dma_wait3A_382 : memref<!tpu.dma_semaphore, #tpu.memory_space<semaphore_mem>>) src(%dma_wait3A_386 : memref<80xi32, #tpu.memory_space<hbm>>) dst(%dma_wait3A_385 : memref<80xi32, #tpu.memory_space<vmem>>)
        %ge3A = arith.constant 2 : i32
        %ge3A_387 = arith.cmpi sge, %scan3A_292, %ge3A : i32
        %convert_element_type3A_388 = arith.extui %ge3A_387 : i1 to i32
        %cond3A_389 = arith.constant 0 : i32
        %cond3A_390 = arith.cmpi ne, %convert_element_type3A_388, %cond3A_389 : i32
        scf.if %cond3A_390 {
          %sub3A = arith.constant 2 : i32
          %sub3A_417 = arith.subi %scan3A_292, %sub3A : i32
          %mul3A_418 = arith.constant 80 : i32
          %mul3A_419 = arith.muli %sub3A_417, %mul3A_418 : i32
          %add3A_420 = arith.addi %mul3A_2, %mul3A_419 : i32
          %dma_wait3A_421 = arith.constant 0 : i32
          %dma_wait3A_422 = arith.constant 0 : i32
          %dma_wait3A_423 = tpu.memref_slice %arg8[%rem3A_297, %dma_wait3A_421, %dma_wait3A_422] : memref<4x80x128xf32, #tpu.memory_space<vmem>> -> memref<1x80x128xf32, #tpu.memory_space<vmem>>
          %dma_wait3A_424 = tpu.memref_squeeze %dma_wait3A_423 : memref<1x80x128xf32, #tpu.memory_space<vmem>> -> memref<80x128xf32, #tpu.memory_space<vmem>>
          %dma_wait3A_425 = arith.constant 0 : i32
          %dma_wait3A_426 = tpu.memref_slice %arg4[%add3A_420, %dma_wait3A_425] : memref<320000x128xf32, #tpu.memory_space<hbm>> -> memref<80x128xf32, #tpu.memory_space<hbm>>
          %dma_wait3A_427 = tpu.memref_slice %arg12[%rem3A_297] : memref<4x!tpu.dma_semaphore, #tpu.memory_space<semaphore_mem>> -> memref<1x!tpu.dma_semaphore, #tpu.memory_space<semaphore_mem>>
          %dma_wait3A_428 = tpu.memref_squeeze %dma_wait3A_427 : memref<1x!tpu.dma_semaphore, #tpu.memory_space<semaphore_mem>> -> memref<!tpu.dma_semaphore, #tpu.memory_space<semaphore_mem>>
          %dma_wait3A_429 = arith.constant 0 : i32
          %dma_wait3A_430 = tpu.memref_slice %arg4[%add3A_420, %dma_wait3A_429] : memref<320000x128xf32, #tpu.memory_space<hbm>> -> memref<80x128xf32, #tpu.memory_space<hbm>>
          %dma_wait3A_431 = arith.constant 0 : i32
          %dma_wait3A_432 = arith.constant 0 : i32
          %dma_wait3A_433 = tpu.memref_slice %arg8[%rem3A_297, %dma_wait3A_431, %dma_wait3A_432] : memref<4x80x128xf32, #tpu.memory_space<vmem>> -> memref<1x80x128xf32, #tpu.memory_space<vmem>>
          %dma_wait3A_434 = tpu.memref_squeeze %dma_wait3A_433 : memref<1x80x128xf32, #tpu.memory_space<vmem>> -> memref<80x128xf32, #tpu.memory_space<vmem>>
          tpu.wait_dma2 semaphore(%dma_wait3A_428 : memref<!tpu.dma_semaphore, #tpu.memory_space<semaphore_mem>>) src(%dma_wait3A_434 : memref<80x128xf32, #tpu.memory_space<vmem>>) dst(%dma_wait3A_430 : memref<80x128xf32, #tpu.memory_space<hbm>>)
        } else {
        }
        %dma_start3A_391 = arith.constant 0 : i32
        %dma_start3A_392 = arith.constant 0 : i32
        %dma_start3A_393 = arith.constant 0 : i32
        %dma_start3A_394 = tpu.memref_slice %arg6[%rem3A_297, %dma_start3A_392, %dma_start3A_393] : memref<4x80x128xf32, #tpu.memory_space<vmem>> -> memref<1x80x128xf32, #tpu.memory_space<vmem>>
        %dma_start3A_395 = tpu.memref_squeeze %dma_start3A_394 : memref<1x80x128xf32, #tpu.memory_space<vmem>> -> memref<80x128xf32, #tpu.memory_space<vmem>>
        %dma_start3A_396 = arith.constant 0 : i32
        %dma_start3A_397 = tpu.memref_slice %arg5[%rem3A_297, %dma_start3A_391, %dma_start3A_396] : memref<4x2x80xi32, #tpu.memory_space<vmem>> -> memref<1x1x80xi32, #tpu.memory_space<vmem>>
        %dma_start3A_398 = tpu.memref_squeeze %dma_start3A_397 : memref<1x1x80xi32, #tpu.memory_space<vmem>> -> memref<80xi32, #tpu.memory_space<vmem>>
        %dma_start3A_399 = arith.constant 0 : i32
        %dma_start3A_400 = arith.constant 0 : i32
        %dma_start3A_401 = tpu.memref_slice %arg2[%dma_start3A_399, %dma_start3A_400] : memref<10000x128xf32, #tpu.memory_space<hbm>> -> memref<10000x128xf32, #tpu.memory_space<hbm>>
        %dma_start3A_402 = tpu.memref_slice %arg10[%rem3A_297] : memref<4x!tpu.dma_semaphore, #tpu.memory_space<semaphore_mem>> -> memref<1x!tpu.dma_semaphore, #tpu.memory_space<semaphore_mem>>
        %dma_start3A_403 = tpu.memref_squeeze %dma_start3A_402 : memref<1x!tpu.dma_semaphore, #tpu.memory_space<semaphore_mem>> -> memref<!tpu.dma_semaphore, #tpu.memory_space<semaphore_mem>>
        tpu.enqueue_indirect_dma source(%dma_start3A_401 : memref<10000x128xf32, #tpu.memory_space<hbm>>) target(%dma_start3A_395 : memref<80x128xf32, #tpu.memory_space<vmem>>) offsets(%dma_start3A_398 : memref<80xi32, #tpu.memory_space<vmem>>) semaphore(%dma_start3A_403 : memref<!tpu.dma_semaphore, #tpu.memory_space<semaphore_mem>>)
        %dma_start3A_404 = arith.constant 1 : i32
        %dma_start3A_405 = arith.constant 0 : i32
        %dma_start3A_406 = arith.constant 0 : i32
        %dma_start3A_407 = tpu.memref_slice %arg7[%rem3A_297, %dma_start3A_405, %dma_start3A_406] : memref<4x80x128xf32, #tpu.memory_space<vmem>> -> memref<1x80x128xf32, #tpu.memory_space<vmem>>
        %dma_start3A_408 = tpu.memref_squeeze %dma_start3A_407 : memref<1x80x128xf32, #tpu.memory_space<vmem>> -> memref<80x128xf32, #tpu.memory_space<vmem>>
        %dma_start3A_409 = arith.constant 0 : i32
        %dma_start3A_410 = tpu.memref_slice %arg5[%rem3A_297, %dma_start3A_404, %dma_start3A_409] : memref<4x2x80xi32, #tpu.memory_space<vmem>> -> memref<1x1x80xi32, #tpu.memory_space<vmem>>
        %dma_start3A_411 = tpu.memref_squeeze %dma_start3A_410 : memref<1x1x80xi32, #tpu.memory_space<vmem>> -> memref<80xi32, #tpu.memory_space<vmem>>
        %dma_start3A_412 = arith.constant 0 : i32
        %dma_start3A_413 = arith.constant 0 : i32
        %dma_start3A_414 = tpu.memref_slice %arg2[%dma_start3A_412, %dma_start3A_413] : memref<10000x128xf32, #tpu.memory_space<hbm>> -> memref<10000x128xf32, #tpu.memory_space<hbm>>
        %dma_start3A_415 = tpu.memref_slice %arg11[%rem3A_297] : memref<4x!tpu.dma_semaphore, #tpu.memory_space<semaphore_mem>> -> memref<1x!tpu.dma_semaphore, #tpu.memory_space<semaphore_mem>>
        %dma_start3A_416 = tpu.memref_squeeze %dma_start3A_415 : memref<1x!tpu.dma_semaphore, #tpu.memory_space<semaphore_mem>> -> memref<!tpu.dma_semaphore, #tpu.memory_space<semaphore_mem>>
        tpu.enqueue_indirect_dma source(%dma_start3A_414 : memref<10000x128xf32, #tpu.memory_space<hbm>>) target(%dma_start3A_408 : memref<80x128xf32, #tpu.memory_space<vmem>>) offsets(%dma_start3A_411 : memref<80xi32, #tpu.memory_space<vmem>>) semaphore(%dma_start3A_416 : memref<!tpu.dma_semaphore, #tpu.memory_space<semaphore_mem>>)
      } else {
      }
      %dma_wait3A_313 = arith.constant 0 : i32
      %dma_wait3A_314 = arith.constant 0 : i32
      %dma_wait3A_315 = arith.constant 0 : i32
      %dma_wait3A_316 = tpu.memref_slice %arg6[%rem3A_293, %dma_wait3A_314, %dma_wait3A_315] : memref<4x80x128xf32, #tpu.memory_space<vmem>> -> memref<1x80x128xf32, #tpu.memory_space<vmem>>
      %dma_wait3A_317 = tpu.memref_squeeze %dma_wait3A_316 : memref<1x80x128xf32, #tpu.memory_space<vmem>> -> memref<80x128xf32, #tpu.memory_space<vmem>>
      %dma_wait3A_318 = arith.constant 0 : i32
      %dma_wait3A_319 = tpu.memref_slice %arg5[%rem3A_293, %dma_wait3A_313, %dma_wait3A_318] : memref<4x2x80xi32, #tpu.memory_space<vmem>> -> memref<1x1x80xi32, #tpu.memory_space<vmem>>
      %dma_wait3A_320 = tpu.memref_squeeze %dma_wait3A_319 : memref<1x1x80xi32, #tpu.memory_space<vmem>> -> memref<80xi32, #tpu.memory_space<vmem>>
      %dma_wait3A_321 = arith.constant 0 : i32
      %dma_wait3A_322 = arith.constant 0 : i32
      %dma_wait3A_323 = tpu.memref_slice %arg2[%dma_wait3A_321, %dma_wait3A_322] : memref<10000x128xf32, #tpu.memory_space<hbm>> -> memref<10000x128xf32, #tpu.memory_space<hbm>>
      %dma_wait3A_324 = tpu.memref_slice %arg10[%rem3A_293] : memref<4x!tpu.dma_semaphore, #tpu.memory_space<semaphore_mem>> -> memref<1x!tpu.dma_semaphore, #tpu.memory_space<semaphore_mem>>
      %dma_wait3A_325 = tpu.memref_squeeze %dma_wait3A_324 : memref<1x!tpu.dma_semaphore, #tpu.memory_space<semaphore_mem>> -> memref<!tpu.dma_semaphore, #tpu.memory_space<semaphore_mem>>
      tpu.wait_indirect_dma semaphore(%dma_wait3A_325 : memref<!tpu.dma_semaphore, #tpu.memory_space<semaphore_mem>>) src(%dma_wait3A_323 : memref<10000x128xf32, #tpu.memory_space<hbm>>) dst(%dma_wait3A_317 : memref<80x128xf32, #tpu.memory_space<vmem>>)
      %dma_wait3A_326 = arith.constant 1 : i32
      %dma_wait3A_327 = arith.constant 0 : i32
      %dma_wait3A_328 = arith.constant 0 : i32
      %dma_wait3A_329 = tpu.memref_slice %arg7[%rem3A_293, %dma_wait3A_327, %dma_wait3A_328] : memref<4x80x128xf32, #tpu.memory_space<vmem>> -> memref<1x80x128xf32, #tpu.memory_space<vmem>>
      %dma_wait3A_330 = tpu.memref_squeeze %dma_wait3A_329 : memref<1x80x128xf32, #tpu.memory_space<vmem>> -> memref<80x128xf32, #tpu.memory_space<vmem>>
      %dma_wait3A_331 = arith.constant 0 : i32
      %dma_wait3A_332 = tpu.memref_slice %arg5[%rem3A_293, %dma_wait3A_326, %dma_wait3A_331] : memref<4x2x80xi32, #tpu.memory_space<vmem>> -> memref<1x1x80xi32, #tpu.memory_space<vmem>>
      %dma_wait3A_333 = tpu.memref_squeeze %dma_wait3A_332 : memref<1x1x80xi32, #tpu.memory_space<vmem>> -> memref<80xi32, #tpu.memory_space<vmem>>
      %dma_wait3A_334 = arith.constant 0 : i32
      %dma_wait3A_335 = arith.constant 0 : i32
      %dma_wait3A_336 = tpu.memref_slice %arg2[%dma_wait3A_334, %dma_wait3A_335] : memref<10000x128xf32, #tpu.memory_space<hbm>> -> memref<10000x128xf32, #tpu.memory_space<hbm>>
      %dma_wait3A_337 = tpu.memref_slice %arg11[%rem3A_293] : memref<4x!tpu.dma_semaphore, #tpu.memory_space<semaphore_mem>> -> memref<1x!tpu.dma_semaphore, #tpu.memory_space<semaphore_mem>>
      %dma_wait3A_338 = tpu.memref_squeeze %dma_wait3A_337 : memref<1x!tpu.dma_semaphore, #tpu.memory_space<semaphore_mem>> -> memref<!tpu.dma_semaphore, #tpu.memory_space<semaphore_mem>>
      tpu.wait_indirect_dma semaphore(%dma_wait3A_338 : memref<!tpu.dma_semaphore, #tpu.memory_space<semaphore_mem>>) src(%dma_wait3A_336 : memref<10000x128xf32, #tpu.memory_space<hbm>>) dst(%dma_wait3A_330 : memref<80x128xf32, #tpu.memory_space<vmem>>)
      %parallel_loop3A = arith.constant 0 : i32
      %parallel_loop3A_339 = arith.constant 80 : i32
      %parallel_loop3A_340 = arith.constant 1 : i32
      scf.for %parallel_loop3A_358 = %parallel_loop3A to %parallel_loop3A_339 step %parallel_loop3A_340  : i32 {
        %parallel_loop3A_359 = arith.index_cast %rem3A_293 : i32 to index
        %parallel_loop3A_360 = arith.index_cast %parallel_loop3A_358 : i32 to index
        %parallel_loop3A_361 = arith.constant 0 : index
        %parallel_loop3A_362 = tpu.vector_load %arg6[%parallel_loop3A_359, %parallel_loop3A_360, %parallel_loop3A_361] {strides = array<i32>} : memref<4x80x128xf32, #tpu.memory_space<vmem>>, vector<1x1x16xf32>,
        %parallel_loop3A_363 = vector.shape_cast %parallel_loop3A_362 : vector<1x1x16xf32> to vector<16xf32>
        %parallel_loop3A_364 = arith.index_cast %rem3A_293 : i32 to index
        %parallel_loop3A_365 = arith.index_cast %parallel_loop3A_358 : i32 to index
        %parallel_loop3A_366 = arith.constant 0 : index
        %parallel_loop3A_367 = tpu.vector_load %arg7[%parallel_loop3A_364, %parallel_loop3A_365, %parallel_loop3A_366] {strides = array<i32>} : memref<4x80x128xf32, #tpu.memory_space<vmem>>, vector<1x1x16xf32>,
        %parallel_loop3A_368 = vector.shape_cast %parallel_loop3A_367 : vector<1x1x16xf32> to vector<16xf32>
        %parallel_loop3A_369 = arith.mulf %parallel_loop3A_363, %parallel_loop3A_368 : vector<16xf32>
        %parallel_loop3A_370 = arith.index_cast %rem3A_293 : i32 to index
        %parallel_loop3A_371 = arith.index_cast %parallel_loop3A_358 : i32 to index
        %parallel_loop3A_372 = arith.constant 0 : index
        %parallel_loop3A_373 = tpu.vector_load %arg8[%parallel_loop3A_370, %parallel_loop3A_371, %parallel_loop3A_372] {strides = array<i32>} : memref<4x80x128xf32, #tpu.memory_space<vmem>>, vector<1x1x16xf32>,
        %parallel_loop3A_374 = vector.shape_cast %parallel_loop3A_373 : vector<1x1x16xf32> to vector<16xf32>
        %parallel_loop3A_375 = vector.shape_cast %parallel_loop3A_369 : vector<16xf32> to vector<1x1x16xf32>
        tpu.vector_store %arg8[%parallel_loop3A_370, %parallel_loop3A_371, %parallel_loop3A_372], %parallel_loop3A_375 {strides = array<i32>} : memref<4x80x128xf32, #tpu.memory_space<vmem>>, vector<1x1x16xf32>,
        %parallel_loop3A_376 = arith.index_cast %rem3A_293 : i32 to index
        %parallel_loop3A_377 = arith.index_cast %parallel_loop3A_358 : i32 to index
        %parallel_loop3A_378 = arith.constant 16 : index
        %parallel_loop3A_379 = tpu.vector_load %arg6[%parallel_loop3A_376, %parallel_loop3A_377, %parallel_loop3A_378] {strides = array<i32>} : memref<4x80x128xf32, #tpu.memory_space<vmem>>, vector<1x1x16xf32>,
        %parallel_loop3A_380 = vector.shape_cast %parallel_loop3A_379 : vector<1x1x16xf32> to vector<16xf32>
        %parallel_loop3A_381 = arith.index_cast %rem3A_293 : i32 to index
        %parallel_loop3A_382 = arith.index_cast %parallel_loop3A_358 : i32 to index
        %parallel_loop3A_383 = arith.constant 16 : index
        %parallel_loop3A_384 = tpu.vector_load %arg7[%parallel_loop3A_381, %parallel_loop3A_382, %parallel_loop3A_383] {strides = array<i32>} : memref<4x80x128xf32, #tpu.memory_space<vmem>>, vector<1x1x16xf32>,
        %parallel_loop3A_385 = vector.shape_cast %parallel_loop3A_384 : vector<1x1x16xf32> to vector<16xf32>
        %parallel_loop3A_386 = arith.mulf %parallel_loop3A_380, %parallel_loop3A_385 : vector<16xf32>
        %parallel_loop3A_387 = arith.index_cast %rem3A_293 : i32 to index
        %parallel_loop3A_388 = arith.index_cast %parallel_loop3A_358 : i32 to index
        %parallel_loop3A_389 = arith.constant 16 : index
        %parallel_loop3A_390 = tpu.vector_load %arg8[%parallel_loop3A_387, %parallel_loop3A_388, %parallel_loop3A_389] {strides = array<i32>} : memref<4x80x128xf32, #tpu.memory_space<vmem>>, vector<1x1x16xf32>,
        %parallel_loop3A_391 = vector.shape_cast %parallel_loop3A_390 : vector<1x1x16xf32> to vector<16xf32>
        %parallel_loop3A_392 = vector.shape_cast %parallel_loop3A_386 : vector<16xf32> to vector<1x1x16xf32>
        tpu.vector_store %arg8[%parallel_loop3A_387, %parallel_loop3A_388, %parallel_loop3A_389], %parallel_loop3A_392 {strides = array<i32>} : memref<4x80x128xf32, #tpu.memory_space<vmem>>, vector<1x1x16xf32>,
        %parallel_loop3A_393 = arith.index_cast %rem3A_293 : i32 to index
        %parallel_loop3A_394 = arith.index_cast %parallel_loop3A_358 : i32 to index
        %parallel_loop3A_395 = arith.constant 32 : index
        %parallel_loop3A_396 = tpu.vector_load %arg6[%parallel_loop3A_393, %parallel_loop3A_394, %parallel_loop3A_395] {strides = array<i32>} : memref<4x80x128xf32, #tpu.memory_space<vmem>>, vector<1x1x16xf32>,
        %parallel_loop3A_397 = vector.shape_cast %parallel_loop3A_396 : vector<1x1x16xf32> to vector<16xf32>
        %parallel_loop3A_398 = arith.index_cast %rem3A_293 : i32 to index
        %parallel_loop3A_399 = arith.index_cast %parallel_loop3A_358 : i32 to index
        %parallel_loop3A_400 = arith.constant 32 : index
        %parallel_loop3A_401 = tpu.vector_load %arg7[%parallel_loop3A_398, %parallel_loop3A_399, %parallel_loop3A_400] {strides = array<i32>} : memref<4x80x128xf32, #tpu.memory_space<vmem>>, vector<1x1x16xf32>,
        %parallel_loop3A_402 = vector.shape_cast %parallel_loop3A_401 : vector<1x1x16xf32> to vector<16xf32>
        %parallel_loop3A_403 = arith.mulf %parallel_loop3A_397, %parallel_loop3A_402 : vector<16xf32>
        %parallel_loop3A_404 = arith.index_cast %rem3A_293 : i32 to index
        %parallel_loop3A_405 = arith.index_cast %parallel_loop3A_358 : i32 to index
        %parallel_loop3A_406 = arith.constant 32 : index
        %parallel_loop3A_407 = tpu.vector_load %arg8[%parallel_loop3A_404, %parallel_loop3A_405, %parallel_loop3A_406] {strides = array<i32>} : memref<4x80x128xf32, #tpu.memory_space<vmem>>, vector<1x1x16xf32>,
        %parallel_loop3A_408 = vector.shape_cast %parallel_loop3A_407 : vector<1x1x16xf32> to vector<16xf32>
        %parallel_loop3A_409 = vector.shape_cast %parallel_loop3A_403 : vector<16xf32> to vector<1x1x16xf32>
        tpu.vector_store %arg8[%parallel_loop3A_404, %parallel_loop3A_405, %parallel_loop3A_406], %parallel_loop3A_409 {strides = array<i32>} : memref<4x80x128xf32, #tpu.memory_space<vmem>>, vector<1x1x16xf32>,
        %parallel_loop3A_410 = arith.index_cast %rem3A_293 : i32 to index
        %parallel_loop3A_411 = arith.index_cast %parallel_loop3A_358 : i32 to index
        %parallel_loop3A_412 = arith.constant 48 : index
        %parallel_loop3A_413 = tpu.vector_load %arg6[%parallel_loop3A_410, %parallel_loop3A_411, %parallel_loop3A_412] {strides = array<i32>} : memref<4x80x128xf32, #tpu.memory_space<vmem>>, vector<1x1x16xf32>,
        %parallel_loop3A_414 = vector.shape_cast %parallel_loop3A_413 : vector<1x1x16xf32> to vector<16xf32>
        %parallel_loop3A_415 = arith.index_cast %rem3A_293 : i32 to index
        %parallel_loop3A_416 = arith.index_cast %parallel_loop3A_358 : i32 to index
        %parallel_loop3A_417 = arith.constant 48 : index
        %parallel_loop3A_418 = tpu.vector_load %arg7[%parallel_loop3A_415, %parallel_loop3A_416, %parallel_loop3A_417] {strides = array<i32>} : memref<4x80x128xf32, #tpu.memory_space<vmem>>, vector<1x1x16xf32>,
        %parallel_loop3A_419 = vector.shape_cast %parallel_loop3A_418 : vector<1x1x16xf32> to vector<16xf32>
        %parallel_loop3A_420 = arith.mulf %parallel_loop3A_414, %parallel_loop3A_419 : vector<16xf32>
        %parallel_loop3A_421 = arith.index_cast %rem3A_293 : i32 to index
        %parallel_loop3A_422 = arith.index_cast %parallel_loop3A_358 : i32 to index
        %parallel_loop3A_423 = arith.constant 48 : index
        %parallel_loop3A_424 = tpu.vector_load %arg8[%parallel_loop3A_421, %parallel_loop3A_422, %parallel_loop3A_423] {strides = array<i32>} : memref<4x80x128xf32, #tpu.memory_space<vmem>>, vector<1x1x16xf32>,
        %parallel_loop3A_425 = vector.shape_cast %parallel_loop3A_424 : vector<1x1x16xf32> to vector<16xf32>
        %parallel_loop3A_426 = vector.shape_cast %parallel_loop3A_420 : vector<16xf32> to vector<1x1x16xf32>
        tpu.vector_store %arg8[%parallel_loop3A_421, %parallel_loop3A_422, %parallel_loop3A_423], %parallel_loop3A_426 {strides = array<i32>} : memref<4x80x128xf32, #tpu.memory_space<vmem>>, vector<1x1x16xf32>,
        %parallel_loop3A_427 = arith.index_cast %rem3A_293 : i32 to index
        %parallel_loop3A_428 = arith.index_cast %parallel_loop3A_358 : i32 to index
        %parallel_loop3A_429 = arith.constant 64 : index
        %parallel_loop3A_430 = tpu.vector_load %arg6[%parallel_loop3A_427, %parallel_loop3A_428, %parallel_loop3A_429] {strides = array<i32>} : memref<4x80x128xf32, #tpu.memory_space<vmem>>, vector<1x1x16xf32>,
        %parallel_loop3A_431 = vector.shape_cast %parallel_loop3A_430 : vector<1x1x16xf32> to vector<16xf32>
        %parallel_loop3A_432 = arith.index_cast %rem3A_293 : i32 to index
        %parallel_loop3A_433 = arith.index_cast %parallel_loop3A_358 : i32 to index
        %parallel_loop3A_434 = arith.constant 64 : index
        %parallel_loop3A_435 = tpu.vector_load %arg7[%parallel_loop3A_432, %parallel_loop3A_433, %parallel_loop3A_434] {strides = array<i32>} : memref<4x80x128xf32, #tpu.memory_space<vmem>>, vector<1x1x16xf32>,
        %parallel_loop3A_436 = vector.shape_cast %parallel_loop3A_435 : vector<1x1x16xf32> to vector<16xf32>
        %parallel_loop3A_437 = arith.mulf %parallel_loop3A_431, %parallel_loop3A_436 : vector<16xf32>
        %parallel_loop3A_438 = arith.index_cast %rem3A_293 : i32 to index
        %parallel_loop3A_439 = arith.index_cast %parallel_loop3A_358 : i32 to index
        %parallel_loop3A_440 = arith.constant 64 : index
        %parallel_loop3A_441 = tpu.vector_load %arg8[%parallel_loop3A_438, %parallel_loop3A_439, %parallel_loop3A_440] {strides = array<i32>} : memref<4x80x128xf32, #tpu.memory_space<vmem>>, vector<1x1x16xf32>,
        %parallel_loop3A_442 = vector.shape_cast %parallel_loop3A_441 : vector<1x1x16xf32> to vector<16xf32>
        %parallel_loop3A_443 = vector.shape_cast %parallel_loop3A_437 : vector<16xf32> to vector<1x1x16xf32>
        tpu.vector_store %arg8[%parallel_loop3A_438, %parallel_loop3A_439, %parallel_loop3A_440], %parallel_loop3A_443 {strides = array<i32>} : memref<4x80x128xf32, #tpu.memory_space<vmem>>, vector<1x1x16xf32>,
        %parallel_loop3A_444 = arith.index_cast %rem3A_293 : i32 to index
        %parallel_loop3A_445 = arith.index_cast %parallel_loop3A_358 : i32 to index
        %parallel_loop3A_446 = arith.constant 80 : index
        %parallel_loop3A_447 = tpu.vector_load %arg6[%parallel_loop3A_444, %parallel_loop3A_445, %parallel_loop3A_446] {strides = array<i32>} : memref<4x80x128xf32, #tpu.memory_space<vmem>>, vector<1x1x16xf32>,
        %parallel_loop3A_448 = vector.shape_cast %parallel_loop3A_447 : vector<1x1x16xf32> to vector<16xf32>
        %parallel_loop3A_449 = arith.index_cast %rem3A_293 : i32 to index
        %parallel_loop3A_450 = arith.index_cast %parallel_loop3A_358 : i32 to index
        %parallel_loop3A_451 = arith.constant 80 : index
        %parallel_loop3A_452 = tpu.vector_load %arg7[%parallel_loop3A_449, %parallel_loop3A_450, %parallel_loop3A_451] {strides = array<i32>} : memref<4x80x128xf32, #tpu.memory_space<vmem>>, vector<1x1x16xf32>,
        %parallel_loop3A_453 = vector.shape_cast %parallel_loop3A_452 : vector<1x1x16xf32> to vector<16xf32>
        %parallel_loop3A_454 = arith.mulf %parallel_loop3A_448, %parallel_loop3A_453 : vector<16xf32>
        %parallel_loop3A_455 = arith.index_cast %rem3A_293 : i32 to index
        %parallel_loop3A_456 = arith.index_cast %parallel_loop3A_358 : i32 to index
        %parallel_loop3A_457 = arith.constant 80 : index
        %parallel_loop3A_458 = tpu.vector_load %arg8[%parallel_loop3A_455, %parallel_loop3A_456, %parallel_loop3A_457] {strides = array<i32>} : memref<4x80x128xf32, #tpu.memory_space<vmem>>, vector<1x1x16xf32>,
        %parallel_loop3A_459 = vector.shape_cast %parallel_loop3A_458 : vector<1x1x16xf32> to vector<16xf32>
        %parallel_loop3A_460 = vector.shape_cast %parallel_loop3A_454 : vector<16xf32> to vector<1x1x16xf32>
        tpu.vector_store %arg8[%parallel_loop3A_455, %parallel_loop3A_456, %parallel_loop3A_457], %parallel_loop3A_460 {strides = array<i32>} : memref<4x80x128xf32, #tpu.memory_space<vmem>>, vector<1x1x16xf32>,
        %parallel_loop3A_461 = arith.index_cast %rem3A_293 : i32 to index
        %parallel_loop3A_462 = arith.index_cast %parallel_loop3A_358 : i32 to index
        %parallel_loop3A_463 = arith.constant 96 : index
        %parallel_loop3A_464 = tpu.vector_load %arg6[%parallel_loop3A_461, %parallel_loop3A_462, %parallel_loop3A_463] {strides = array<i32>} : memref<4x80x128xf32, #tpu.memory_space<vmem>>, vector<1x1x16xf32>,
        %parallel_loop3A_465 = vector.shape_cast %parallel_loop3A_464 : vector<1x1x16xf32> to vector<16xf32>
        %parallel_loop3A_466 = arith.index_cast %rem3A_293 : i32 to index
        %parallel_loop3A_467 = arith.index_cast %parallel_loop3A_358 : i32 to index
        %parallel_loop3A_468 = arith.constant 96 : index
        %parallel_loop3A_469 = tpu.vector_load %arg7[%parallel_loop3A_466, %parallel_loop3A_467, %parallel_loop3A_468] {strides = array<i32>} : memref<4x80x128xf32, #tpu.memory_space<vmem>>, vector<1x1x16xf32>,
        %parallel_loop3A_470 = vector.shape_cast %parallel_loop3A_469 : vector<1x1x16xf32> to vector<16xf32>
        %parallel_loop3A_471 = arith.mulf %parallel_loop3A_465, %parallel_loop3A_470 : vector<16xf32>
        %parallel_loop3A_472 = arith.index_cast %rem3A_293 : i32 to index
        %parallel_loop3A_473 = arith.index_cast %parallel_loop3A_358 : i32 to index
        %parallel_loop3A_474 = arith.constant 96 : index
        %parallel_loop3A_475 = tpu.vector_load %arg8[%parallel_loop3A_472, %parallel_loop3A_473, %parallel_loop3A_474] {strides = array<i32>} : memref<4x80x128xf32, #tpu.memory_space<vmem>>, vector<1x1x16xf32>,
        %parallel_loop3A_476 = vector.shape_cast %parallel_loop3A_475 : vector<1x1x16xf32> to vector<16xf32>
        %parallel_loop3A_477 = vector.shape_cast %parallel_loop3A_471 : vector<16xf32> to vector<1x1x16xf32>
        tpu.vector_store %arg8[%parallel_loop3A_472, %parallel_loop3A_473, %parallel_loop3A_474], %parallel_loop3A_477 {strides = array<i32>} : memref<4x80x128xf32, #tpu.memory_space<vmem>>, vector<1x1x16xf32>,
        %parallel_loop3A_478 = arith.index_cast %rem3A_293 : i32 to index
        %parallel_loop3A_479 = arith.index_cast %parallel_loop3A_358 : i32 to index
        %parallel_loop3A_480 = arith.constant 112 : index
        %parallel_loop3A_481 = tpu.vector_load %arg6[%parallel_loop3A_478, %parallel_loop3A_479, %parallel_loop3A_480] {strides = array<i32>} : memref<4x80x128xf32, #tpu.memory_space<vmem>>, vector<1x1x16xf32>,
        %parallel_loop3A_482 = vector.shape_cast %parallel_loop3A_481 : vector<1x1x16xf32> to vector<16xf32>
        %parallel_loop3A_483 = arith.index_cast %rem3A_293 : i32 to index
        %parallel_loop3A_484 = arith.index_cast %parallel_loop3A_358 : i32 to index
        %parallel_loop3A_485 = arith.constant 112 : index
        %parallel_loop3A_486 = tpu.vector_load %arg7[%parallel_loop3A_483, %parallel_loop3A_484, %parallel_loop3A_485] {strides = array<i32>} : memref<4x80x128xf32, #tpu.memory_space<vmem>>, vector<1x1x16xf32>,
        %parallel_loop3A_487 = vector.shape_cast %parallel_loop3A_486 : vector<1x1x16xf32> to vector<16xf32>
        %parallel_loop3A_488 = arith.mulf %parallel_loop3A_482, %parallel_loop3A_487 : vector<16xf32>
        %parallel_loop3A_489 = arith.index_cast %rem3A_293 : i32 to index
        %parallel_loop3A_490 = arith.index_cast %parallel_loop3A_358 : i32 to index
        %parallel_loop3A_491 = arith.constant 112 : index
        %parallel_loop3A_492 = tpu.vector_load %arg8[%parallel_loop3A_489, %parallel_loop3A_490, %parallel_loop3A_491] {strides = array<i32>} : memref<4x80x128xf32, #tpu.memory_space<vmem>>, vector<1x1x16xf32>,
        %parallel_loop3A_493 = vector.shape_cast %parallel_loop3A_492 : vector<1x1x16xf32> to vector<16xf32>
        %parallel_loop3A_494 = vector.shape_cast %parallel_loop3A_488 : vector<16xf32> to vector<1x1x16xf32>
        tpu.vector_store %arg8[%parallel_loop3A_489, %parallel_loop3A_490, %parallel_loop3A_491], %parallel_loop3A_494 {strides = array<i32>} : memref<4x80x128xf32, #tpu.memory_space<vmem>>, vector<1x1x16xf32>,
      } {sc.loop_unroll_factor = 4 : i64, sc.parallel_access}
      %mul3A_341 = arith.constant 80 : i32
      %mul3A_342 = arith.muli %scan3A_292, %mul3A_341 : i32
      %add3A_343 = arith.addi %mul3A_2, %mul3A_342 : i32
      %dma_start3A_344 = arith.constant 0 : i32
      %dma_start3A_345 = arith.constant 0 : i32
      %dma_start3A_346 = tpu.memref_slice %arg8[%rem3A_293, %dma_start3A_344, %dma_start3A_345] : memref<4x80x128xf32, #tpu.memory_space<vmem>> -> memref<1x80x128xf32, #tpu.memory_space<vmem>>
      %dma_start3A_347 = tpu.memref_squeeze %dma_start3A_346 : memref<1x80x128xf32, #tpu.memory_space<vmem>> -> memref<80x128xf32, #tpu.memory_space<vmem>>
      %dma_start3A_348 = arith.constant 0 : i32
      %dma_start3A_349 = tpu.memref_slice %arg4[%add3A_343, %dma_start3A_348] : memref<320000x128xf32, #tpu.memory_space<hbm>> -> memref<80x128xf32, #tpu.memory_space<hbm>>
      %dma_start3A_350 = tpu.memref_slice %arg12[%rem3A_293] : memref<4x!tpu.dma_semaphore, #tpu.memory_space<semaphore_mem>> -> memref<1x!tpu.dma_semaphore, #tpu.memory_space<semaphore_mem>>
      %dma_start3A_351 = tpu.memref_squeeze %dma_start3A_350 : memref<1x!tpu.dma_semaphore, #tpu.memory_space<semaphore_mem>> -> memref<!tpu.dma_semaphore, #tpu.memory_space<semaphore_mem>>
      %dma_start3A_352 = arith.constant 0 : i32
      %dma_start3A_353 = tpu.memref_slice %arg4[%add3A_343, %dma_start3A_352] : memref<320000x128xf32, #tpu.memory_space<hbm>> -> memref<80x128xf32, #tpu.memory_space<hbm>>
      %dma_start3A_354 = arith.constant 0 : i32
      %dma_start3A_355 = arith.constant 0 : i32
      %dma_start3A_356 = tpu.memref_slice %arg8[%rem3A_293, %dma_start3A_354, %dma_start3A_355] : memref<4x80x128xf32, #tpu.memory_space<vmem>> -> memref<1x80x128xf32, #tpu.memory_space<vmem>>
      %dma_start3A_357 = tpu.memref_squeeze %dma_start3A_356 : memref<1x80x128xf32, #tpu.memory_space<vmem>> -> memref<80x128xf32, #tpu.memory_space<vmem>>
      tpu.enqueue_dma source(%dma_start3A_357 : memref<80x128xf32, #tpu.memory_space<vmem>>) target(%dma_start3A_353 : memref<80x128xf32, #tpu.memory_space<hbm>>) target_semaphore(%dma_start3A_351 : memref<!tpu.dma_semaphore, #tpu.memory_space<semaphore_mem>>)
    }
    %scan3A_219 = arith.constant 125 : i32
    %add3A_220 = arith.constant 9680 : i32
    %add3A_221 = arith.addi %mul3A_2, %add3A_220 : i32
    %dma_wait3A_222 = arith.constant 1 : i32
    %dma_wait3A_223 = arith.constant 1 : i32
    %dma_wait3A_224 = arith.constant 0 : i32
    %dma_wait3A_225 = arith.constant 0 : i32
    %dma_wait3A_226 = tpu.memref_slice %arg8[%dma_wait3A_222, %dma_wait3A_224, %dma_wait3A_225] : memref<4x80x128xf32, #tpu.memory_space<vmem>> -> memref<1x80x128xf32, #tpu.memory_space<vmem>>
    %dma_wait3A_227 = tpu.memref_squeeze %dma_wait3A_226 : memref<1x80x128xf32, #tpu.memory_space<vmem>> -> memref<80x128xf32, #tpu.memory_space<vmem>>
    %dma_wait3A_228 = arith.constant 0 : i32
    %dma_wait3A_229 = tpu.memref_slice %arg4[%add3A_221, %dma_wait3A_228] : memref<320000x128xf32, #tpu.memory_space<hbm>> -> memref<80x128xf32, #tpu.memory_space<hbm>>
    %dma_wait3A_230 = tpu.memref_slice %arg12[%dma_wait3A_223] : memref<4x!tpu.dma_semaphore, #tpu.memory_space<semaphore_mem>> -> memref<1x!tpu.dma_semaphore, #tpu.memory_space<semaphore_mem>>
    %dma_wait3A_231 = tpu.memref_squeeze %dma_wait3A_230 : memref<1x!tpu.dma_semaphore, #tpu.memory_space<semaphore_mem>> -> memref<!tpu.dma_semaphore, #tpu.memory_space<semaphore_mem>>
    %dma_wait3A_232 = arith.constant 0 : i32
    %dma_wait3A_233 = tpu.memref_slice %arg4[%add3A_221, %dma_wait3A_232] : memref<320000x128xf32, #tpu.memory_space<hbm>> -> memref<80x128xf32, #tpu.memory_space<hbm>>
    %dma_wait3A_234 = arith.constant 0 : i32
    %dma_wait3A_235 = arith.constant 0 : i32
    %dma_wait3A_236 = tpu.memref_slice %arg8[%dma_wait3A_222, %dma_wait3A_234, %dma_wait3A_235] : memref<4x80x128xf32, #tpu.memory_space<vmem>> -> memref<1x80x128xf32, #tpu.memory_space<vmem>>
    %dma_wait3A_237 = tpu.memref_squeeze %dma_wait3A_236 : memref<1x80x128xf32, #tpu.memory_space<vmem>> -> memref<80x128xf32, #tpu.memory_space<vmem>>
    tpu.wait_dma2 semaphore(%dma_wait3A_231 : memref<!tpu.dma_semaphore, #tpu.memory_space<semaphore_mem>>) src(%dma_wait3A_237 : memref<80x128xf32, #tpu.memory_space<vmem>>) dst(%dma_wait3A_233 : memref<80x128xf32, #tpu.memory_space<hbm>>)
    %add3A_238 = arith.constant 9760 : i32
    %add3A_239 = arith.addi %mul3A_2, %add3A_238 : i32
    %dma_wait3A_240 = arith.constant 2 : i32
    %dma_wait3A_241 = arith.constant 2 : i32
    %dma_wait3A_242 = arith.constant 0 : i32
    %dma_wait3A_243 = arith.constant 0 : i32
    %dma_wait3A_244 = tpu.memref_slice %arg8[%dma_wait3A_240, %dma_wait3A_242, %dma_wait3A_243] : memref<4x80x128xf32, #tpu.memory_space<vmem>> -> memref<1x80x128xf32, #tpu.memory_space<vmem>>
    %dma_wait3A_245 = tpu.memref_squeeze %dma_wait3A_244 : memref<1x80x128xf32, #tpu.memory_space<vmem>> -> memref<80x128xf32, #tpu.memory_space<vmem>>
    %dma_wait3A_246 = arith.constant 0 : i32
    %dma_wait3A_247 = tpu.memref_slice %arg4[%add3A_239, %dma_wait3A_246] : memref<320000x128xf32, #tpu.memory_space<hbm>> -> memref<80x128xf32, #tpu.memory_space<hbm>>
    %dma_wait3A_248 = tpu.memref_slice %arg12[%dma_wait3A_241] : memref<4x!tpu.dma_semaphore, #tpu.memory_space<semaphore_mem>> -> memref<1x!tpu.dma_semaphore, #tpu.memory_space<semaphore_mem>>
    %dma_wait3A_249 = tpu.memref_squeeze %dma_wait3A_248 : memref<1x!tpu.dma_semaphore, #tpu.memory_space<semaphore_mem>> -> memref<!tpu.dma_semaphore, #tpu.memory_space<semaphore_mem>>
    %dma_wait3A_250 = arith.constant 0 : i32
    %dma_wait3A_251 = tpu.memref_slice %arg4[%add3A_239, %dma_wait3A_250] : memref<320000x128xf32, #tpu.memory_space<hbm>> -> memref<80x128xf32, #tpu.memory_space<hbm>>
    %dma_wait3A_252 = arith.constant 0 : i32
    %dma_wait3A_253 = arith.constant 0 : i32
    %dma_wait3A_254 = tpu.memref_slice %arg8[%dma_wait3A_240, %dma_wait3A_252, %dma_wait3A_253] : memref<4x80x128xf32, #tpu.memory_space<vmem>> -> memref<1x80x128xf32, #tpu.memory_space<vmem>>
    %dma_wait3A_255 = tpu.memref_squeeze %dma_wait3A_254 : memref<1x80x128xf32, #tpu.memory_space<vmem>> -> memref<80x128xf32, #tpu.memory_space<vmem>>
    tpu.wait_dma2 semaphore(%dma_wait3A_249 : memref<!tpu.dma_semaphore, #tpu.memory_space<semaphore_mem>>) src(%dma_wait3A_255 : memref<80x128xf32, #tpu.memory_space<vmem>>) dst(%dma_wait3A_251 : memref<80x128xf32, #tpu.memory_space<hbm>>)
    %add3A_256 = arith.constant 9840 : i32
    %add3A_257 = arith.addi %mul3A_2, %add3A_256 : i32
    %dma_wait3A_258 = arith.constant 3 : i32
    %dma_wait3A_259 = arith.constant 3 : i32
    %dma_wait3A_260 = arith.constant 0 : i32
    %dma_wait3A_261 = arith.constant 0 : i32
    %dma_wait3A_262 = tpu.memref_slice %arg8[%dma_wait3A_258, %dma_wait3A_260, %dma_wait3A_261] : memref<4x80x128xf32, #tpu.memory_space<vmem>> -> memref<1x80x128xf32, #tpu.memory_space<vmem>>
    %dma_wait3A_263 = tpu.memref_squeeze %dma_wait3A_262 : memref<1x80x128xf32, #tpu.memory_space<vmem>> -> memref<80x128xf32, #tpu.memory_space<vmem>>
    %dma_wait3A_264 = arith.constant 0 : i32
    %dma_wait3A_265 = tpu.memref_slice %arg4[%add3A_257, %dma_wait3A_264] : memref<320000x128xf32, #tpu.memory_space<hbm>> -> memref<80x128xf32, #tpu.memory_space<hbm>>
    %dma_wait3A_266 = tpu.memref_slice %arg12[%dma_wait3A_259] : memref<4x!tpu.dma_semaphore, #tpu.memory_space<semaphore_mem>> -> memref<1x!tpu.dma_semaphore, #tpu.memory_space<semaphore_mem>>
    %dma_wait3A_267 = tpu.memref_squeeze %dma_wait3A_266 : memref<1x!tpu.dma_semaphore, #tpu.memory_space<semaphore_mem>> -> memref<!tpu.dma_semaphore, #tpu.memory_space<semaphore_mem>>
    %dma_wait3A_268 = arith.constant 0 : i32
    %dma_wait3A_269 = tpu.memref_slice %arg4[%add3A_257, %dma_wait3A_268] : memref<320000x128xf32, #tpu.memory_space<hbm>> -> memref<80x128xf32, #tpu.memory_space<hbm>>
    %dma_wait3A_270 = arith.constant 0 : i32
    %dma_wait3A_271 = arith.constant 0 : i32
    %dma_wait3A_272 = tpu.memref_slice %arg8[%dma_wait3A_258, %dma_wait3A_270, %dma_wait3A_271] : memref<4x80x128xf32, #tpu.memory_space<vmem>> -> memref<1x80x128xf32, #tpu.memory_space<vmem>>
    %dma_wait3A_273 = tpu.memref_squeeze %dma_wait3A_272 : memref<1x80x128xf32, #tpu.memory_space<vmem>> -> memref<80x128xf32, #tpu.memory_space<vmem>>
    tpu.wait_dma2 semaphore(%dma_wait3A_267 : memref<!tpu.dma_semaphore, #tpu.memory_space<semaphore_mem>>) src(%dma_wait3A_273 : memref<80x128xf32, #tpu.memory_space<vmem>>) dst(%dma_wait3A_269 : memref<80x128xf32, #tpu.memory_space<hbm>>)
    %add3A_274 = arith.constant 9920 : i32
    %add3A_275 = arith.addi %mul3A_2, %add3A_274 : i32
    %dma_wait3A_276 = arith.constant 0 : i32
    %dma_wait3A_277 = arith.constant 0 : i32
    %dma_wait3A_278 = arith.constant 0 : i32
    %dma_wait3A_279 = arith.constant 0 : i32
    %dma_wait3A_280 = tpu.memref_slice %arg8[%dma_wait3A_276, %dma_wait3A_278, %dma_wait3A_279] : memref<4x80x128xf32, #tpu.memory_space<vmem>> -> memref<1x80x128xf32, #tpu.memory_space<vmem>>
    %dma_wait3A_281 = tpu.memref_squeeze %dma_wait3A_280 : memref<1x80x128xf32, #tpu.memory_space<vmem>> -> memref<80x128xf32, #tpu.memory_space<vmem>>
    %dma_wait3A_282 = arith.constant 0 : i32
    %dma_wait3A_283 = tpu.memref_slice %arg4[%add3A_275, %dma_wait3A_282] : memref<320000x128xf32, #tpu.memory_space<hbm>> -> memref<80x128xf32, #tpu.memory_space<hbm>>
    %dma_wait3A_284 = tpu.memref_slice %arg12[%dma_wait3A_277] : memref<4x!tpu.dma_semaphore, #tpu.memory_space<semaphore_mem>> -> memref<1x!tpu.dma_semaphore, #tpu.memory_space<semaphore_mem>>
    %dma_wait3A_285 = tpu.memref_squeeze %dma_wait3A_284 : memref<1x!tpu.dma_semaphore, #tpu.memory_space<semaphore_mem>> -> memref<!tpu.dma_semaphore, #tpu.memory_space<semaphore_mem>>
    %dma_wait3A_286 = arith.constant 0 : i32
    %dma_wait3A_287 = tpu.memref_slice %arg4[%add3A_275, %dma_wait3A_286] : memref<320000x128xf32, #tpu.memory_space<hbm>> -> memref<80x128xf32, #tpu.memory_space<hbm>>
    %dma_wait3A_288 = arith.constant 0 : i32
    %dma_wait3A_289 = arith.constant 0 : i32
    %dma_wait3A_290 = tpu.memref_slice %arg8[%dma_wait3A_276, %dma_wait3A_288, %dma_wait3A_289] : memref<4x80x128xf32, #tpu.memory_space<vmem>> -> memref<1x80x128xf32, #tpu.memory_space<vmem>>
    %dma_wait3A_291 = tpu.memref_squeeze %dma_wait3A_290 : memref<1x80x128xf32, #tpu.memory_space<vmem>> -> memref<80x128xf32, #tpu.memory_space<vmem>>
    tpu.wait_dma2 semaphore(%dma_wait3A_285 : memref<!tpu.dma_semaphore, #tpu.memory_space<semaphore_mem>>) src(%dma_wait3A_291 : memref<80x128xf32, #tpu.memory_space<vmem>>) dst(%dma_wait3A_287 : memref<80x128xf32, #tpu.memory_space<hbm>>)
    return
  }
}

#map = affine_map<(d0, d1) -> (0, 0)>
#map1 = affine_map<(d0, d1) -> (0)>
module attributes {stable_mosaic.version = 14 : i64} {
  func.func @_gather_body(%arg0: i32, %arg1: i32, %arg2: memref<10000x128xf32, #tpu.memory_space<hbm>>, %arg3: memref<640000xi32, #tpu.memory_space<hbm>>, %arg4: memref<320000x128xf32, #tpu.memory_space<hbm>>, %arg5: memref<4x2x80xi32, #tpu.memory_space<vmem>>, %arg6: memref<4x80x128xf32, #tpu.memory_space<vmem>>, %arg7: memref<4x80x128xf32, #tpu.memory_space<vmem>>, %arg8: memref<4x80x128xf32, #tpu.memory_space<vmem>>, %arg9: memref<4x!tpu.dma_semaphore, #tpu.memory_space<semaphore_mem>>, %arg10: memref<4x!tpu.dma_semaphore, #tpu.memory_space<semaphore_mem>>, %arg11: memref<4x!tpu.dma_semaphore, #tpu.memory_space<semaphore_mem>>, %arg12: memref<4x!tpu.dma_semaphore, #tpu.memory_space<semaphore_mem>>) attributes {dimension_semantics = [#tpu.dimension_semantics<core_parallel>, #tpu.dimension_semantics<subcore_parallel>], iteration_bounds = array<i64: 2, 16>, scalar_prefetch = 0 : i64, scratch_operands = 8 : i64, tpu.core_type = #tpu.core_type<sc_vector_subcore>, window_params = [{transform_indices = #map}, {transform_indices = #map1}, {transform_indices = #map}]} {
    %mul3A = arith.constant 2 : i32
    %mul3A_0 = arith.muli %arg1, %mul3A : i32
    %add3A = arith.addi %mul3A_0, %arg0 : i32
    %mul3A_1 = arith.constant 10000 : i32
    %mul3A_2 = arith.muli %add3A, %mul3A_1 : i32
    %add3A_3 = arith.constant 0 : i32
    %add3A_4 = arith.addi %mul3A_2, %add3A_3 : i32
    %dma_start3A = arith.constant 0 : i32
    %dma_start3A_5 = arith.constant 0 : i32
    %dma_start3A_6 = arith.constant 0 : i32
    %dma_start3A_7 = arith.constant 0 : i32
    %dma_start3A_8 = tpu.memref_slice %arg5[%dma_start3A, %dma_start3A_5, %dma_start3A_7] : memref<4x2x80xi32, #tpu.memory_space<vmem>> -> memref<1x1x80xi32, #tpu.memory_space<vmem>>
    %dma_start3A_9 = tpu.memref_squeeze %dma_start3A_8 : memref<1x1x80xi32, #tpu.memory_space<vmem>> -> memref<80xi32, #tpu.memory_space<vmem>>
    %dma_start3A_10 = tpu.memref_slice %arg3[%add3A_4] : memref<640000xi32, #tpu.memory_space<hbm>> -> memref<80xi32, #tpu.memory_space<hbm>>
    %dma_start3A_11 = tpu.memref_slice %arg9[%dma_start3A_6] : memref<4x!tpu.dma_semaphore, #tpu.memory_space<semaphore_mem>> -> memref<1x!tpu.dma_semaphore, #tpu.memory_space<semaphore_mem>>
    %dma_start3A_12 = tpu.memref_squeeze %dma_start3A_11 : memref<1x!tpu.dma_semaphore, #tpu.memory_space<semaphore_mem>> -> memref<!tpu.dma_semaphore, #tpu.memory_space<semaphore_mem>>
    %dma_start3A_13 = arith.constant 0 : i32
    %dma_start3A_14 = tpu.memref_slice %arg5[%dma_start3A, %dma_start3A_5, %dma_start3A_13] : memref<4x2x80xi32, #tpu.memory_space<vmem>> -> memref<1x1x80xi32, #tpu.memory_space<vmem>>
    %dma_start3A_15 = tpu.memref_squeeze %dma_start3A_14 : memref<1x1x80xi32, #tpu.memory_space<vmem>> -> memref<80xi32, #tpu.memory_space<vmem>>
    %dma_start3A_16 = tpu.memref_slice %arg3[%add3A_4] : memref<640000xi32, #tpu.memory_space<hbm>> -> memref<80xi32, #tpu.memory_space<hbm>>
    tpu.enqueue_dma source(%dma_start3A_16 : memref<80xi32, #tpu.memory_space<hbm>>) target(%dma_start3A_15 : memref<80xi32, #tpu.memory_space<vmem>>) target_semaphore(%dma_start3A_12 : memref<!tpu.dma_semaphore, #tpu.memory_space<semaphore_mem>>)
    %add3A_17 = arith.constant 320000 : i32
    %add3A_18 = arith.addi %add3A_17, %add3A_4 : i32
    %dma_start3A_19 = arith.constant 0 : i32
    %dma_start3A_20 = arith.constant 1 : i32
    %dma_start3A_21 = arith.constant 0 : i32
    %dma_start3A_22 = arith.constant 0 : i32
    %dma_start3A_23 = tpu.memref_slice %arg5[%dma_start3A_19, %dma_start3A_20, %dma_start3A_22] : memref<4x2x80xi32, #tpu.memory_space<vmem>> -> memref<1x1x80xi32, #tpu.memory_space<vmem>>
    %dma_start3A_24 = tpu.memref_squeeze %dma_start3A_23 : memref<1x1x80xi32, #tpu.memory_space<vmem>> -> memref<80xi32, #tpu.memory_space<vmem>>
    %dma_start3A_25 = tpu.memref_slice %arg3[%add3A_18] : memref<640000xi32, #tpu.memory_space<hbm>> -> memref<80xi32, #tpu.memory_space<hbm>>
    %dma_start3A_26 = tpu.memref_slice %arg9[%dma_start3A_21] : memref<4x!tpu.dma_semaphore, #tpu.memory_space<semaphore_mem>> -> memref<1x!tpu.dma_semaphore, #tpu.memory_space<semaphore_mem>>
    %dma_start3A_27 = tpu.memref_squeeze %dma_start3A_26 : memref<1x!tpu.dma_semaphore, #tpu.memory_space<semaphore_mem>> -> memref<!tpu.dma_semaphore, #tpu.memory_space<semaphore_mem>>
    %dma_start3A_28 = arith.constant 0 : i32
    %dma_start3A_29 = tpu.memref_slice %arg5[%dma_start3A_19, %dma_start3A_20, %dma_start3A_28] : memref<4x2x80xi32, #tpu.memory_space<vmem>> -> memref<1x1x80xi32, #tpu.memory_space<vmem>>
    %dma_start3A_30 = tpu.memref_squeeze %dma_start3A_29 : memref<1x1x80xi32, #tpu.memory_space<vmem>> -> memref<80xi32, #tpu.memory_space<vmem>>
    %dma_start3A_31 = tpu.memref_slice %arg3[%add3A_18] : memref<640000xi32, #tpu.memory_space<hbm>> -> memref<80xi32, #tpu.memory_space<hbm>>
    tpu.enqueue_dma source(%dma_start3A_31 : memref<80xi32, #tpu.memory_space<hbm>>) target(%dma_start3A_30 : memref<80xi32, #tpu.memory_space<vmem>>) target_semaphore(%dma_start3A_27 : memref<!tpu.dma_semaphore, #tpu.memory_space<semaphore_mem>>)
    %add3A_32 = arith.constant 80 : i32
    %add3A_33 = arith.addi %mul3A_2, %add3A_32 : i32
    %dma_start3A_34 = arith.constant 1 : i32
    %dma_start3A_35 = arith.constant 0 : i32
    %dma_start3A_36 = arith.constant 1 : i32
    %dma_start3A_37 = arith.constant 0 : i32
    %dma_start3A_38 = tpu.memref_slice %arg5[%dma_start3A_34, %dma_start3A_35, %dma_start3A_37] : memref<4x2x80xi32, #tpu.memory_space<vmem>> -> memref<1x1x80xi32, #tpu.memory_space<vmem>>
    %dma_start3A_39 = tpu.memref_squeeze %dma_start3A_38 : memref<1x1x80xi32, #tpu.memory_space<vmem>> -> memref<80xi32, #tpu.memory_space<vmem>>
    %dma_start3A_40 = tpu.memref_slice %arg3[%add3A_33] : memref<640000xi32, #tpu.memory_space<hbm>> -> memref<80xi32, #tpu.memory_space<hbm>>
    %dma_start3A_41 = tpu.memref_slice %arg9[%dma_start3A_36] : memref<4x!tpu.dma_semaphore, #tpu.memory_space<semaphore_mem>> -> memref<1x!tpu.dma_semaphore, #tpu.memory_space<semaphore_mem>>
    %dma_start3A_42 = tpu.memref_squeeze %dma_start3A_41 : memref<1x!tpu.dma_semaphore, #tpu.memory_space<semaphore_mem>> -> memref<!tpu.dma_semaphore, #tpu.memory_space<semaphore_mem>>
    %dma_start3A_43 = arith.constant 0 : i32
    %dma_start3A_44 = tpu.memref_slice %arg5[%dma_start3A_34, %dma_start3A_35, %dma_start3A_43] : memref<4x2x80xi32, #tpu.memory_space<vmem>> -> memref<1x1x80xi32, #tpu.memory_space<vmem>>
    %dma_start3A_45 = tpu.memref_squeeze %dma_start3A_44 : memref<1x1x80xi32, #tpu.memory_space<vmem>> -> memref<80xi32, #tpu.memory_space<vmem>>
    %dma_start3A_46 = tpu.memref_slice %arg3[%add3A_33] : memref<640000xi32, #tpu.memory_space<hbm>> -> memref<80xi32, #tpu.memory_space<hbm>>
    tpu.enqueue_dma source(%dma_start3A_46 : memref<80xi32, #tpu.memory_space<hbm>>) target(%dma_start3A_45 : memref<80xi32, #tpu.memory_space<vmem>>) target_semaphore(%dma_start3A_42 : memref<!tpu.dma_semaphore, #tpu.memory_space<semaphore_mem>>)
    %add3A_47 = arith.constant 320000 : i32
    %add3A_48 = arith.addi %add3A_47, %add3A_33 : i32
    %dma_start3A_49 = arith.constant 1 : i32
    %dma_start3A_50 = arith.constant 1 : i32
    %dma_start3A_51 = arith.constant 1 : i32
    %dma_start3A_52 = arith.constant 0 : i32
    %dma_start3A_53 = tpu.memref_slice %arg5[%dma_start3A_49, %dma_start3A_50, %dma_start3A_52] : memref<4x2x80xi32, #tpu.memory_space<vmem>> -> memref<1x1x80xi32, #tpu.memory_space<vmem>>
    %dma_start3A_54 = tpu.memref_squeeze %dma_start3A_53 : memref<1x1x80xi32, #tpu.memory_space<vmem>> -> memref<80xi32, #tpu.memory_space<vmem>>
    %dma_start3A_55 = tpu.memref_slice %arg3[%add3A_48] : memref<640000xi32, #tpu.memory_space<hbm>> -> memref<80xi32, #tpu.memory_space<hbm>>
    %dma_start3A_56 = tpu.memref_slice %arg9[%dma_start3A_51] : memref<4x!tpu.dma_semaphore, #tpu.memory_space<semaphore_mem>> -> memref<1x!tpu.dma_semaphore, #tpu.memory_space<semaphore_mem>>
    %dma_start3A_57 = tpu.memref_squeeze %dma_start3A_56 : memref<1x!tpu.dma_semaphore, #tpu.memory_space<semaphore_mem>> -> memref<!tpu.dma_semaphore, #tpu.memory_space<semaphore_mem>>
    %dma_start3A_58 = arith.constant 0 : i32
    %dma_start3A_59 = tpu.memref_slice %arg5[%dma_start3A_49, %dma_start3A_50, %dma_start3A_58] : memref<4x2x80xi32, #tpu.memory_space<vmem>> -> memref<1x1x80xi32, #tpu.memory_space<vmem>>
    %dma_start3A_60 = tpu.memref_squeeze %dma_start3A_59 : memref<1x1x80xi32, #tpu.memory_space<vmem>> -> memref<80xi32, #tpu.memory_space<vmem>>
    %dma_start3A_61 = tpu.memref_slice %arg3[%add3A_48] : memref<640000xi32, #tpu.memory_space<hbm>> -> memref<80xi32, #tpu.memory_space<hbm>>
    tpu.enqueue_dma source(%dma_start3A_61 : memref<80xi32, #tpu.memory_space<hbm>>) target(%dma_start3A_60 : memref<80xi32, #tpu.memory_space<vmem>>) target_semaphore(%dma_start3A_57 : memref<!tpu.dma_semaphore, #tpu.memory_space<semaphore_mem>>)
    %add3A_62 = arith.constant 160 : i32
    %add3A_63 = arith.addi %mul3A_2, %add3A_62 : i32
    %dma_start3A_64 = arith.constant 2 : i32
    %dma_start3A_65 = arith.constant 0 : i32
    %dma_start3A_66 = arith.constant 2 : i32
    %dma_start3A_67 = arith.constant 0 : i32
    %dma_start3A_68 = tpu.memref_slice %arg5[%dma_start3A_64, %dma_start3A_65, %dma_start3A_67] : memref<4x2x80xi32, #tpu.memory_space<vmem>> -> memref<1x1x80xi32, #tpu.memory_space<vmem>>
    %dma_start3A_69 = tpu.memref_squeeze %dma_start3A_68 : memref<1x1x80xi32, #tpu.memory_space<vmem>> -> memref<80xi32, #tpu.memory_space<vmem>>
    %dma_start3A_70 = tpu.memref_slice %arg3[%add3A_63] : memref<640000xi32, #tpu.memory_space<hbm>> -> memref<80xi32, #tpu.memory_space<hbm>>
    %dma_start3A_71 = tpu.memref_slice %arg9[%dma_start3A_66] : memref<4x!tpu.dma_semaphore, #tpu.memory_space<semaphore_mem>> -> memref<1x!tpu.dma_semaphore, #tpu.memory_space<semaphore_mem>>
    %dma_start3A_72 = tpu.memref_squeeze %dma_start3A_71 : memref<1x!tpu.dma_semaphore, #tpu.memory_space<semaphore_mem>> -> memref<!tpu.dma_semaphore, #tpu.memory_space<semaphore_mem>>
    %dma_start3A_73 = arith.constant 0 : i32
    %dma_start3A_74 = tpu.memref_slice %arg5[%dma_start3A_64, %dma_start3A_65, %dma_start3A_73] : memref<4x2x80xi32, #tpu.memory_space<vmem>> -> memref<1x1x80xi32, #tpu.memory_space<vmem>>
    %dma_start3A_75 = tpu.memref_squeeze %dma_start3A_74 : memref<1x1x80xi32, #tpu.memory_space<vmem>> -> memref<80xi32, #tpu.memory_space<vmem>>
    %dma_start3A_76 = tpu.memref_slice %arg3[%add3A_63] : memref<640000xi32, #tpu.memory_space<hbm>> -> memref<80xi32, #tpu.memory_space<hbm>>
    tpu.enqueue_dma source(%dma_start3A_76 : memref<80xi32, #tpu.memory_space<hbm>>) target(%dma_start3A_75 : memref<80xi32, #tpu.memory_space<vmem>>) target_semaphore(%dma_start3A_72 : memref<!tpu.dma_semaphore, #tpu.memory_space<semaphore_mem>>)
    %add3A_77 = arith.constant 320000 : i32
    %add3A_78 = arith.addi %add3A_77, %add3A_63 : i32
    %dma_start3A_79 = arith.constant 2 : i32
    %dma_start3A_80 = arith.constant 1 : i32
    %dma_start3A_81 = arith.constant 2 : i32
    %dma_start3A_82 = arith.constant 0 : i32
    %dma_start3A_83 = tpu.memref_slice %arg5[%dma_start3A_79, %dma_start3A_80, %dma_start3A_82] : memref<4x2x80xi32, #tpu.memory_space<vmem>> -> memref<1x1x80xi32, #tpu.memory_space<vmem>>
    %dma_start3A_84 = tpu.memref_squeeze %dma_start3A_83 : memref<1x1x80xi32, #tpu.memory_space<vmem>> -> memref<80xi32, #tpu.memory_space<vmem>>
    %dma_start3A_85 = tpu.memref_slice %arg3[%add3A_78] : memref<640000xi32, #tpu.memory_space<hbm>> -> memref<80xi32, #tpu.memory_space<hbm>>
    %dma_start3A_86 = tpu.memref_slice %arg9[%dma_start3A_81] : memref<4x!tpu.dma_semaphore, #tpu.memory_space<semaphore_mem>> -> memref<1x!tpu.dma_semaphore, #tpu.memory_space<semaphore_mem>>
    %dma_start3A_87 = tpu.memref_squeeze %dma_start3A_86 : memref<1x!tpu.dma_semaphore, #tpu.memory_space<semaphore_mem>> -> memref<!tpu.dma_semaphore, #tpu.memory_space<semaphore_mem>>
    %dma_start3A_88 = arith.constant 0 : i32
    %dma_start3A_89 = tpu.memref_slice %arg5[%dma_start3A_79, %dma_start3A_80, %dma_start3A_88] : memref<4x2x80xi32, #tpu.memory_space<vmem>> -> memref<1x1x80xi32, #tpu.memory_space<vmem>>
    %dma_start3A_90 = tpu.memref_squeeze %dma_start3A_89 : memref<1x1x80xi32, #tpu.memory_space<vmem>> -> memref<80xi32, #tpu.memory_space<vmem>>
    %dma_start3A_91 = tpu.memref_slice %arg3[%add3A_78] : memref<640000xi32, #tpu.memory_space<hbm>> -> memref<80xi32, #tpu.memory_space<hbm>>
    tpu.enqueue_dma source(%dma_start3A_91 : memref<80xi32, #tpu.memory_space<hbm>>) target(%dma_start3A_90 : memref<80xi32, #tpu.memory_space<vmem>>) target_semaphore(%dma_start3A_87 : memref<!tpu.dma_semaphore, #tpu.memory_space<semaphore_mem>>)
    %add3A_92 = arith.constant 0 : i32
    %add3A_93 = arith.addi %mul3A_2, %add3A_92 : i32
    %dma_wait3A = arith.constant 0 : i32
    %dma_wait3A_94 = arith.constant 0 : i32
    %dma_wait3A_95 = arith.constant 0 : i32
    %dma_wait3A_96 = arith.constant 0 : i32
    %dma_wait3A_97 = tpu.memref_slice %arg5[%dma_wait3A, %dma_wait3A_94, %dma_wait3A_96] : memref<4x2x80xi32, #tpu.memory_space<vmem>> -> memref<1x1x80xi32, #tpu.memory_space<vmem>>
    %dma_wait3A_98 = tpu.memref_squeeze %dma_wait3A_97 : memref<1x1x80xi32, #tpu.memory_space<vmem>> -> memref<80xi32, #tpu.memory_space<vmem>>
    %dma_wait3A_99 = tpu.memref_slice %arg3[%add3A_93] : memref<640000xi32, #tpu.memory_space<hbm>> -> memref<80xi32, #tpu.memory_space<hbm>>
    %dma_wait3A_100 = tpu.memref_slice %arg9[%dma_wait3A_95] : memref<4x!tpu.dma_semaphore, #tpu.memory_space<semaphore_mem>> -> memref<1x!tpu.dma_semaphore, #tpu.memory_space<semaphore_mem>>
    %dma_wait3A_101 = tpu.memref_squeeze %dma_wait3A_100 : memref<1x!tpu.dma_semaphore, #tpu.memory_space<semaphore_mem>> -> memref<!tpu.dma_semaphore, #tpu.memory_space<semaphore_mem>>
    %dma_wait3A_102 = arith.constant 0 : i32
    %dma_wait3A_103 = tpu.memref_slice %arg5[%dma_wait3A, %dma_wait3A_94, %dma_wait3A_102] : memref<4x2x80xi32, #tpu.memory_space<vmem>> -> memref<1x1x80xi32, #tpu.memory_space<vmem>>
    %dma_wait3A_104 = tpu.memref_squeeze %dma_wait3A_103 : memref<1x1x80xi32, #tpu.memory_space<vmem>> -> memref<80xi32, #tpu.memory_space<vmem>>
    %dma_wait3A_105 = tpu.memref_slice %arg3[%add3A_93] : memref<640000xi32, #tpu.memory_space<hbm>> -> memref<80xi32, #tpu.memory_space<hbm>>
    tpu.wait_dma2 semaphore(%dma_wait3A_101 : memref<!tpu.dma_semaphore, #tpu.memory_space<semaphore_mem>>) src(%dma_wait3A_105 : memref<80xi32, #tpu.memory_space<hbm>>) dst(%dma_wait3A_104 : memref<80xi32, #tpu.memory_space<vmem>>)
    %add3A_106 = arith.constant 320000 : i32
    %add3A_107 = arith.addi %add3A_106, %add3A_93 : i32
    %dma_wait3A_108 = arith.constant 0 : i32
    %dma_wait3A_109 = arith.constant 1 : i32
    %dma_wait3A_110 = arith.constant 0 : i32
    %dma_wait3A_111 = arith.constant 0 : i32
    %dma_wait3A_112 = tpu.memref_slice %arg5[%dma_wait3A_108, %dma_wait3A_109, %dma_wait3A_111] : memref<4x2x80xi32, #tpu.memory_space<vmem>> -> memref<1x1x80xi32, #tpu.memory_space<vmem>>
    %dma_wait3A_113 = tpu.memref_squeeze %dma_wait3A_112 : memref<1x1x80xi32, #tpu.memory_space<vmem>> -> memref<80xi32, #tpu.memory_space<vmem>>
    %dma_wait3A_114 = tpu.memref_slice %arg3[%add3A_107] : memref<640000xi32, #tpu.memory_space<hbm>> -> memref<80xi32, #tpu.memory_space<hbm>>
    %dma_wait3A_115 = tpu.memref_slice %arg9[%dma_wait3A_110] : memref<4x!tpu.dma_semaphore, #tpu.memory_space<semaphore_mem>> -> memref<1x!tpu.dma_semaphore, #tpu.memory_space<semaphore_mem>>
    %dma_wait3A_116 = tpu.memref_squeeze %dma_wait3A_115 : memref<1x!tpu.dma_semaphore, #tpu.memory_space<semaphore_mem>> -> memref<!tpu.dma_semaphore, #tpu.memory_space<semaphore_mem>>
    %dma_wait3A_117 = arith.constant 0 : i32
    %dma_wait3A_118 = tpu.memref_slice %arg5[%dma_wait3A_108, %dma_wait3A_109, %dma_wait3A_117] : memref<4x2x80xi32, #tpu.memory_space<vmem>> -> memref<1x1x80xi32, #tpu.memory_space<vmem>>
    %dma_wait3A_119 = tpu.memref_squeeze %dma_wait3A_118 : memref<1x1x80xi32, #tpu.memory_space<vmem>> -> memref<80xi32, #tpu.memory_space<vmem>>
    %dma_wait3A_120 = tpu.memref_slice %arg3[%add3A_107] : memref<640000xi32, #tpu.memory_space<hbm>> -> memref<80xi32, #tpu.memory_space<hbm>>
    tpu.wait_dma2 semaphore(%dma_wait3A_116 : memref<!tpu.dma_semaphore, #tpu.memory_space<semaphore_mem>>) src(%dma_wait3A_120 : memref<80xi32, #tpu.memory_space<hbm>>) dst(%dma_wait3A_119 : memref<80xi32, #tpu.memory_space<vmem>>)
    %dma_start3A_121 = arith.constant 0 : i32
    %dma_start3A_122 = arith.constant 0 : i32
    %dma_start3A_123 = arith.constant 0 : i32
    %dma_start3A_124 = arith.constant 0 : i32
    %dma_start3A_125 = arith.constant 0 : i32
    %dma_start3A_126 = arith.constant 0 : i32
    %dma_start3A_127 = tpu.memref_slice %arg6[%dma_start3A_123, %dma_start3A_125, %dma_start3A_126] : memref<4x80x128xf32, #tpu.memory_space<vmem>> -> memref<1x80x128xf32, #tpu.memory_space<vmem>>
    %dma_start3A_128 = tpu.memref_squeeze %dma_start3A_127 : memref<1x80x128xf32, #tpu.memory_space<vmem>> -> memref<80x128xf32, #tpu.memory_space<vmem>>
    %dma_start3A_129 = arith.constant 0 : i32
    %dma_start3A_130 = tpu.memref_slice %arg5[%dma_start3A_121, %dma_start3A_122, %dma_start3A_129] : memref<4x2x80xi32, #tpu.memory_space<vmem>> -> memref<1x1x80xi32, #tpu.memory_space<vmem>>
    %dma_start3A_131 = tpu.memref_squeeze %dma_start3A_130 : memref<1x1x80xi32, #tpu.memory_space<vmem>> -> memref<80xi32, #tpu.memory_space<vmem>>
    %dma_start3A_132 = arith.constant 0 : i32
    %dma_start3A_133 = arith.constant 0 : i32
    %dma_start3A_134 = tpu.memref_slice %arg2[%dma_start3A_132, %dma_start3A_133] : memref<10000x128xf32, #tpu.memory_space<hbm>> -> memref<10000x128xf32, #tpu.memory_space<hbm>>
    %dma_start3A_135 = tpu.memref_slice %arg10[%dma_start3A_124] : memref<4x!tpu.dma_semaphore, #tpu.memory_space<semaphore_mem>> -> memref<1x!tpu.dma_semaphore, #tpu.memory_space<semaphore_mem>>
    %dma_start3A_136 = tpu.memref_squeeze %dma_start3A_135 : memref<1x!tpu.dma_semaphore, #tpu.memory_space<semaphore_mem>> -> memref<!tpu.dma_semaphore, #tpu.memory_space<semaphore_mem>>
    tpu.enqueue_indirect_dma source(%dma_start3A_134 : memref<10000x128xf32, #tpu.memory_space<hbm>>) target(%dma_start3A_128 : memref<80x128xf32, #tpu.memory_space<vmem>>) offsets(%dma_start3A_131 : memref<80xi32, #tpu.memory_space<vmem>>) semaphore(%dma_start3A_136 : memref<!tpu.dma_semaphore, #tpu.memory_space<semaphore_mem>>)
    %dma_start3A_137 = arith.constant 0 : i32
    %dma_start3A_138 = arith.constant 1 : i32
    %dma_start3A_139 = arith.constant 0 : i32
    %dma_start3A_140 = arith.constant 0 : i32
    %dma_start3A_141 = arith.constant 0 : i32
    %dma_start3A_142 = arith.constant 0 : i32
    %dma_start3A_143 = tpu.memref_slice %arg7[%dma_start3A_139, %dma_start3A_141, %dma_start3A_142] : memref<4x80x128xf32, #tpu.memory_space<vmem>> -> memref<1x80x128xf32, #tpu.memory_space<vmem>>
    %dma_start3A_144 = tpu.memref_squeeze %dma_start3A_143 : memref<1x80x128xf32, #tpu.memory_space<vmem>> -> memref<80x128xf32, #tpu.memory_space<vmem>>
    %dma_start3A_145 = arith.constant 0 : i32
    %dma_start3A_146 = tpu.memref_slice %arg5[%dma_start3A_137, %dma_start3A_138, %dma_start3A_145] : memref<4x2x80xi32, #tpu.memory_space<vmem>> -> memref<1x1x80xi32, #tpu.memory_space<vmem>>
    %dma_start3A_147 = tpu.memref_squeeze %dma_start3A_146 : memref<1x1x80xi32, #tpu.memory_space<vmem>> -> memref<80xi32, #tpu.memory_space<vmem>>
    %dma_start3A_148 = arith.constant 0 : i32
    %dma_start3A_149 = arith.constant 0 : i32
    %dma_start3A_150 = tpu.memref_slice %arg2[%dma_start3A_148, %dma_start3A_149] : memref<10000x128xf32, #tpu.memory_space<hbm>> -> memref<10000x128xf32, #tpu.memory_space<hbm>>
    %dma_start3A_151 = tpu.memref_slice %arg11[%dma_start3A_140] : memref<4x!tpu.dma_semaphore, #tpu.memory_space<semaphore_mem>> -> memref<1x!tpu.dma_semaphore, #tpu.memory_space<semaphore_mem>>
    %dma_start3A_152 = tpu.memref_squeeze %dma_start3A_151 : memref<1x!tpu.dma_semaphore, #tpu.memory_space<semaphore_mem>> -> memref<!tpu.dma_semaphore, #tpu.memory_space<semaphore_mem>>
    tpu.enqueue_indirect_dma source(%dma_start3A_150 : memref<10000x128xf32, #tpu.memory_space<hbm>>) target(%dma_start3A_144 : memref<80x128xf32, #tpu.memory_space<vmem>>) offsets(%dma_start3A_147 : memref<80xi32, #tpu.memory_space<vmem>>) semaphore(%dma_start3A_152 : memref<!tpu.dma_semaphore, #tpu.memory_space<semaphore_mem>>)
    %add3A_153 = arith.constant 80 : i32
    %add3A_154 = arith.addi %mul3A_2, %add3A_153 : i32
    %dma_wait3A_155 = arith.constant 1 : i32
    %dma_wait3A_156 = arith.constant 0 : i32
    %dma_wait3A_157 = arith.constant 1 : i32
    %dma_wait3A_158 = arith.constant 0 : i32
    %dma_wait3A_159 = tpu.memref_slice %arg5[%dma_wait3A_155, %dma_wait3A_156, %dma_wait3A_158] : memref<4x2x80xi32, #tpu.memory_space<vmem>> -> memref<1x1x80xi32, #tpu.memory_space<vmem>>
    %dma_wait3A_160 = tpu.memref_squeeze %dma_wait3A_159 : memref<1x1x80xi32, #tpu.memory_space<vmem>> -> memref<80xi32, #tpu.memory_space<vmem>>
    %dma_wait3A_161 = tpu.memref_slice %arg3[%add3A_154] : memref<640000xi32, #tpu.memory_space<hbm>> -> memref<80xi32, #tpu.memory_space<hbm>>
    %dma_wait3A_162 = tpu.memref_slice %arg9[%dma_wait3A_157] : memref<4x!tpu.dma_semaphore, #tpu.memory_space<semaphore_mem>> -> memref<1x!tpu.dma_semaphore, #tpu.memory_space<semaphore_mem>>
    %dma_wait3A_163 = tpu.memref_squeeze %dma_wait3A_162 : memref<1x!tpu.dma_semaphore, #tpu.memory_space<semaphore_mem>> -> memref<!tpu.dma_semaphore, #tpu.memory_space<semaphore_mem>>
    %dma_wait3A_164 = arith.constant 0 : i32
    %dma_wait3A_165 = tpu.memref_slice %arg5[%dma_wait3A_155, %dma_wait3A_156, %dma_wait3A_164] : memref<4x2x80xi32, #tpu.memory_space<vmem>> -> memref<1x1x80xi32, #tpu.memory_space<vmem>>
    %dma_wait3A_166 = tpu.memref_squeeze %dma_wait3A_165 : memref<1x1x80xi32, #tpu.memory_space<vmem>> -> memref<80xi32, #tpu.memory_space<vmem>>
    %dma_wait3A_167 = tpu.memref_slice %arg3[%add3A_154] : memref<640000xi32, #tpu.memory_space<hbm>> -> memref<80xi32, #tpu.memory_space<hbm>>
    tpu.wait_dma2 semaphore(%dma_wait3A_163 : memref<!tpu.dma_semaphore, #tpu.memory_space<semaphore_mem>>) src(%dma_wait3A_167 : memref<80xi32, #tpu.memory_space<hbm>>) dst(%dma_wait3A_166 : memref<80xi32, #tpu.memory_space<vmem>>)
    %add3A_168 = arith.constant 320000 : i32
    %add3A_169 = arith.addi %add3A_168, %add3A_154 : i32
    %dma_wait3A_170 = arith.constant 1 : i32
    %dma_wait3A_171 = arith.constant 1 : i32
    %dma_wait3A_172 = arith.constant 1 : i32
    %dma_wait3A_173 = arith.constant 0 : i32
    %dma_wait3A_174 = tpu.memref_slice %arg5[%dma_wait3A_170, %dma_wait3A_171, %dma_wait3A_173] : memref<4x2x80xi32, #tpu.memory_space<vmem>> -> memref<1x1x80xi32, #tpu.memory_space<vmem>>
    %dma_wait3A_175 = tpu.memref_squeeze %dma_wait3A_174 : memref<1x1x80xi32, #tpu.memory_space<vmem>> -> memref<80xi32, #tpu.memory_space<vmem>>
    %dma_wait3A_176 = tpu.memref_slice %arg3[%add3A_169] : memref<640000xi32, #tpu.memory_space<hbm>> -> memref<80xi32, #tpu.memory_space<hbm>>
    %dma_wait3A_177 = tpu.memref_slice %arg9[%dma_wait3A_172] : memref<4x!tpu.dma_semaphore, #tpu.memory_space<semaphore_mem>> -> memref<1x!tpu.dma_semaphore, #tpu.memory_space<semaphore_mem>>
    %dma_wait3A_178 = tpu.memref_squeeze %dma_wait3A_177 : memref<1x!tpu.dma_semaphore, #tpu.memory_space<semaphore_mem>> -> memref<!tpu.dma_semaphore, #tpu.memory_space<semaphore_mem>>
    %dma_wait3A_179 = arith.constant 0 : i32
    %dma_wait3A_180 = tpu.memref_slice %arg5[%dma_wait3A_170, %dma_wait3A_171, %dma_wait3A_179] : memref<4x2x80xi32, #tpu.memory_space<vmem>> -> memref<1x1x80xi32, #tpu.memory_space<vmem>>
    %dma_wait3A_181 = tpu.memref_squeeze %dma_wait3A_180 : memref<1x1x80xi32, #tpu.memory_space<vmem>> -> memref<80xi32, #tpu.memory_space<vmem>>
    %dma_wait3A_182 = tpu.memref_slice %arg3[%add3A_169] : memref<640000xi32, #tpu.memory_space<hbm>> -> memref<80xi32, #tpu.memory_space<hbm>>
    tpu.wait_dma2 semaphore(%dma_wait3A_178 : memref<!tpu.dma_semaphore, #tpu.memory_space<semaphore_mem>>) src(%dma_wait3A_182 : memref<80xi32, #tpu.memory_space<hbm>>) dst(%dma_wait3A_181 : memref<80xi32, #tpu.memory_space<vmem>>)
    %dma_start3A_183 = arith.constant 1 : i32
    %dma_start3A_184 = arith.constant 0 : i32
    %dma_start3A_185 = arith.constant 1 : i32
    %dma_start3A_186 = arith.constant 1 : i32
    %dma_start3A_187 = arith.constant 0 : i32
    %dma_start3A_188 = arith.constant 0 : i32
    %dma_start3A_189 = tpu.memref_slice %arg6[%dma_start3A_185, %dma_start3A_187, %dma_start3A_188] : memref<4x80x128xf32, #tpu.memory_space<vmem>> -> memref<1x80x128xf32, #tpu.memory_space<vmem>>
    %dma_start3A_190 = tpu.memref_squeeze %dma_start3A_189 : memref<1x80x128xf32, #tpu.memory_space<vmem>> -> memref<80x128xf32, #tpu.memory_space<vmem>>
    %dma_start3A_191 = arith.constant 0 : i32
    %dma_start3A_192 = tpu.memref_slice %arg5[%dma_start3A_183, %dma_start3A_184, %dma_start3A_191] : memref<4x2x80xi32, #tpu.memory_space<vmem>> -> memref<1x1x80xi32, #tpu.memory_space<vmem>>
    %dma_start3A_193 = tpu.memref_squeeze %dma_start3A_192 : memref<1x1x80xi32, #tpu.memory_space<vmem>> -> memref<80xi32, #tpu.memory_space<vmem>>
    %dma_start3A_194 = arith.constant 0 : i32
    %dma_start3A_195 = arith.constant 0 : i32
    %dma_start3A_196 = tpu.memref_slice %arg2[%dma_start3A_194, %dma_start3A_195] : memref<10000x128xf32, #tpu.memory_space<hbm>> -> memref<10000x128xf32, #tpu.memory_space<hbm>>
    %dma_start3A_197 = tpu.memref_slice %arg10[%dma_start3A_186] : memref<4x!tpu.dma_semaphore, #tpu.memory_space<semaphore_mem>> -> memref<1x!tpu.dma_semaphore, #tpu.memory_space<semaphore_mem>>
    %dma_start3A_198 = tpu.memref_squeeze %dma_start3A_197 : memref<1x!tpu.dma_semaphore, #tpu.memory_space<semaphore_mem>> -> memref<!tpu.dma_semaphore, #tpu.memory_space<semaphore_mem>>
    tpu.enqueue_indirect_dma source(%dma_start3A_196 : memref<10000x128xf32, #tpu.memory_space<hbm>>) target(%dma_start3A_190 : memref<80x128xf32, #tpu.memory_space<vmem>>) offsets(%dma_start3A_193 : memref<80xi32, #tpu.memory_space<vmem>>) semaphore(%dma_start3A_198 : memref<!tpu.dma_semaphore, #tpu.memory_space<semaphore_mem>>)
    %dma_start3A_199 = arith.constant 1 : i32
    %dma_start3A_200 = arith.constant 1 : i32
    %dma_start3A_201 = arith.constant 1 : i32
    %dma_start3A_202 = arith.constant 1 : i32
    %dma_start3A_203 = arith.constant 0 : i32
    %dma_start3A_204 = arith.constant 0 : i32
    %dma_start3A_205 = tpu.memref_slice %arg7[%dma_start3A_201, %dma_start3A_203, %dma_start3A_204] : memref<4x80x128xf32, #tpu.memory_space<vmem>> -> memref<1x80x128xf32, #tpu.memory_space<vmem>>
    %dma_start3A_206 = tpu.memref_squeeze %dma_start3A_205 : memref<1x80x128xf32, #tpu.memory_space<vmem>> -> memref<80x128xf32, #tpu.memory_space<vmem>>
    %dma_start3A_207 = arith.constant 0 : i32
    %dma_start3A_208 = tpu.memref_slice %arg5[%dma_start3A_199, %dma_start3A_200, %dma_start3A_207] : memref<4x2x80xi32, #tpu.memory_space<vmem>> -> memref<1x1x80xi32, #tpu.memory_space<vmem>>
    %dma_start3A_209 = tpu.memref_squeeze %dma_start3A_208 : memref<1x1x80xi32, #tpu.memory_space<vmem>> -> memref<80xi32, #tpu.memory_space<vmem>>
    %dma_start3A_210 = arith.constant 0 : i32
    %dma_start3A_211 = arith.constant 0 : i32
    %dma_start3A_212 = tpu.memref_slice %arg2[%dma_start3A_210, %dma_start3A_211] : memref<10000x128xf32, #tpu.memory_space<hbm>> -> memref<10000x128xf32, #tpu.memory_space<hbm>>
    %dma_start3A_213 = tpu.memref_slice %arg11[%dma_start3A_202] : memref<4x!tpu.dma_semaphore, #tpu.memory_space<semaphore_mem>> -> memref<1x!tpu.dma_semaphore, #tpu.memory_space<semaphore_mem>>
    %dma_start3A_214 = tpu.memref_squeeze %dma_start3A_213 : memref<1x!tpu.dma_semaphore, #tpu.memory_space<semaphore_mem>> -> memref<!tpu.dma_semaphore, #tpu.memory_space<semaphore_mem>>
    tpu.enqueue_indirect_dma source(%dma_start3A_212 : memref<10000x128xf32, #tpu.memory_space<hbm>>) target(%dma_start3A_206 : memref<80x128xf32, #tpu.memory_space<vmem>>) offsets(%dma_start3A_209 : memref<80xi32, #tpu.memory_space<vmem>>) semaphore(%dma_start3A_214 : memref<!tpu.dma_semaphore, #tpu.memory_space<semaphore_mem>>)
    %scan3A = arith.constant 0 : i32
    %scan3A_215 = arith.constant 0 : i32
    %scan3A_216 = arith.constant 125 : i32
    %scan3A_217 = arith.addi %scan3A_215, %scan3A_216 : i32
    %scan3A_218 = arith.constant 1 : i32
    scf.for %scan3A_292 = %scan3A_215 to %scan3A_217 step %scan3A_218  : i32 {
      %rem3A = arith.constant 4 : i32
      %rem3A_293 = arith.remsi %scan3A_292, %rem3A : i32
      %add3A_294 = arith.constant 2 : i32
      %add3A_295 = arith.addi %scan3A_292, %add3A_294 : i32
      %rem3A_296 = arith.constant 4 : i32
      %rem3A_297 = arith.remsi %add3A_295, %rem3A_296 : i32
      %add3A_298 = arith.constant 3 : i32
      %add3A_299 = arith.addi %scan3A_292, %add3A_298 : i32
      %rem3A_300 = arith.constant 4 : i32
      %rem3A_301 = arith.remsi %add3A_299, %rem3A_300 : i32
      %add3A_302 = arith.constant 3 : i32
      %add3A_303 = arith.addi %scan3A_292, %add3A_302 : i32
      %lt3A = arith.constant 125 : i32
      %lt3A_304 = arith.cmpi slt, %add3A_303, %lt3A : i32
      %convert_element_type3A = arith.extui %lt3A_304 : i1 to i32
      %cond3A = arith.constant 0 : i32
      %cond3A_305 = arith.cmpi ne, %convert_element_type3A, %cond3A : i32
      scf.if %cond3A_305 {
        %add3A_358 = arith.constant 3 : i32
        %add3A_359 = arith.addi %scan3A_292, %add3A_358 : i32
        %mul3A_360 = arith.constant 80 : i32
        %mul3A_361 = arith.muli %add3A_359, %mul3A_360 : i32
        %add3A_362 = arith.addi %mul3A_2, %mul3A_361 : i32
        %dma_start3A_363 = arith.constant 0 : i32
        %dma_start3A_364 = arith.constant 0 : i32
        %dma_start3A_365 = tpu.memref_slice %arg5[%rem3A_301, %dma_start3A_363, %dma_start3A_364] : memref<4x2x80xi32, #tpu.memory_space<vmem>> -> memref<1x1x80xi32, #tpu.memory_space<vmem>>
        %dma_start3A_366 = tpu.memref_squeeze %dma_start3A_365 : memref<1x1x80xi32, #tpu.memory_space<vmem>> -> memref<80xi32, #tpu.memory_space<vmem>>
        %dma_start3A_367 = tpu.memref_slice %arg3[%add3A_362] : memref<640000xi32, #tpu.memory_space<hbm>> -> memref<80xi32, #tpu.memory_space<hbm>>
        %dma_start3A_368 = tpu.memref_slice %arg9[%rem3A_301] : memref<4x!tpu.dma_semaphore, #tpu.memory_space<semaphore_mem>> -> memref<1x!tpu.dma_semaphore, #tpu.memory_space<semaphore_mem>>
        %dma_start3A_369 = tpu.memref_squeeze %dma_start3A_368 : memref<1x!tpu.dma_semaphore, #tpu.memory_space<semaphore_mem>> -> memref<!tpu.dma_semaphore, #tpu.memory_space<semaphore_mem>>
        %dma_start3A_370 = arith.constant 0 : i32
        %dma_start3A_371 = tpu.memref_slice %arg5[%rem3A_301, %dma_start3A_363, %dma_start3A_370] : memref<4x2x80xi32, #tpu.memory_space<vmem>> -> memref<1x1x80xi32, #tpu.memory_space<vmem>>
        %dma_start3A_372 = tpu.memref_squeeze %dma_start3A_371 : memref<1x1x80xi32, #tpu.memory_space<vmem>> -> memref<80xi32, #tpu.memory_space<vmem>>
        %dma_start3A_373 = tpu.memref_slice %arg3[%add3A_362] : memref<640000xi32, #tpu.memory_space<hbm>> -> memref<80xi32, #tpu.memory_space<hbm>>
        tpu.enqueue_dma source(%dma_start3A_373 : memref<80xi32, #tpu.memory_space<hbm>>) target(%dma_start3A_372 : memref<80xi32, #tpu.memory_space<vmem>>) target_semaphore(%dma_start3A_369 : memref<!tpu.dma_semaphore, #tpu.memory_space<semaphore_mem>>)
        %add3A_374 = arith.constant 320000 : i32
        %add3A_375 = arith.addi %add3A_374, %add3A_362 : i32
        %dma_start3A_376 = arith.constant 1 : i32
        %dma_start3A_377 = arith.constant 0 : i32
        %dma_start3A_378 = tpu.memref_slice %arg5[%rem3A_301, %dma_start3A_376, %dma_start3A_377] : memref<4x2x80xi32, #tpu.memory_space<vmem>> -> memref<1x1x80xi32, #tpu.memory_space<vmem>>
        %dma_start3A_379 = tpu.memref_squeeze %dma_start3A_378 : memref<1x1x80xi32, #tpu.memory_space<vmem>> -> memref<80xi32, #tpu.memory_space<vmem>>
        %dma_start3A_380 = tpu.memref_slice %arg3[%add3A_375] : memref<640000xi32, #tpu.memory_space<hbm>> -> memref<80xi32, #tpu.memory_space<hbm>>
        %dma_start3A_381 = tpu.memref_slice %arg9[%rem3A_301] : memref<4x!tpu.dma_semaphore, #tpu.memory_space<semaphore_mem>> -> memref<1x!tpu.dma_semaphore, #tpu.memory_space<semaphore_mem>>
        %dma_start3A_382 = tpu.memref_squeeze %dma_start3A_381 : memref<1x!tpu.dma_semaphore, #tpu.memory_space<semaphore_mem>> -> memref<!tpu.dma_semaphore, #tpu.memory_space<semaphore_mem>>
        %dma_start3A_383 = arith.constant 0 : i32
        %dma_start3A_384 = tpu.memref_slice %arg5[%rem3A_301, %dma_start3A_376, %dma_start3A_383] : memref<4x2x80xi32, #tpu.memory_space<vmem>> -> memref<1x1x80xi32, #tpu.memory_space<vmem>>
        %dma_start3A_385 = tpu.memref_squeeze %dma_start3A_384 : memref<1x1x80xi32, #tpu.memory_space<vmem>> -> memref<80xi32, #tpu.memory_space<vmem>>
        %dma_start3A_386 = tpu.memref_slice %arg3[%add3A_375] : memref<640000xi32, #tpu.memory_space<hbm>> -> memref<80xi32, #tpu.memory_space<hbm>>
        tpu.enqueue_dma source(%dma_start3A_386 : memref<80xi32, #tpu.memory_space<hbm>>) target(%dma_start3A_385 : memref<80xi32, #tpu.memory_space<vmem>>) target_semaphore(%dma_start3A_382 : memref<!tpu.dma_semaphore, #tpu.memory_space<semaphore_mem>>)
      } else {
      }
      %add3A_306 = arith.constant 2 : i32
      %add3A_307 = arith.addi %scan3A_292, %add3A_306 : i32
      %lt3A_308 = arith.constant 125 : i32
      %lt3A_309 = arith.cmpi slt, %add3A_307, %lt3A_308 : i32
      %convert_element_type3A_310 = arith.extui %lt3A_309 : i1 to i32
      %cond3A_311 = arith.constant 0 : i32
      %cond3A_312 = arith.cmpi ne, %convert_element_type3A_310, %cond3A_311 : i32
      scf.if %cond3A_312 {
        %add3A_358 = arith.constant 2 : i32
        %add3A_359 = arith.addi %scan3A_292, %add3A_358 : i32
        %mul3A_360 = arith.constant 80 : i32
        %mul3A_361 = arith.muli %add3A_359, %mul3A_360 : i32
        %add3A_362 = arith.addi %mul3A_2, %mul3A_361 : i32
        %dma_wait3A_363 = arith.constant 0 : i32
        %dma_wait3A_364 = arith.constant 0 : i32
        %dma_wait3A_365 = tpu.memref_slice %arg5[%rem3A_297, %dma_wait3A_363, %dma_wait3A_364] : memref<4x2x80xi32, #tpu.memory_space<vmem>> -> memref<1x1x80xi32, #tpu.memory_space<vmem>>
        %dma_wait3A_366 = tpu.memref_squeeze %dma_wait3A_365 : memref<1x1x80xi32, #tpu.memory_space<vmem>> -> memref<80xi32, #tpu.memory_space<vmem>>
        %dma_wait3A_367 = tpu.memref_slice %arg3[%add3A_362] : memref<640000xi32, #tpu.memory_space<hbm>> -> memref<80xi32, #tpu.memory_space<hbm>>
        %dma_wait3A_368 = tpu.memref_slice %arg9[%rem3A_297] : memref<4x!tpu.dma_semaphore, #tpu.memory_space<semaphore_mem>> -> memref<1x!tpu.dma_semaphore, #tpu.memory_space<semaphore_mem>>
        %dma_wait3A_369 = tpu.memref_squeeze %dma_wait3A_368 : memref<1x!tpu.dma_semaphore, #tpu.memory_space<semaphore_mem>> -> memref<!tpu.dma_semaphore, #tpu.memory_space<semaphore_mem>>
        %dma_wait3A_370 = arith.constant 0 : i32
        %dma_wait3A_371 = tpu.memref_slice %arg5[%rem3A_297, %dma_wait3A_363, %dma_wait3A_370] : memref<4x2x80xi32, #tpu.memory_space<vmem>> -> memref<1x1x80xi32, #tpu.memory_space<vmem>>
        %dma_wait3A_372 = tpu.memref_squeeze %dma_wait3A_371 : memref<1x1x80xi32, #tpu.memory_space<vmem>> -> memref<80xi32, #tpu.memory_space<vmem>>
        %dma_wait3A_373 = tpu.memref_slice %arg3[%add3A_362] : memref<640000xi32, #tpu.memory_space<hbm>> -> memref<80xi32, #tpu.memory_space<hbm>>
        tpu.wait_dma2 semaphore(%dma_wait3A_369 : memref<!tpu.dma_semaphore, #tpu.memory_space<semaphore_mem>>) src(%dma_wait3A_373 : memref<80xi32, #tpu.memory_space<hbm>>) dst(%dma_wait3A_372 : memref<80xi32, #tpu.memory_space<vmem>>)
        %add3A_374 = arith.constant 320000 : i32
        %add3A_375 = arith.addi %add3A_374, %add3A_362 : i32
        %dma_wait3A_376 = arith.constant 1 : i32
        %dma_wait3A_377 = arith.constant 0 : i32
        %dma_wait3A_378 = tpu.memref_slice %arg5[%rem3A_297, %dma_wait3A_376, %dma_wait3A_377] : memref<4x2x80xi32, #tpu.memory_space<vmem>> -> memref<1x1x80xi32, #tpu.memory_space<vmem>>
        %dma_wait3A_379 = tpu.memref_squeeze %dma_wait3A_378 : memref<1x1x80xi32, #tpu.memory_space<vmem>> -> memref<80xi32, #tpu.memory_space<vmem>>
        %dma_wait3A_380 = tpu.memref_slice %arg3[%add3A_375] : memref<640000xi32, #tpu.memory_space<hbm>> -> memref<80xi32, #tpu.memory_space<hbm>>
        %dma_wait3A_381 = tpu.memref_slice %arg9[%rem3A_297] : memref<4x!tpu.dma_semaphore, #tpu.memory_space<semaphore_mem>> -> memref<1x!tpu.dma_semaphore, #tpu.memory_space<semaphore_mem>>
        %dma_wait3A_382 = tpu.memref_squeeze %dma_wait3A_381 : memref<1x!tpu.dma_semaphore, #tpu.memory_space<semaphore_mem>> -> memref<!tpu.dma_semaphore, #tpu.memory_space<semaphore_mem>>
        %dma_wait3A_383 = arith.constant 0 : i32
        %dma_wait3A_384 = tpu.memref_slice %arg5[%rem3A_297, %dma_wait3A_376, %dma_wait3A_383] : memref<4x2x80xi32, #tpu.memory_space<vmem>> -> memref<1x1x80xi32, #tpu.memory_space<vmem>>
        %dma_wait3A_385 = tpu.memref_squeeze %dma_wait3A_384 : memref<1x1x80xi32, #tpu.memory_space<vmem>> -> memref<80xi32, #tpu.memory_space<vmem>>
        %dma_wait3A_386 = tpu.memref_slice %arg3[%add3A_375] : memref<640000xi32, #tpu.memory_space<hbm>> -> memref<80xi32, #tpu.memory_space<hbm>>
        tpu.wait_dma2 semaphore(%dma_wait3A_382 : memref<!tpu.dma_semaphore, #tpu.memory_space<semaphore_mem>>) src(%dma_wait3A_386 : memref<80xi32, #tpu.memory_space<hbm>>) dst(%dma_wait3A_385 : memref<80xi32, #tpu.memory_space<vmem>>)
        %ge3A = arith.constant 2 : i32
        %ge3A_387 = arith.cmpi sge, %scan3A_292, %ge3A : i32
        %convert_element_type3A_388 = arith.extui %ge3A_387 : i1 to i32
        %cond3A_389 = arith.constant 0 : i32
        %cond3A_390 = arith.cmpi ne, %convert_element_type3A_388, %cond3A_389 : i32
        scf.if %cond3A_390 {
          %sub3A = arith.constant 2 : i32
          %sub3A_417 = arith.subi %scan3A_292, %sub3A : i32
          %mul3A_418 = arith.constant 80 : i32
          %mul3A_419 = arith.muli %sub3A_417, %mul3A_418 : i32
          %add3A_420 = arith.addi %mul3A_2, %mul3A_419 : i32
          %dma_wait3A_421 = arith.constant 0 : i32
          %dma_wait3A_422 = arith.constant 0 : i32
          %dma_wait3A_423 = tpu.memref_slice %arg8[%rem3A_297, %dma_wait3A_421, %dma_wait3A_422] : memref<4x80x128xf32, #tpu.memory_space<vmem>> -> memref<1x80x128xf32, #tpu.memory_space<vmem>>
          %dma_wait3A_424 = tpu.memref_squeeze %dma_wait3A_423 : memref<1x80x128xf32, #tpu.memory_space<vmem>> -> memref<80x128xf32, #tpu.memory_space<vmem>>
          %dma_wait3A_425 = arith.constant 0 : i32
          %dma_wait3A_426 = tpu.memref_slice %arg4[%add3A_420, %dma_wait3A_425] : memref<320000x128xf32, #tpu.memory_space<hbm>> -> memref<80x128xf32, #tpu.memory_space<hbm>>
          %dma_wait3A_427 = tpu.memref_slice %arg12[%rem3A_297] : memref<4x!tpu.dma_semaphore, #tpu.memory_space<semaphore_mem>> -> memref<1x!tpu.dma_semaphore, #tpu.memory_space<semaphore_mem>>
          %dma_wait3A_428 = tpu.memref_squeeze %dma_wait3A_427 : memref<1x!tpu.dma_semaphore, #tpu.memory_space<semaphore_mem>> -> memref<!tpu.dma_semaphore, #tpu.memory_space<semaphore_mem>>
          %dma_wait3A_429 = arith.constant 0 : i32
          %dma_wait3A_430 = tpu.memref_slice %arg4[%add3A_420, %dma_wait3A_429] : memref<320000x128xf32, #tpu.memory_space<hbm>> -> memref<80x128xf32, #tpu.memory_space<hbm>>
          %dma_wait3A_431 = arith.constant 0 : i32
          %dma_wait3A_432 = arith.constant 0 : i32
          %dma_wait3A_433 = tpu.memref_slice %arg8[%rem3A_297, %dma_wait3A_431, %dma_wait3A_432] : memref<4x80x128xf32, #tpu.memory_space<vmem>> -> memref<1x80x128xf32, #tpu.memory_space<vmem>>
          %dma_wait3A_434 = tpu.memref_squeeze %dma_wait3A_433 : memref<1x80x128xf32, #tpu.memory_space<vmem>> -> memref<80x128xf32, #tpu.memory_space<vmem>>
          tpu.wait_dma2 semaphore(%dma_wait3A_428 : memref<!tpu.dma_semaphore, #tpu.memory_space<semaphore_mem>>) src(%dma_wait3A_434 : memref<80x128xf32, #tpu.memory_space<vmem>>) dst(%dma_wait3A_430 : memref<80x128xf32, #tpu.memory_space<hbm>>)
        } else {
        }
        %dma_start3A_391 = arith.constant 0 : i32
        %dma_start3A_392 = arith.constant 0 : i32
        %dma_start3A_393 = arith.constant 0 : i32
        %dma_start3A_394 = tpu.memref_slice %arg6[%rem3A_297, %dma_start3A_392, %dma_start3A_393] : memref<4x80x128xf32, #tpu.memory_space<vmem>> -> memref<1x80x128xf32, #tpu.memory_space<vmem>>
        %dma_start3A_395 = tpu.memref_squeeze %dma_start3A_394 : memref<1x80x128xf32, #tpu.memory_space<vmem>> -> memref<80x128xf32, #tpu.memory_space<vmem>>
        %dma_start3A_396 = arith.constant 0 : i32
        %dma_start3A_397 = tpu.memref_slice %arg5[%rem3A_297, %dma_start3A_391, %dma_start3A_396] : memref<4x2x80xi32, #tpu.memory_space<vmem>> -> memref<1x1x80xi32, #tpu.memory_space<vmem>>
        %dma_start3A_398 = tpu.memref_squeeze %dma_start3A_397 : memref<1x1x80xi32, #tpu.memory_space<vmem>> -> memref<80xi32, #tpu.memory_space<vmem>>
        %dma_start3A_399 = arith.constant 0 : i32
        %dma_start3A_400 = arith.constant 0 : i32
        %dma_start3A_401 = tpu.memref_slice %arg2[%dma_start3A_399, %dma_start3A_400] : memref<10000x128xf32, #tpu.memory_space<hbm>> -> memref<10000x128xf32, #tpu.memory_space<hbm>>
        %dma_start3A_402 = tpu.memref_slice %arg10[%rem3A_297] : memref<4x!tpu.dma_semaphore, #tpu.memory_space<semaphore_mem>> -> memref<1x!tpu.dma_semaphore, #tpu.memory_space<semaphore_mem>>
        %dma_start3A_403 = tpu.memref_squeeze %dma_start3A_402 : memref<1x!tpu.dma_semaphore, #tpu.memory_space<semaphore_mem>> -> memref<!tpu.dma_semaphore, #tpu.memory_space<semaphore_mem>>
        tpu.enqueue_indirect_dma source(%dma_start3A_401 : memref<10000x128xf32, #tpu.memory_space<hbm>>) target(%dma_start3A_395 : memref<80x128xf32, #tpu.memory_space<vmem>>) offsets(%dma_start3A_398 : memref<80xi32, #tpu.memory_space<vmem>>) semaphore(%dma_start3A_403 : memref<!tpu.dma_semaphore, #tpu.memory_space<semaphore_mem>>)
        %dma_start3A_404 = arith.constant 1 : i32
        %dma_start3A_405 = arith.constant 0 : i32
        %dma_start3A_406 = arith.constant 0 : i32
        %dma_start3A_407 = tpu.memref_slice %arg7[%rem3A_297, %dma_start3A_405, %dma_start3A_406] : memref<4x80x128xf32, #tpu.memory_space<vmem>> -> memref<1x80x128xf32, #tpu.memory_space<vmem>>
        %dma_start3A_408 = tpu.memref_squeeze %dma_start3A_407 : memref<1x80x128xf32, #tpu.memory_space<vmem>> -> memref<80x128xf32, #tpu.memory_space<vmem>>
        %dma_start3A_409 = arith.constant 0 : i32
        %dma_start3A_410 = tpu.memref_slice %arg5[%rem3A_297, %dma_start3A_404, %dma_start3A_409] : memref<4x2x80xi32, #tpu.memory_space<vmem>> -> memref<1x1x80xi32, #tpu.memory_space<vmem>>
        %dma_start3A_411 = tpu.memref_squeeze %dma_start3A_410 : memref<1x1x80xi32, #tpu.memory_space<vmem>> -> memref<80xi32, #tpu.memory_space<vmem>>
        %dma_start3A_412 = arith.constant 0 : i32
        %dma_start3A_413 = arith.constant 0 : i32
        %dma_start3A_414 = tpu.memref_slice %arg2[%dma_start3A_412, %dma_start3A_413] : memref<10000x128xf32, #tpu.memory_space<hbm>> -> memref<10000x128xf32, #tpu.memory_space<hbm>>
        %dma_start3A_415 = tpu.memref_slice %arg11[%rem3A_297] : memref<4x!tpu.dma_semaphore, #tpu.memory_space<semaphore_mem>> -> memref<1x!tpu.dma_semaphore, #tpu.memory_space<semaphore_mem>>
        %dma_start3A_416 = tpu.memref_squeeze %dma_start3A_415 : memref<1x!tpu.dma_semaphore, #tpu.memory_space<semaphore_mem>> -> memref<!tpu.dma_semaphore, #tpu.memory_space<semaphore_mem>>
        tpu.enqueue_indirect_dma source(%dma_start3A_414 : memref<10000x128xf32, #tpu.memory_space<hbm>>) target(%dma_start3A_408 : memref<80x128xf32, #tpu.memory_space<vmem>>) offsets(%dma_start3A_411 : memref<80xi32, #tpu.memory_space<vmem>>) semaphore(%dma_start3A_416 : memref<!tpu.dma_semaphore, #tpu.memory_space<semaphore_mem>>)
      } else {
      }
      %dma_wait3A_313 = arith.constant 0 : i32
      %dma_wait3A_314 = arith.constant 0 : i32
      %dma_wait3A_315 = arith.constant 0 : i32
      %dma_wait3A_316 = tpu.memref_slice %arg6[%rem3A_293, %dma_wait3A_314, %dma_wait3A_315] : memref<4x80x128xf32, #tpu.memory_space<vmem>> -> memref<1x80x128xf32, #tpu.memory_space<vmem>>
      %dma_wait3A_317 = tpu.memref_squeeze %dma_wait3A_316 : memref<1x80x128xf32, #tpu.memory_space<vmem>> -> memref<80x128xf32, #tpu.memory_space<vmem>>
      %dma_wait3A_318 = arith.constant 0 : i32
      %dma_wait3A_319 = tpu.memref_slice %arg5[%rem3A_293, %dma_wait3A_313, %dma_wait3A_318] : memref<4x2x80xi32, #tpu.memory_space<vmem>> -> memref<1x1x80xi32, #tpu.memory_space<vmem>>
      %dma_wait3A_320 = tpu.memref_squeeze %dma_wait3A_319 : memref<1x1x80xi32, #tpu.memory_space<vmem>> -> memref<80xi32, #tpu.memory_space<vmem>>
      %dma_wait3A_321 = arith.constant 0 : i32
      %dma_wait3A_322 = arith.constant 0 : i32
      %dma_wait3A_323 = tpu.memref_slice %arg2[%dma_wait3A_321, %dma_wait3A_322] : memref<10000x128xf32, #tpu.memory_space<hbm>> -> memref<10000x128xf32, #tpu.memory_space<hbm>>
      %dma_wait3A_324 = tpu.memref_slice %arg10[%rem3A_293] : memref<4x!tpu.dma_semaphore, #tpu.memory_space<semaphore_mem>> -> memref<1x!tpu.dma_semaphore, #tpu.memory_space<semaphore_mem>>
      %dma_wait3A_325 = tpu.memref_squeeze %dma_wait3A_324 : memref<1x!tpu.dma_semaphore, #tpu.memory_space<semaphore_mem>> -> memref<!tpu.dma_semaphore, #tpu.memory_space<semaphore_mem>>
      tpu.wait_indirect_dma semaphore(%dma_wait3A_325 : memref<!tpu.dma_semaphore, #tpu.memory_space<semaphore_mem>>) src(%dma_wait3A_323 : memref<10000x128xf32, #tpu.memory_space<hbm>>) dst(%dma_wait3A_317 : memref<80x128xf32, #tpu.memory_space<vmem>>)
      %dma_wait3A_326 = arith.constant 1 : i32
      %dma_wait3A_327 = arith.constant 0 : i32
      %dma_wait3A_328 = arith.constant 0 : i32
      %dma_wait3A_329 = tpu.memref_slice %arg7[%rem3A_293, %dma_wait3A_327, %dma_wait3A_328] : memref<4x80x128xf32, #tpu.memory_space<vmem>> -> memref<1x80x128xf32, #tpu.memory_space<vmem>>
      %dma_wait3A_330 = tpu.memref_squeeze %dma_wait3A_329 : memref<1x80x128xf32, #tpu.memory_space<vmem>> -> memref<80x128xf32, #tpu.memory_space<vmem>>
      %dma_wait3A_331 = arith.constant 0 : i32
      %dma_wait3A_332 = tpu.memref_slice %arg5[%rem3A_293, %dma_wait3A_326, %dma_wait3A_331] : memref<4x2x80xi32, #tpu.memory_space<vmem>> -> memref<1x1x80xi32, #tpu.memory_space<vmem>>
      %dma_wait3A_333 = tpu.memref_squeeze %dma_wait3A_332 : memref<1x1x80xi32, #tpu.memory_space<vmem>> -> memref<80xi32, #tpu.memory_space<vmem>>
      %dma_wait3A_334 = arith.constant 0 : i32
      %dma_wait3A_335 = arith.constant 0 : i32
      %dma_wait3A_336 = tpu.memref_slice %arg2[%dma_wait3A_334, %dma_wait3A_335] : memref<10000x128xf32, #tpu.memory_space<hbm>> -> memref<10000x128xf32, #tpu.memory_space<hbm>>
      %dma_wait3A_337 = tpu.memref_slice %arg11[%rem3A_293] : memref<4x!tpu.dma_semaphore, #tpu.memory_space<semaphore_mem>> -> memref<1x!tpu.dma_semaphore, #tpu.memory_space<semaphore_mem>>
      %dma_wait3A_338 = tpu.memref_squeeze %dma_wait3A_337 : memref<1x!tpu.dma_semaphore, #tpu.memory_space<semaphore_mem>> -> memref<!tpu.dma_semaphore, #tpu.memory_space<semaphore_mem>>
      tpu.wait_indirect_dma semaphore(%dma_wait3A_338 : memref<!tpu.dma_semaphore, #tpu.memory_space<semaphore_mem>>) src(%dma_wait3A_336 : memref<10000x128xf32, #tpu.memory_space<hbm>>) dst(%dma_wait3A_330 : memref<80x128xf32, #tpu.memory_space<vmem>>)
      %parallel_loop3A = arith.constant 0 : i32
      %parallel_loop3A_339 = arith.constant 80 : i32
      %parallel_loop3A_340 = arith.constant 1 : i32
      scf.for %parallel_loop3A_358 = %parallel_loop3A to %parallel_loop3A_339 step %parallel_loop3A_340  : i32 {
        %parallel_loop3A_359 = arith.index_cast %rem3A_293 : i32 to index
        %parallel_loop3A_360 = arith.index_cast %parallel_loop3A_358 : i32 to index
        %parallel_loop3A_361 = arith.constant 0 : index
        %parallel_loop3A_362 = tpu.vector_load %arg6[%parallel_loop3A_359, %parallel_loop3A_360, %parallel_loop3A_361] {strides = array<i32>} : memref<4x80x128xf32, #tpu.memory_space<vmem>>, vector<1x1x16xf32>,
        %parallel_loop3A_363 = vector.shape_cast %parallel_loop3A_362 : vector<1x1x16xf32> to vector<16xf32>
        %parallel_loop3A_364 = arith.index_cast %rem3A_293 : i32 to index
        %parallel_loop3A_365 = arith.index_cast %parallel_loop3A_358 : i32 to index
        %parallel_loop3A_366 = arith.constant 0 : index
        %parallel_loop3A_367 = tpu.vector_load %arg7[%parallel_loop3A_364, %parallel_loop3A_365, %parallel_loop3A_366] {strides = array<i32>} : memref<4x80x128xf32, #tpu.memory_space<vmem>>, vector<1x1x16xf32>,
        %parallel_loop3A_368 = vector.shape_cast %parallel_loop3A_367 : vector<1x1x16xf32> to vector<16xf32>
        %parallel_loop3A_369 = arith.mulf %parallel_loop3A_363, %parallel_loop3A_368 : vector<16xf32>
        %parallel_loop3A_370 = arith.index_cast %rem3A_293 : i32 to index
        %parallel_loop3A_371 = arith.index_cast %parallel_loop3A_358 : i32 to index
        %parallel_loop3A_372 = arith.constant 0 : index
        %parallel_loop3A_373 = tpu.vector_load %arg8[%parallel_loop3A_370, %parallel_loop3A_371, %parallel_loop3A_372] {strides = array<i32>} : memref<4x80x128xf32, #tpu.memory_space<vmem>>, vector<1x1x16xf32>,
        %parallel_loop3A_374 = vector.shape_cast %parallel_loop3A_373 : vector<1x1x16xf32> to vector<16xf32>
        %parallel_loop3A_375 = vector.shape_cast %parallel_loop3A_369 : vector<16xf32> to vector<1x1x16xf32>
        tpu.vector_store %arg8[%parallel_loop3A_370, %parallel_loop3A_371, %parallel_loop3A_372], %parallel_loop3A_375 {strides = array<i32>} : memref<4x80x128xf32, #tpu.memory_space<vmem>>, vector<1x1x16xf32>,
        %parallel_loop3A_376 = arith.index_cast %rem3A_293 : i32 to index
        %parallel_loop3A_377 = arith.index_cast %parallel_loop3A_358 : i32 to index
        %parallel_loop3A_378 = arith.constant 16 : index
        %parallel_loop3A_379 = tpu.vector_load %arg6[%parallel_loop3A_376, %parallel_loop3A_377, %parallel_loop3A_378] {strides = array<i32>} : memref<4x80x128xf32, #tpu.memory_space<vmem>>, vector<1x1x16xf32>,
        %parallel_loop3A_380 = vector.shape_cast %parallel_loop3A_379 : vector<1x1x16xf32> to vector<16xf32>
        %parallel_loop3A_381 = arith.index_cast %rem3A_293 : i32 to index
        %parallel_loop3A_382 = arith.index_cast %parallel_loop3A_358 : i32 to index
        %parallel_loop3A_383 = arith.constant 16 : index
        %parallel_loop3A_384 = tpu.vector_load %arg7[%parallel_loop3A_381, %parallel_loop3A_382, %parallel_loop3A_383] {strides = array<i32>} : memref<4x80x128xf32, #tpu.memory_space<vmem>>, vector<1x1x16xf32>,
        %parallel_loop3A_385 = vector.shape_cast %parallel_loop3A_384 : vector<1x1x16xf32> to vector<16xf32>
        %parallel_loop3A_386 = arith.mulf %parallel_loop3A_380, %parallel_loop3A_385 : vector<16xf32>
        %parallel_loop3A_387 = arith.index_cast %rem3A_293 : i32 to index
        %parallel_loop3A_388 = arith.index_cast %parallel_loop3A_358 : i32 to index
        %parallel_loop3A_389 = arith.constant 16 : index
        %parallel_loop3A_390 = tpu.vector_load %arg8[%parallel_loop3A_387, %parallel_loop3A_388, %parallel_loop3A_389] {strides = array<i32>} : memref<4x80x128xf32, #tpu.memory_space<vmem>>, vector<1x1x16xf32>,
        %parallel_loop3A_391 = vector.shape_cast %parallel_loop3A_390 : vector<1x1x16xf32> to vector<16xf32>
        %parallel_loop3A_392 = vector.shape_cast %parallel_loop3A_386 : vector<16xf32> to vector<1x1x16xf32>
        tpu.vector_store %arg8[%parallel_loop3A_387, %parallel_loop3A_388, %parallel_loop3A_389], %parallel_loop3A_392 {strides = array<i32>} : memref<4x80x128xf32, #tpu.memory_space<vmem>>, vector<1x1x16xf32>,
        %parallel_loop3A_393 = arith.index_cast %rem3A_293 : i32 to index
        %parallel_loop3A_394 = arith.index_cast %parallel_loop3A_358 : i32 to index
        %parallel_loop3A_395 = arith.constant 32 : index
        %parallel_loop3A_396 = tpu.vector_load %arg6[%parallel_loop3A_393, %parallel_loop3A_394, %parallel_loop3A_395] {strides = array<i32>} : memref<4x80x128xf32, #tpu.memory_space<vmem>>, vector<1x1x16xf32>,
        %parallel_loop3A_397 = vector.shape_cast %parallel_loop3A_396 : vector<1x1x16xf32> to vector<16xf32>
        %parallel_loop3A_398 = arith.index_cast %rem3A_293 : i32 to index
        %parallel_loop3A_399 = arith.index_cast %parallel_loop3A_358 : i32 to index
        %parallel_loop3A_400 = arith.constant 32 : index
        %parallel_loop3A_401 = tpu.vector_load %arg7[%parallel_loop3A_398, %parallel_loop3A_399, %parallel_loop3A_400] {strides = array<i32>} : memref<4x80x128xf32, #tpu.memory_space<vmem>>, vector<1x1x16xf32>,
        %parallel_loop3A_402 = vector.shape_cast %parallel_loop3A_401 : vector<1x1x16xf32> to vector<16xf32>
        %parallel_loop3A_403 = arith.mulf %parallel_loop3A_397, %parallel_loop3A_402 : vector<16xf32>
        %parallel_loop3A_404 = arith.index_cast %rem3A_293 : i32 to index
        %parallel_loop3A_405 = arith.index_cast %parallel_loop3A_358 : i32 to index
        %parallel_loop3A_406 = arith.constant 32 : index
        %parallel_loop3A_407 = tpu.vector_load %arg8[%parallel_loop3A_404, %parallel_loop3A_405, %parallel_loop3A_406] {strides = array<i32>} : memref<4x80x128xf32, #tpu.memory_space<vmem>>, vector<1x1x16xf32>,
        %parallel_loop3A_408 = vector.shape_cast %parallel_loop3A_407 : vector<1x1x16xf32> to vector<16xf32>
        %parallel_loop3A_409 = vector.shape_cast %parallel_loop3A_403 : vector<16xf32> to vector<1x1x16xf32>
        tpu.vector_store %arg8[%parallel_loop3A_404, %parallel_loop3A_405, %parallel_loop3A_406], %parallel_loop3A_409 {strides = array<i32>} : memref<4x80x128xf32, #tpu.memory_space<vmem>>, vector<1x1x16xf32>,
        %parallel_loop3A_410 = arith.index_cast %rem3A_293 : i32 to index
        %parallel_loop3A_411 = arith.index_cast %parallel_loop3A_358 : i32 to index
        %parallel_loop3A_412 = arith.constant 48 : index
        %parallel_loop3A_413 = tpu.vector_load %arg6[%parallel_loop3A_410, %parallel_loop3A_411, %parallel_loop3A_412] {strides = array<i32>} : memref<4x80x128xf32, #tpu.memory_space<vmem>>, vector<1x1x16xf32>,
        %parallel_loop3A_414 = vector.shape_cast %parallel_loop3A_413 : vector<1x1x16xf32> to vector<16xf32>
        %parallel_loop3A_415 = arith.index_cast %rem3A_293 : i32 to index
        %parallel_loop3A_416 = arith.index_cast %parallel_loop3A_358 : i32 to index
        %parallel_loop3A_417 = arith.constant 48 : index
        %parallel_loop3A_418 = tpu.vector_load %arg7[%parallel_loop3A_415, %parallel_loop3A_416, %parallel_loop3A_417] {strides = array<i32>} : memref<4x80x128xf32, #tpu.memory_space<vmem>>, vector<1x1x16xf32>,
        %parallel_loop3A_419 = vector.shape_cast %parallel_loop3A_418 : vector<1x1x16xf32> to vector<16xf32>
        %parallel_loop3A_420 = arith.mulf %parallel_loop3A_414, %parallel_loop3A_419 : vector<16xf32>
        %parallel_loop3A_421 = arith.index_cast %rem3A_293 : i32 to index
        %parallel_loop3A_422 = arith.index_cast %parallel_loop3A_358 : i32 to index
        %parallel_loop3A_423 = arith.constant 48 : index
        %parallel_loop3A_424 = tpu.vector_load %arg8[%parallel_loop3A_421, %parallel_loop3A_422, %parallel_loop3A_423] {strides = array<i32>} : memref<4x80x128xf32, #tpu.memory_space<vmem>>, vector<1x1x16xf32>,
        %parallel_loop3A_425 = vector.shape_cast %parallel_loop3A_424 : vector<1x1x16xf32> to vector<16xf32>
        %parallel_loop3A_426 = vector.shape_cast %parallel_loop3A_420 : vector<16xf32> to vector<1x1x16xf32>
        tpu.vector_store %arg8[%parallel_loop3A_421, %parallel_loop3A_422, %parallel_loop3A_423], %parallel_loop3A_426 {strides = array<i32>} : memref<4x80x128xf32, #tpu.memory_space<vmem>>, vector<1x1x16xf32>,
        %parallel_loop3A_427 = arith.index_cast %rem3A_293 : i32 to index
        %parallel_loop3A_428 = arith.index_cast %parallel_loop3A_358 : i32 to index
        %parallel_loop3A_429 = arith.constant 64 : index
        %parallel_loop3A_430 = tpu.vector_load %arg6[%parallel_loop3A_427, %parallel_loop3A_428, %parallel_loop3A_429] {strides = array<i32>} : memref<4x80x128xf32, #tpu.memory_space<vmem>>, vector<1x1x16xf32>,
        %parallel_loop3A_431 = vector.shape_cast %parallel_loop3A_430 : vector<1x1x16xf32> to vector<16xf32>
        %parallel_loop3A_432 = arith.index_cast %rem3A_293 : i32 to index
        %parallel_loop3A_433 = arith.index_cast %parallel_loop3A_358 : i32 to index
        %parallel_loop3A_434 = arith.constant 64 : index
        %parallel_loop3A_435 = tpu.vector_load %arg7[%parallel_loop3A_432, %parallel_loop3A_433, %parallel_loop3A_434] {strides = array<i32>} : memref<4x80x128xf32, #tpu.memory_space<vmem>>, vector<1x1x16xf32>,
        %parallel_loop3A_436 = vector.shape_cast %parallel_loop3A_435 : vector<1x1x16xf32> to vector<16xf32>
        %parallel_loop3A_437 = arith.mulf %parallel_loop3A_431, %parallel_loop3A_436 : vector<16xf32>
        %parallel_loop3A_438 = arith.index_cast %rem3A_293 : i32 to index
        %parallel_loop3A_439 = arith.index_cast %parallel_loop3A_358 : i32 to index
        %parallel_loop3A_440 = arith.constant 64 : index
        %parallel_loop3A_441 = tpu.vector_load %arg8[%parallel_loop3A_438, %parallel_loop3A_439, %parallel_loop3A_440] {strides = array<i32>} : memref<4x80x128xf32, #tpu.memory_space<vmem>>, vector<1x1x16xf32>,
        %parallel_loop3A_442 = vector.shape_cast %parallel_loop3A_441 : vector<1x1x16xf32> to vector<16xf32>
        %parallel_loop3A_443 = vector.shape_cast %parallel_loop3A_437 : vector<16xf32> to vector<1x1x16xf32>
        tpu.vector_store %arg8[%parallel_loop3A_438, %parallel_loop3A_439, %parallel_loop3A_440], %parallel_loop3A_443 {strides = array<i32>} : memref<4x80x128xf32, #tpu.memory_space<vmem>>, vector<1x1x16xf32>,
        %parallel_loop3A_444 = arith.index_cast %rem3A_293 : i32 to index
        %parallel_loop3A_445 = arith.index_cast %parallel_loop3A_358 : i32 to index
        %parallel_loop3A_446 = arith.constant 80 : index
        %parallel_loop3A_447 = tpu.vector_load %arg6[%parallel_loop3A_444, %parallel_loop3A_445, %parallel_loop3A_446] {strides = array<i32>} : memref<4x80x128xf32, #tpu.memory_space<vmem>>, vector<1x1x16xf32>,
        %parallel_loop3A_448 = vector.shape_cast %parallel_loop3A_447 : vector<1x1x16xf32> to vector<16xf32>
        %parallel_loop3A_449 = arith.index_cast %rem3A_293 : i32 to index
        %parallel_loop3A_450 = arith.index_cast %parallel_loop3A_358 : i32 to index
        %parallel_loop3A_451 = arith.constant 80 : index
        %parallel_loop3A_452 = tpu.vector_load %arg7[%parallel_loop3A_449, %parallel_loop3A_450, %parallel_loop3A_451] {strides = array<i32>} : memref<4x80x128xf32, #tpu.memory_space<vmem>>, vector<1x1x16xf32>,
        %parallel_loop3A_453 = vector.shape_cast %parallel_loop3A_452 : vector<1x1x16xf32> to vector<16xf32>
        %parallel_loop3A_454 = arith.mulf %parallel_loop3A_448, %parallel_loop3A_453 : vector<16xf32>
        %parallel_loop3A_455 = arith.index_cast %rem3A_293 : i32 to index
        %parallel_loop3A_456 = arith.index_cast %parallel_loop3A_358 : i32 to index
        %parallel_loop3A_457 = arith.constant 80 : index
        %parallel_loop3A_458 = tpu.vector_load %arg8[%parallel_loop3A_455, %parallel_loop3A_456, %parallel_loop3A_457] {strides = array<i32>} : memref<4x80x128xf32, #tpu.memory_space<vmem>>, vector<1x1x16xf32>,
        %parallel_loop3A_459 = vector.shape_cast %parallel_loop3A_458 : vector<1x1x16xf32> to vector<16xf32>
        %parallel_loop3A_460 = vector.shape_cast %parallel_loop3A_454 : vector<16xf32> to vector<1x1x16xf32>
        tpu.vector_store %arg8[%parallel_loop3A_455, %parallel_loop3A_456, %parallel_loop3A_457], %parallel_loop3A_460 {strides = array<i32>} : memref<4x80x128xf32, #tpu.memory_space<vmem>>, vector<1x1x16xf32>,
        %parallel_loop3A_461 = arith.index_cast %rem3A_293 : i32 to index
        %parallel_loop3A_462 = arith.index_cast %parallel_loop3A_358 : i32 to index
        %parallel_loop3A_463 = arith.constant 96 : index
        %parallel_loop3A_464 = tpu.vector_load %arg6[%parallel_loop3A_461, %parallel_loop3A_462, %parallel_loop3A_463] {strides = array<i32>} : memref<4x80x128xf32, #tpu.memory_space<vmem>>, vector<1x1x16xf32>,
        %parallel_loop3A_465 = vector.shape_cast %parallel_loop3A_464 : vector<1x1x16xf32> to vector<16xf32>
        %parallel_loop3A_466 = arith.index_cast %rem3A_293 : i32 to index
        %parallel_loop3A_467 = arith.index_cast %parallel_loop3A_358 : i32 to index
        %parallel_loop3A_468 = arith.constant 96 : index
        %parallel_loop3A_469 = tpu.vector_load %arg7[%parallel_loop3A_466, %parallel_loop3A_467, %parallel_loop3A_468] {strides = array<i32>} : memref<4x80x128xf32, #tpu.memory_space<vmem>>, vector<1x1x16xf32>,
        %parallel_loop3A_470 = vector.shape_cast %parallel_loop3A_469 : vector<1x1x16xf32> to vector<16xf32>
        %parallel_loop3A_471 = arith.mulf %parallel_loop3A_465, %parallel_loop3A_470 : vector<16xf32>
        %parallel_loop3A_472 = arith.index_cast %rem3A_293 : i32 to index
        %parallel_loop3A_473 = arith.index_cast %parallel_loop3A_358 : i32 to index
        %parallel_loop3A_474 = arith.constant 96 : index
        %parallel_loop3A_475 = tpu.vector_load %arg8[%parallel_loop3A_472, %parallel_loop3A_473, %parallel_loop3A_474] {strides = array<i32>} : memref<4x80x128xf32, #tpu.memory_space<vmem>>, vector<1x1x16xf32>,
        %parallel_loop3A_476 = vector.shape_cast %parallel_loop3A_475 : vector<1x1x16xf32> to vector<16xf32>
        %parallel_loop3A_477 = vector.shape_cast %parallel_loop3A_471 : vector<16xf32> to vector<1x1x16xf32>
        tpu.vector_store %arg8[%parallel_loop3A_472, %parallel_loop3A_473, %parallel_loop3A_474], %parallel_loop3A_477 {strides = array<i32>} : memref<4x80x128xf32, #tpu.memory_space<vmem>>, vector<1x1x16xf32>,
        %parallel_loop3A_478 = arith.index_cast %rem3A_293 : i32 to index
        %parallel_loop3A_479 = arith.index_cast %parallel_loop3A_358 : i32 to index
        %parallel_loop3A_480 = arith.constant 112 : index
        %parallel_loop3A_481 = tpu.vector_load %arg6[%parallel_loop3A_478, %parallel_loop3A_479, %parallel_loop3A_480] {strides = array<i32>} : memref<4x80x128xf32, #tpu.memory_space<vmem>>, vector<1x1x16xf32>,
        %parallel_loop3A_482 = vector.shape_cast %parallel_loop3A_481 : vector<1x1x16xf32> to vector<16xf32>
        %parallel_loop3A_483 = arith.index_cast %rem3A_293 : i32 to index
        %parallel_loop3A_484 = arith.index_cast %parallel_loop3A_358 : i32 to index
        %parallel_loop3A_485 = arith.constant 112 : index
        %parallel_loop3A_486 = tpu.vector_load %arg7[%parallel_loop3A_483, %parallel_loop3A_484, %parallel_loop3A_485] {strides = array<i32>} : memref<4x80x128xf32, #tpu.memory_space<vmem>>, vector<1x1x16xf32>,
        %parallel_loop3A_487 = vector.shape_cast %parallel_loop3A_486 : vector<1x1x16xf32> to vector<16xf32>
        %parallel_loop3A_488 = arith.mulf %parallel_loop3A_482, %parallel_loop3A_487 : vector<16xf32>
        %parallel_loop3A_489 = arith.index_cast %rem3A_293 : i32 to index
        %parallel_loop3A_490 = arith.index_cast %parallel_loop3A_358 : i32 to index
        %parallel_loop3A_491 = arith.constant 112 : index
        %parallel_loop3A_492 = tpu.vector_load %arg8[%parallel_loop3A_489, %parallel_loop3A_490, %parallel_loop3A_491] {strides = array<i32>} : memref<4x80x128xf32, #tpu.memory_space<vmem>>, vector<1x1x16xf32>,
        %parallel_loop3A_493 = vector.shape_cast %parallel_loop3A_492 : vector<1x1x16xf32> to vector<16xf32>
        %parallel_loop3A_494 = vector.shape_cast %parallel_loop3A_488 : vector<16xf32> to vector<1x1x16xf32>
        tpu.vector_store %arg8[%parallel_loop3A_489, %parallel_loop3A_490, %parallel_loop3A_491], %parallel_loop3A_494 {strides = array<i32>} : memref<4x80x128xf32, #tpu.memory_space<vmem>>, vector<1x1x16xf32>,
      } {sc.loop_unroll_factor = 4 : i64, sc.parallel_access}
      %mul3A_341 = arith.constant 80 : i32
      %mul3A_342 = arith.muli %scan3A_292, %mul3A_341 : i32
      %add3A_343 = arith.addi %mul3A_2, %mul3A_342 : i32
      %dma_start3A_344 = arith.constant 0 : i32
      %dma_start3A_345 = arith.constant 0 : i32
      %dma_start3A_346 = tpu.memref_slice %arg8[%rem3A_293, %dma_start3A_344, %dma_start3A_345] : memref<4x80x128xf32, #tpu.memory_space<vmem>> -> memref<1x80x128xf32, #tpu.memory_space<vmem>>
      %dma_start3A_347 = tpu.memref_squeeze %dma_start3A_346 : memref<1x80x128xf32, #tpu.memory_space<vmem>> -> memref<80x128xf32, #tpu.memory_space<vmem>>
      %dma_start3A_348 = arith.constant 0 : i32
      %dma_start3A_349 = tpu.memref_slice %arg4[%add3A_343, %dma_start3A_348] : memref<320000x128xf32, #tpu.memory_space<hbm>> -> memref<80x128xf32, #tpu.memory_space<hbm>>
      %dma_start3A_350 = tpu.memref_slice %arg12[%rem3A_293] : memref<4x!tpu.dma_semaphore, #tpu.memory_space<semaphore_mem>> -> memref<1x!tpu.dma_semaphore, #tpu.memory_space<semaphore_mem>>
      %dma_start3A_351 = tpu.memref_squeeze %dma_start3A_350 : memref<1x!tpu.dma_semaphore, #tpu.memory_space<semaphore_mem>> -> memref<!tpu.dma_semaphore, #tpu.memory_space<semaphore_mem>>
      %dma_start3A_352 = arith.constant 0 : i32
      %dma_start3A_353 = tpu.memref_slice %arg4[%add3A_343, %dma_start3A_352] : memref<320000x128xf32, #tpu.memory_space<hbm>> -> memref<80x128xf32, #tpu.memory_space<hbm>>
      %dma_start3A_354 = arith.constant 0 : i32
      %dma_start3A_355 = arith.constant 0 : i32
      %dma_start3A_356 = tpu.memref_slice %arg8[%rem3A_293, %dma_start3A_354, %dma_start3A_355] : memref<4x80x128xf32, #tpu.memory_space<vmem>> -> memref<1x80x128xf32, #tpu.memory_space<vmem>>
      %dma_start3A_357 = tpu.memref_squeeze %dma_start3A_356 : memref<1x80x128xf32, #tpu.memory_space<vmem>> -> memref<80x128xf32, #tpu.memory_space<vmem>>
      tpu.enqueue_dma source(%dma_start3A_357 : memref<80x128xf32, #tpu.memory_space<vmem>>) target(%dma_start3A_353 : memref<80x128xf32, #tpu.memory_space<hbm>>) target_semaphore(%dma_start3A_351 : memref<!tpu.dma_semaphore, #tpu.memory_space<semaphore_mem>>)
    }
    %scan3A_219 = arith.constant 125 : i32
    %add3A_220 = arith.constant 9680 : i32
    %add3A_221 = arith.addi %mul3A_2, %add3A_220 : i32
    %dma_wait3A_222 = arith.constant 1 : i32
    %dma_wait3A_223 = arith.constant 1 : i32
    %dma_wait3A_224 = arith.constant 0 : i32
    %dma_wait3A_225 = arith.constant 0 : i32
    %dma_wait3A_226 = tpu.memref_slice %arg8[%dma_wait3A_222, %dma_wait3A_224, %dma_wait3A_225] : memref<4x80x128xf32, #tpu.memory_space<vmem>> -> memref<1x80x128xf32, #tpu.memory_space<vmem>>
    %dma_wait3A_227 = tpu.memref_squeeze %dma_wait3A_226 : memref<1x80x128xf32, #tpu.memory_space<vmem>> -> memref<80x128xf32, #tpu.memory_space<vmem>>
    %dma_wait3A_228 = arith.constant 0 : i32
    %dma_wait3A_229 = tpu.memref_slice %arg4[%add3A_221, %dma_wait3A_228] : memref<320000x128xf32, #tpu.memory_space<hbm>> -> memref<80x128xf32, #tpu.memory_space<hbm>>
    %dma_wait3A_230 = tpu.memref_slice %arg12[%dma_wait3A_223] : memref<4x!tpu.dma_semaphore, #tpu.memory_space<semaphore_mem>> -> memref<1x!tpu.dma_semaphore, #tpu.memory_space<semaphore_mem>>
    %dma_wait3A_231 = tpu.memref_squeeze %dma_wait3A_230 : memref<1x!tpu.dma_semaphore, #tpu.memory_space<semaphore_mem>> -> memref<!tpu.dma_semaphore, #tpu.memory_space<semaphore_mem>>
    %dma_wait3A_232 = arith.constant 0 : i32
    %dma_wait3A_233 = tpu.memref_slice %arg4[%add3A_221, %dma_wait3A_232] : memref<320000x128xf32, #tpu.memory_space<hbm>> -> memref<80x128xf32, #tpu.memory_space<hbm>>
    %dma_wait3A_234 = arith.constant 0 : i32
    %dma_wait3A_235 = arith.constant 0 : i32
    %dma_wait3A_236 = tpu.memref_slice %arg8[%dma_wait3A_222, %dma_wait3A_234, %dma_wait3A_235] : memref<4x80x128xf32, #tpu.memory_space<vmem>> -> memref<1x80x128xf32, #tpu.memory_space<vmem>>
    %dma_wait3A_237 = tpu.memref_squeeze %dma_wait3A_236 : memref<1x80x128xf32, #tpu.memory_space<vmem>> -> memref<80x128xf32, #tpu.memory_space<vmem>>
    tpu.wait_dma2 semaphore(%dma_wait3A_231 : memref<!tpu.dma_semaphore, #tpu.memory_space<semaphore_mem>>) src(%dma_wait3A_237 : memref<80x128xf32, #tpu.memory_space<vmem>>) dst(%dma_wait3A_233 : memref<80x128xf32, #tpu.memory_space<hbm>>)
    %add3A_238 = arith.constant 9760 : i32
    %add3A_239 = arith.addi %mul3A_2, %add3A_238 : i32
    %dma_wait3A_240 = arith.constant 2 : i32
    %dma_wait3A_241 = arith.constant 2 : i32
    %dma_wait3A_242 = arith.constant 0 : i32
    %dma_wait3A_243 = arith.constant 0 : i32
    %dma_wait3A_244 = tpu.memref_slice %arg8[%dma_wait3A_240, %dma_wait3A_242, %dma_wait3A_243] : memref<4x80x128xf32, #tpu.memory_space<vmem>> -> memref<1x80x128xf32, #tpu.memory_space<vmem>>
    %dma_wait3A_245 = tpu.memref_squeeze %dma_wait3A_244 : memref<1x80x128xf32, #tpu.memory_space<vmem>> -> memref<80x128xf32, #tpu.memory_space<vmem>>
    %dma_wait3A_246 = arith.constant 0 : i32
    %dma_wait3A_247 = tpu.memref_slice %arg4[%add3A_239, %dma_wait3A_246] : memref<320000x128xf32, #tpu.memory_space<hbm>> -> memref<80x128xf32, #tpu.memory_space<hbm>>
    %dma_wait3A_248 = tpu.memref_slice %arg12[%dma_wait3A_241] : memref<4x!tpu.dma_semaphore, #tpu.memory_space<semaphore_mem>> -> memref<1x!tpu.dma_semaphore, #tpu.memory_space<semaphore_mem>>
    %dma_wait3A_249 = tpu.memref_squeeze %dma_wait3A_248 : memref<1x!tpu.dma_semaphore, #tpu.memory_space<semaphore_mem>> -> memref<!tpu.dma_semaphore, #tpu.memory_space<semaphore_mem>>
    %dma_wait3A_250 = arith.constant 0 : i32
    %dma_wait3A_251 = tpu.memref_slice %arg4[%add3A_239, %dma_wait3A_250] : memref<320000x128xf32, #tpu.memory_space<hbm>> -> memref<80x128xf32, #tpu.memory_space<hbm>>
    %dma_wait3A_252 = arith.constant 0 : i32
    %dma_wait3A_253 = arith.constant 0 : i32
    %dma_wait3A_254 = tpu.memref_slice %arg8[%dma_wait3A_240, %dma_wait3A_252, %dma_wait3A_253] : memref<4x80x128xf32, #tpu.memory_space<vmem>> -> memref<1x80x128xf32, #tpu.memory_space<vmem>>
    %dma_wait3A_255 = tpu.memref_squeeze %dma_wait3A_254 : memref<1x80x128xf32, #tpu.memory_space<vmem>> -> memref<80x128xf32, #tpu.memory_space<vmem>>
    tpu.wait_dma2 semaphore(%dma_wait3A_249 : memref<!tpu.dma_semaphore, #tpu.memory_space<semaphore_mem>>) src(%dma_wait3A_255 : memref<80x128xf32, #tpu.memory_space<vmem>>) dst(%dma_wait3A_251 : memref<80x128xf32, #tpu.memory_space<hbm>>)
    %add3A_256 = arith.constant 9840 : i32
    %add3A_257 = arith.addi %mul3A_2, %add3A_256 : i32
    %dma_wait3A_258 = arith.constant 3 : i32
    %dma_wait3A_259 = arith.constant 3 : i32
    %dma_wait3A_260 = arith.constant 0 : i32
    %dma_wait3A_261 = arith.constant 0 : i32
    %dma_wait3A_262 = tpu.memref_slice %arg8[%dma_wait3A_258, %dma_wait3A_260, %dma_wait3A_261] : memref<4x80x128xf32, #tpu.memory_space<vmem>> -> memref<1x80x128xf32, #tpu.memory_space<vmem>>
    %dma_wait3A_263 = tpu.memref_squeeze %dma_wait3A_262 : memref<1x80x128xf32, #tpu.memory_space<vmem>> -> memref<80x128xf32, #tpu.memory_space<vmem>>
    %dma_wait3A_264 = arith.constant 0 : i32
    %dma_wait3A_265 = tpu.memref_slice %arg4[%add3A_257, %dma_wait3A_264] : memref<320000x128xf32, #tpu.memory_space<hbm>> -> memref<80x128xf32, #tpu.memory_space<hbm>>
    %dma_wait3A_266 = tpu.memref_slice %arg12[%dma_wait3A_259] : memref<4x!tpu.dma_semaphore, #tpu.memory_space<semaphore_mem>> -> memref<1x!tpu.dma_semaphore, #tpu.memory_space<semaphore_mem>>
    %dma_wait3A_267 = tpu.memref_squeeze %dma_wait3A_266 : memref<1x!tpu.dma_semaphore, #tpu.memory_space<semaphore_mem>> -> memref<!tpu.dma_semaphore, #tpu.memory_space<semaphore_mem>>
    %dma_wait3A_268 = arith.constant 0 : i32
    %dma_wait3A_269 = tpu.memref_slice %arg4[%add3A_257, %dma_wait3A_268] : memref<320000x128xf32, #tpu.memory_space<hbm>> -> memref<80x128xf32, #tpu.memory_space<hbm>>
    %dma_wait3A_270 = arith.constant 0 : i32
    %dma_wait3A_271 = arith.constant 0 : i32
    %dma_wait3A_272 = tpu.memref_slice %arg8[%dma_wait3A_258, %dma_wait3A_270, %dma_wait3A_271] : memref<4x80x128xf32, #tpu.memory_space<vmem>> -> memref<1x80x128xf32, #tpu.memory_space<vmem>>
    %dma_wait3A_273 = tpu.memref_squeeze %dma_wait3A_272 : memref<1x80x128xf32, #tpu.memory_space<vmem>> -> memref<80x128xf32, #tpu.memory_space<vmem>>
    tpu.wait_dma2 semaphore(%dma_wait3A_267 : memref<!tpu.dma_semaphore, #tpu.memory_space<semaphore_mem>>) src(%dma_wait3A_273 : memref<80x128xf32, #tpu.memory_space<vmem>>) dst(%dma_wait3A_269 : memref<80x128xf32, #tpu.memory_space<hbm>>)
    %add3A_274 = arith.constant 9920 : i32
    %add3A_275 = arith.addi %mul3A_2, %add3A_274 : i32
    %dma_wait3A_276 = arith.constant 0 : i32
    %dma_wait3A_277 = arith.constant 0 : i32
    %dma_wait3A_278 = arith.constant 0 : i32
    %dma_wait3A_279 = arith.constant 0 : i32
    %dma_wait3A_280 = tpu.memref_slice %arg8[%dma_wait3A_276, %dma_wait3A_278, %dma_wait3A_279] : memref<4x80x128xf32, #tpu.memory_space<vmem>> -> memref<1x80x128xf32, #tpu.memory_space<vmem>>
    %dma_wait3A_281 = tpu.memref_squeeze %dma_wait3A_280 : memref<1x80x128xf32, #tpu.memory_space<vmem>> -> memref<80x128xf32, #tpu.memory_space<vmem>>
    %dma_wait3A_282 = arith.constant 0 : i32
    %dma_wait3A_283 = tpu.memref_slice %arg4[%add3A_275, %dma_wait3A_282] : memref<320000x128xf32, #tpu.memory_space<hbm>> -> memref<80x128xf32, #tpu.memory_space<hbm>>
    %dma_wait3A_284 = tpu.memref_slice %arg12[%dma_wait3A_277] : memref<4x!tpu.dma_semaphore, #tpu.memory_space<semaphore_mem>> -> memref<1x!tpu.dma_semaphore, #tpu.memory_space<semaphore_mem>>
    %dma_wait3A_285 = tpu.memref_squeeze %dma_wait3A_284 : memref<1x!tpu.dma_semaphore, #tpu.memory_space<semaphore_mem>> -> memref<!tpu.dma_semaphore, #tpu.memory_space<semaphore_mem>>
    %dma_wait3A_286 = arith.constant 0 : i32
    %dma_wait3A_287 = tpu.memref_slice %arg4[%add3A_275, %dma_wait3A_286] : memref<320000x128xf32, #tpu.memory_space<hbm>> -> memref<80x128xf32, #tpu.memory_space<hbm>>
    %dma_wait3A_288 = arith.constant 0 : i32
    %dma_wait3A_289 = arith.constant 0 : i32
    %dma_wait3A_290 = tpu.memref_slice %arg8[%dma_wait3A_276, %dma_wait3A_288, %dma_wait3A_289] : memref<4x80x128xf32, #tpu.memory_space<vmem>> -> memref<1x80x128xf32, #tpu.memory_space<vmem>>
    %dma_wait3A_291 = tpu.memref_squeeze %dma_wait3A_290 : memref<1x80x128xf32, #tpu.memory_space<vmem>> -> memref<80x128xf32, #tpu.memory_space<vmem>>
    tpu.wait_dma2 semaphore(%dma_wait3A_285 : memref<!tpu.dma_semaphore, #tpu.memory_space<semaphore_mem>>) src(%dma_wait3A_291 : memref<80x128xf32, #tpu.memory_space<vmem>>) dst(%dma_wait3A_287 : memref<80x128xf32, #tpu.memory_space<hbm>>)
    return
  }
}

module attributes {stable_mosaic.version = 14 : i64} {
  func.func @_decode_pos_body(%arg0: i32, %arg1: memref<4000x128xf32, #tpu.memory_space<vmem>>, %arg2: memref<128x256xf32, #tpu.memory_space<vmem>>, %arg3: memref<1x128xf32, #tpu.memory_space<vmem>>, %arg4: memref<1x128xf32, #tpu.memory_space<vmem>>, %arg5: memref<128x8xf32, #tpu.memory_space<vmem>>, %arg6: memref<1x8xf32, #tpu.memory_space<vmem>>, %arg7: memref<128x8xf32, #tpu.memory_space<vmem>>, %arg8: memref<1x1xf32, #tpu.memory_space<vmem>>, %arg9: memref<4000x8xf32, #tpu.memory_space<vmem>>, %arg10: memref<4000x8xf32, #tpu.memory_space<vmem>>) attributes {dimension_semantics = [#tpu.dimension_semantics<arbitrary>], iteration_bounds = array<i64: 80>, scalar_prefetch = 0 : i64, scratch_operands = 0 : i64, tpu.core_type = #tpu.core_type<tc>, window_params = [{transform_indices = @transform_0, window_bounds = array<i64: 4000, 128>}, {pipeline_mode = #tpu.pipeline_mode<synchronous>, transform_indices = @transform_1, window_bounds = array<i64: 128, 256>}, {pipeline_mode = #tpu.pipeline_mode<synchronous>, transform_indices = @transform_2, window_bounds = array<i64: 1, 128>}, {pipeline_mode = #tpu.pipeline_mode<synchronous>, transform_indices = @transform_3, window_bounds = array<i64: 1, 128>}, {pipeline_mode = #tpu.pipeline_mode<synchronous>, transform_indices = @transform_4, window_bounds = array<i64: 128, 8>}, {pipeline_mode = #tpu.pipeline_mode<synchronous>, transform_indices = @transform_5, window_bounds = array<i64: 1, 8>}, {pipeline_mode = #tpu.pipeline_mode<synchronous>, transform_indices = @transform_6, window_bounds = array<i64: 128, 8>}, {pipeline_mode = #tpu.pipeline_mode<synchronous>, transform_indices = @transform_7, window_bounds = array<i64: 1, 1>}, {transform_indices = @transform_8, window_bounds = array<i64: 4000, 8>}, {transform_indices = @transform_9, window_bounds = array<i64: 4000, 8>}]} {
    %get3A = arith.constant 0 : index
    %get3A_0 = arith.constant 0 : index
    %get3A_1 = vector.load %arg1[%get3A, %get3A_0] : memref<4000x128xf32, #tpu.memory_space<vmem>>, vector<4000x128xf32>
    %max3A = arith.constant 0.000000e+00 : f32
    %max3A_2 = vector.broadcast %max3A : f32 to vector<4000x128xf32>
    %max3A_3 = arith.maximumf %get3A_1, %max3A_2 : vector<4000x128xf32>
    %get3A_4 = arith.constant 0 : index
    %get3A_5 = arith.constant 0 : index
    %get3A_6 = vector.load %arg2[%get3A_4, %get3A_5] : memref<128x256xf32, #tpu.memory_space<vmem>>, vector<128x256xf32>
    %dot_general3A = arith.constant dense<0.000000e+00> : vector<4000x256xf32>
    %dot_general3A_7 = tpu.matmul %max3A_3, %get3A_6, %dot_general3A {dimension_numbers = #tpu.dot_dimension_numbers<[1], [0], [0], [1], [0, 0, 1, 1], [], []>, transpose_lhs_hint = false} : vector<4000x128xf32>, vector<128x256xf32>, vector<4000x256xf32> -> vector<4000x256xf32>
    %slice3A = vector.extract_strided_slice %dot_general3A_7 {offsets = [0, 0], sizes = [4000, 128], strides = [1, 1]} : vector<4000x256xf32> to vector<4000x128xf32>
    %get3A_8 = arith.constant 0 : index
    %get3A_9 = arith.constant 0 : index
    %get3A_10 = vector.load %arg3[%get3A_8, %get3A_9] : memref<1x128xf32, #tpu.memory_space<vmem>>, vector<1x128xf32>
    %add3A = vector.broadcast %get3A_10 : vector<1x128xf32> to vector<4000x128xf32>
    %add3A_11 = arith.addf %slice3A, %add3A : vector<4000x128xf32>
    %max3A_12 = arith.constant 0.000000e+00 : f32
    %max3A_13 = vector.broadcast %max3A_12 : f32 to vector<4000x128xf32>
    %max3A_14 = arith.maximumf %add3A_11, %max3A_13 : vector<4000x128xf32>
    %get3A_15 = arith.constant 0 : index
    %get3A_16 = arith.constant 0 : index
    %get3A_17 = vector.load %arg5[%get3A_15, %get3A_16] : memref<128x8xf32, #tpu.memory_space<vmem>>, vector<128x8xf32>
    %dot_general3A_18 = arith.constant dense<0.000000e+00> : vector<4000x8xf32>
    %dot_general3A_19 = tpu.matmul %max3A_14, %get3A_17, %dot_general3A_18 {dimension_numbers = #tpu.dot_dimension_numbers<[1], [0], [0], [1], [0, 0, 1, 1], [], []>, transpose_lhs_hint = false} : vector<4000x128xf32>, vector<128x8xf32>, vector<4000x8xf32> -> vector<4000x8xf32>
    %get3A_20 = arith.constant 0 : index
    %get3A_21 = arith.constant 0 : index
    %get3A_22 = vector.load %arg6[%get3A_20, %get3A_21] : memref<1x8xf32, #tpu.memory_space<vmem>>, vector<1x8xf32>
    %add3A_23 = vector.broadcast %get3A_22 : vector<1x8xf32> to vector<4000x8xf32>
    %add3A_24 = arith.addf %dot_general3A_19, %add3A_23 : vector<4000x8xf32>
    %logistic3A = arith.negf %add3A_24 : vector<4000x8xf32>
    %logistic3A_25 = math.exp %logistic3A : vector<4000x8xf32>
    %logistic3A_26 = arith.constant 1.000000e+00 : f32
    %logistic3A_27 = vector.broadcast %logistic3A_26 : f32 to vector<4000x8xf32>
    %logistic3A_28 = arith.addf %logistic3A_27, %logistic3A_25 : vector<4000x8xf32>
    %logistic3A_29 = arith.divf %logistic3A_27, %logistic3A_28 : vector<4000x8xf32>
    %swap3A = arith.constant 0 : index
    %swap3A_30 = arith.constant 0 : index
    %swap3A_31 = vector.load %arg9[%swap3A, %swap3A_30] : memref<4000x8xf32, #tpu.memory_space<vmem>>, vector<4000x8xf32>
    tpu.vector_store %arg9[%swap3A, %swap3A_30], %logistic3A_29 {strides = array<i32>} : memref<4000x8xf32, #tpu.memory_space<vmem>>, vector<4000x8xf32>,
    %slice3A_32 = vector.extract_strided_slice %dot_general3A_7 {offsets = [0, 128], sizes = [4000, 128], strides = [1, 1]} : vector<4000x256xf32> to vector<4000x128xf32>
    %get3A_33 = arith.constant 0 : index
    %get3A_34 = arith.constant 0 : index
    %get3A_35 = vector.load %arg4[%get3A_33, %get3A_34] : memref<1x128xf32, #tpu.memory_space<vmem>>, vector<1x128xf32>
    %add3A_36 = vector.broadcast %get3A_35 : vector<1x128xf32> to vector<4000x128xf32>
    %add3A_37 = arith.addf %slice3A_32, %add3A_36 : vector<4000x128xf32>
    %max3A_38 = arith.constant 0.000000e+00 : f32
    %max3A_39 = vector.broadcast %max3A_38 : f32 to vector<4000x128xf32>
    %max3A_40 = arith.maximumf %add3A_37, %max3A_39 : vector<4000x128xf32>
    %get3A_41 = arith.constant 0 : index
    %get3A_42 = arith.constant 0 : index
    %get3A_43 = vector.load %arg7[%get3A_41, %get3A_42] : memref<128x8xf32, #tpu.memory_space<vmem>>, vector<128x8xf32>
    %dot_general3A_44 = arith.constant dense<0.000000e+00> : vector<4000x8xf32>
    %dot_general3A_45 = tpu.matmul %max3A_40, %get3A_43, %dot_general3A_44 {dimension_numbers = #tpu.dot_dimension_numbers<[1], [0], [0], [1], [0, 0, 1, 1], [], []>, transpose_lhs_hint = false} : vector<4000x128xf32>, vector<128x8xf32>, vector<4000x8xf32> -> vector<4000x8xf32>
    %get3A_46 = arith.constant 0 : index
    %get3A_47 = arith.constant 0 : index
    %get3A_48 = vector.load %arg8[%get3A_46, %get3A_47] : memref<1x1xf32, #tpu.memory_space<vmem>>, vector<1x1xf32>
    %add3A_49 = vector.broadcast %get3A_48 : vector<1x1xf32> to vector<4000x8xf32>
    %add3A_50 = arith.addf %dot_general3A_45, %add3A_49 : vector<4000x8xf32>
    %logistic3A_51 = arith.negf %add3A_50 : vector<4000x8xf32>
    %logistic3A_52 = math.exp %logistic3A_51 : vector<4000x8xf32>
    %logistic3A_53 = arith.constant 1.000000e+00 : f32
    %logistic3A_54 = vector.broadcast %logistic3A_53 : f32 to vector<4000x8xf32>
    %logistic3A_55 = arith.addf %logistic3A_54, %logistic3A_52 : vector<4000x8xf32>
    %logistic3A_56 = arith.divf %logistic3A_54, %logistic3A_55 : vector<4000x8xf32>
    %swap3A_57 = arith.constant 0 : index
    %swap3A_58 = arith.constant 0 : index
    %swap3A_59 = vector.load %arg10[%swap3A_57, %swap3A_58] : memref<4000x8xf32, #tpu.memory_space<vmem>>, vector<4000x8xf32>
    tpu.vector_store %arg10[%swap3A_57, %swap3A_58], %logistic3A_56 {strides = array<i32>} : memref<4000x8xf32, #tpu.memory_space<vmem>>, vector<4000x8xf32>,
    return
  }
  func.func @transform_0(%arg0: i32) -> (i32, i32) {
    %c0_i32 = arith.constant 0 : i32
    %c0_i32_0 = arith.constant 0 : i32
    return %arg0, %c0_i32 : i32, i32
  }
  func.func @transform_1(%arg0: i32) -> (i32, i32) {
    %c0_i32 = arith.constant 0 : i32
    %c0_i32_0 = arith.constant 0 : i32
    %c0_i32_1 = arith.constant 0 : i32
    return %c0_i32, %c0_i32_0 : i32, i32
  }
  func.func @transform_2(%arg0: i32) -> (i32, i32) {
    %c0_i32 = arith.constant 0 : i32
    %c0_i32_0 = arith.constant 0 : i32
    %c0_i32_1 = arith.constant 0 : i32
    return %c0_i32, %c0_i32_0 : i32, i32
  }
  func.func @transform_3(%arg0: i32) -> (i32, i32) {
    %c0_i32 = arith.constant 0 : i32
    %c0_i32_0 = arith.constant 0 : i32
    %c0_i32_1 = arith.constant 0 : i32
    return %c0_i32, %c0_i32_0 : i32, i32
  }
  func.func @transform_4(%arg0: i32) -> (i32, i32) {
    %c0_i32 = arith.constant 0 : i32
    %c0_i32_0 = arith.constant 0 : i32
    %c0_i32_1 = arith.constant 0 : i32
    return %c0_i32, %c0_i32_0 : i32, i32
  }
  func.func @transform_5(%arg0: i32) -> (i32, i32) {
    %c0_i32 = arith.constant 0 : i32
    %c0_i32_0 = arith.constant 0 : i32
    %c0_i32_1 = arith.constant 0 : i32
    return %c0_i32, %c0_i32_0 : i32, i32
  }
  func.func @transform_6(%arg0: i32) -> (i32, i32) {
    %c0_i32 = arith.constant 0 : i32
    %c0_i32_0 = arith.constant 0 : i32
    %c0_i32_1 = arith.constant 0 : i32
    return %c0_i32, %c0_i32_0 : i32, i32
  }
  func.func @transform_7(%arg0: i32) -> (i32, i32) {
    %c0_i32 = arith.constant 0 : i32
    %c0_i32_0 = arith.constant 0 : i32
    %c0_i32_1 = arith.constant 0 : i32
    return %c0_i32, %c0_i32_0 : i32, i32
  }
  func.func @transform_8(%arg0: i32) -> (i32, i32) {
    %c0_i32 = arith.constant 0 : i32
    %c0_i32_0 = arith.constant 0 : i32
    return %arg0, %c0_i32 : i32, i32
  }
  func.func @transform_9(%arg0: i32) -> (i32, i32) {
    %c0_i32 = arith.constant 0 : i32
    %c0_i32_0 = arith.constant 0 : i32
    return %arg0, %c0_i32 : i32, i32
  }
}

module attributes {stable_mosaic.version = 14 : i64} {
  func.func @_decode_neg_body(%arg0: i32, %arg1: memref<4000x128xf32, #tpu.memory_space<vmem>>, %arg2: memref<128x128xf32, #tpu.memory_space<vmem>>, %arg3: memref<1x128xf32, #tpu.memory_space<vmem>>, %arg4: memref<128x8xf32, #tpu.memory_space<vmem>>, %arg5: memref<1x1xf32, #tpu.memory_space<vmem>>, %arg6: memref<4000x8xf32, #tpu.memory_space<vmem>>) attributes {dimension_semantics = [#tpu.dimension_semantics<arbitrary>], iteration_bounds = array<i64: 80>, scalar_prefetch = 0 : i64, scratch_operands = 0 : i64, tpu.core_type = #tpu.core_type<tc>, window_params = [{transform_indices = @transform_0, window_bounds = array<i64: 4000, 128>}, {pipeline_mode = #tpu.pipeline_mode<synchronous>, transform_indices = @transform_1, window_bounds = array<i64: 128, 128>}, {pipeline_mode = #tpu.pipeline_mode<synchronous>, transform_indices = @transform_2, window_bounds = array<i64: 1, 128>}, {pipeline_mode = #tpu.pipeline_mode<synchronous>, transform_indices = @transform_3, window_bounds = array<i64: 128, 8>}, {pipeline_mode = #tpu.pipeline_mode<synchronous>, transform_indices = @transform_4, window_bounds = array<i64: 1, 1>}, {transform_indices = @transform_5, window_bounds = array<i64: 4000, 8>}]} {
    %get3A = arith.constant 0 : index
    %get3A_0 = arith.constant 0 : index
    %get3A_1 = vector.load %arg1[%get3A, %get3A_0] : memref<4000x128xf32, #tpu.memory_space<vmem>>, vector<4000x128xf32>
    %max3A = arith.constant 0.000000e+00 : f32
    %max3A_2 = vector.broadcast %max3A : f32 to vector<4000x128xf32>
    %max3A_3 = arith.maximumf %get3A_1, %max3A_2 : vector<4000x128xf32>
    %get3A_4 = arith.constant 0 : index
    %get3A_5 = arith.constant 0 : index
    %get3A_6 = vector.load %arg2[%get3A_4, %get3A_5] : memref<128x128xf32, #tpu.memory_space<vmem>>, vector<128x128xf32>
    %dot_general3A = arith.constant dense<0.000000e+00> : vector<4000x128xf32>
    %dot_general3A_7 = tpu.matmul %max3A_3, %get3A_6, %dot_general3A {dimension_numbers = #tpu.dot_dimension_numbers<[1], [0], [0], [1], [0, 0, 1, 1], [], []>, transpose_lhs_hint = false} : vector<4000x128xf32>, vector<128x128xf32>, vector<4000x128xf32> -> vector<4000x128xf32>
    %get3A_8 = arith.constant 0 : index
    %get3A_9 = arith.constant 0 : index
    %get3A_10 = vector.load %arg3[%get3A_8, %get3A_9] : memref<1x128xf32, #tpu.memory_space<vmem>>, vector<1x128xf32>
    %add3A = vector.broadcast %get3A_10 : vector<1x128xf32> to vector<4000x128xf32>
    %add3A_11 = arith.addf %dot_general3A_7, %add3A : vector<4000x128xf32>
    %max3A_12 = arith.constant 0.000000e+00 : f32
    %max3A_13 = vector.broadcast %max3A_12 : f32 to vector<4000x128xf32>
    %max3A_14 = arith.maximumf %add3A_11, %max3A_13 : vector<4000x128xf32>
    %get3A_15 = arith.constant 0 : index
    %get3A_16 = arith.constant 0 : index
    %get3A_17 = vector.load %arg4[%get3A_15, %get3A_16] : memref<128x8xf32, #tpu.memory_space<vmem>>, vector<128x8xf32>
    %dot_general3A_18 = arith.constant dense<0.000000e+00> : vector<4000x8xf32>
    %dot_general3A_19 = tpu.matmul %max3A_14, %get3A_17, %dot_general3A_18 {dimension_numbers = #tpu.dot_dimension_numbers<[1], [0], [0], [1], [0, 0, 1, 1], [], []>, transpose_lhs_hint = false} : vector<4000x128xf32>, vector<128x8xf32>, vector<4000x8xf32> -> vector<4000x8xf32>
    %get3A_20 = arith.constant 0 : index
    %get3A_21 = arith.constant 0 : index
    %get3A_22 = vector.load %arg5[%get3A_20, %get3A_21] : memref<1x1xf32, #tpu.memory_space<vmem>>, vector<1x1xf32>
    %add3A_23 = vector.broadcast %get3A_22 : vector<1x1xf32> to vector<4000x8xf32>
    %add3A_24 = arith.addf %dot_general3A_19, %add3A_23 : vector<4000x8xf32>
    %logistic3A = arith.negf %add3A_24 : vector<4000x8xf32>
    %logistic3A_25 = math.exp %logistic3A : vector<4000x8xf32>
    %logistic3A_26 = arith.constant 1.000000e+00 : f32
    %logistic3A_27 = vector.broadcast %logistic3A_26 : f32 to vector<4000x8xf32>
    %logistic3A_28 = arith.addf %logistic3A_27, %logistic3A_25 : vector<4000x8xf32>
    %logistic3A_29 = arith.divf %logistic3A_27, %logistic3A_28 : vector<4000x8xf32>
    %swap3A = arith.constant 0 : index
    %swap3A_30 = arith.constant 0 : index
    %swap3A_31 = vector.load %arg6[%swap3A, %swap3A_30] : memref<4000x8xf32, #tpu.memory_space<vmem>>, vector<4000x8xf32>
    tpu.vector_store %arg6[%swap3A, %swap3A_30], %logistic3A_29 {strides = array<i32>} : memref<4000x8xf32, #tpu.memory_space<vmem>>, vector<4000x8xf32>,
    return
  }
  func.func @transform_0(%arg0: i32) -> (i32, i32) {
    %c0_i32 = arith.constant 0 : i32
    %c0_i32_0 = arith.constant 0 : i32
    return %arg0, %c0_i32 : i32, i32
  }
  func.func @transform_1(%arg0: i32) -> (i32, i32) {
    %c0_i32 = arith.constant 0 : i32
    %c0_i32_0 = arith.constant 0 : i32
    %c0_i32_1 = arith.constant 0 : i32
    return %c0_i32, %c0_i32_0 : i32, i32
  }
  func.func @transform_2(%arg0: i32) -> (i32, i32) {
    %c0_i32 = arith.constant 0 : i32
    %c0_i32_0 = arith.constant 0 : i32
    %c0_i32_1 = arith.constant 0 : i32
    return %c0_i32, %c0_i32_0 : i32, i32
  }
  func.func @transform_3(%arg0: i32) -> (i32, i32) {
    %c0_i32 = arith.constant 0 : i32
    %c0_i32_0 = arith.constant 0 : i32
    %c0_i32_1 = arith.constant 0 : i32
    return %c0_i32, %c0_i32_0 : i32, i32
  }
  func.func @transform_4(%arg0: i32) -> (i32, i32) {
    %c0_i32 = arith.constant 0 : i32
    %c0_i32_0 = arith.constant 0 : i32
    %c0_i32_1 = arith.constant 0 : i32
    return %c0_i32, %c0_i32_0 : i32, i32
  }
  func.func @transform_5(%arg0: i32) -> (i32, i32) {
    %c0_i32 = arith.constant 0 : i32
    %c0_i32_0 = arith.constant 0 : i32
    return %arg0, %c0_i32 : i32, i32
  }
}

</mosaic_0001>

<sc_bundles>
// kernel: kernel.6.cloned.1.call-start
scs
__scs_entry_jumppad:
0x0: {  	(pc) =	sbr.rel $0x88, $3  }
0x1: {  	(tag) =	ssettag $0x0;
	lr =	simm.s32 $0x1  }
0x2: {  	[smem:$0x3F96] =	sst lr;
	_ =	strace $0xD0000000  }
0x3: {  	_ = 	snop  }
0x4: {  	_ = 	snop  }
0x5: {  	_ = 	snop  }
0x6: {  	_ = 	snop  }
0x7: {  	_ = 	snop  }
__scs_overlays_trampoline_lowered:
0x8: {  	[smem:$0x3FA5] =	sst s0  }
0x9: {  	[smem:$0x3FA6] =	sst s1  }
0xa: {  	[smem:$0x3FA7] =	sst s2  }
0xb: {  	[smem:$0x3FA8] =	sst s3  }
0xc: {  	[smem:$0x3FA9] =	sst s4  }
0xd: {  	[smem:$0x3FAA] =	sst s5  }
0xe: {  	[smem:$0x3FAB] =	sst s6  }
0xf: {  	[smem:$0x3FAC] =	sst s7  }
0x10: {  	[smem:$0x3FAD] =	sst s8  }
0x11: {  	[smem:$0x3FAE] =	sst s9;
	s0 =	simm.s32 @!p0 $0x0  }
0x12: {  	s1 =	sld [smem:$0x3F94];
	s0 =	simm.s32 @p0 $0x1  }
0x13: {  	[smem:$0x3FAF] =	sst s0;
	s0 =	simm.s32 @!p1 $0x0  }
0x14: {  	s2 =	sld [smem:$0x3F93];
	s0 =	simm.s32 @p1 $0x1  }
0x15: {  	[smem:$0x3FB0] =	sst s0;
	s0 =	simm.s32 @!p2 $0x0  }
0x16: {  	s3 =	sld [smem:$0x3FDB];
	s0 =	simm.s32 @p2 $0x1  }
0x17: {  	s4 =	simm.s32 $0x1BF5;
	[smem:$0x3FB2] =	sst s0  }
0x18: {  	s0 =	sld [smem:$0x3F95];
	_ =	swait.ge [sflag:s4], $0x0  }
0x19: {  	s7 =	sld [smem:$0x3F96]  }
0x1a: {  	s8 =	sadd.s32 $0xFFFFE003, lr  }
0x1b: {  	s9 =	sadd.s32 $0xFFFFFEF7, lr;
	s5 =	simm.s32 $0xFFFFFFFF;
	p2 =	slt.u32 s8, $0xFFFFF086  }
0x1c: {  	p1 =	slt.u32 s9, $0xF7A;
	s5 =	simm.s32 @!p2 $0x0  }
0x1d: {  	s5 =	simm.s32 @p1 $0x1;
	p0 =	seq.s32 s7, s2  }
0x1e: {  	s7 =	smul.u32 @!p0 $0xF7A, s2;
	p2 =	seq.s32 @!p0 s5, $0x0  }
0x1f: {  	s9 =	smul.u32 $0xF7A, s1;
	s8 =	simm.s32 @!p0 $0x1BF5;
	p2 =	por !p2, p0  }
0x20: {  	[sflag:s8] =	ssyncset.s32 @!p0 $0xFFFFF086;
	s6 =	sadd.s32 @!p0 s3, s7;
	s7 =	simm.s32 @!p0 $0x108  }
0x21: {  	s3 =	sadd.s32 s3, s9;
	s6 =	sadd.s32 @!p0 $0x88, s6;
	s7 =	simm.s32 @p2 $0x1082  }
0x22: {  	[simem:s7], [sflag:s8] =	dma.local @!p0 [hbm:s6], $0xF7A  }
0x23: {  	s9 =	sor.u32 $0xD0000000, s2;
	s6 =	simm.s32 $0x108;
	_ =	swait.ge @!p0 [sflag:s8], $0x0  }
0x24: {  	s3 =	sadd.s32 $0x88, s3;
	s6 =	simm.s32 @!p1 $0x1082;
	[sflag:s4] =	ssyncset.s32 $0xFFFFF086  }
0x25: {  	[simem:s6], [sflag:s4] =	dma.local [hbm:s3], $0xF7A  }
0x26: {  	[smem:$0x3F96] =	sst s1;
	(tag) =	ssettag s2;
	_ =	strace s9  }
0x27: {  	s1 =	sld [smem:$0x3FA6]  }
0x28: {  	s2 =	sld [smem:$0x3FA7]  }
0x29: {  	s4 =	sld [smem:$0x3FA9]  }
0x2a: {  	p0 =	seq.s32 s5, $0x0;
	s5 =	sld [smem:$0x3FAA]  }
0x2b: {  	s6 =	sld [smem:$0x3FAB]  }
0x2c: {  	s7 =	sld [smem:$0x3FAC]  }
0x2d: {  	s3 =	simm.s32 $0x108;
	s8 =	sld [smem:$0x3FAD]  }
0x2e: {  	s3 =	simm.s32 @!p0 $0x1082;
	s9 =	sld [smem:$0x3FAE]  }
0x2f: {  	lr =	sadd.s32 s0, s3;
	s0 =	sld [smem:$0x3FA5]  }
0x30: {  	s3 =	sld [smem:$0x3FA8]  }
0x31: {  	[smem:$0x3FB1] =	sst s10  }
0x32: {  	s10 =	sld [smem:$0x3FAF];
	_ =	sdelay $0x3  }
0x33: {  	p0 =	seq.s32 s10, $0x1;
	s10 =	sld [smem:$0x3FB1];
	_ =	sdelay $0x3  }
0x34: {  	[smem:$0x3FB1] =	sst s10  }
0x35: {  	s10 =	sld [smem:$0x3FB0];
	_ =	sdelay $0x3  }
0x36: {  	p1 =	seq.s32 s10, $0x1;
	s10 =	sld [smem:$0x3FB1];
	_ =	sdelay $0x3  }
0x37: {  	[smem:$0x3FB1] =	sst s10  }
0x38: {  	s10 =	sld [smem:$0x3FB2]  }
0x39: {  	_ = 	snop;
	(pc) =	sbr.ind lr, $3  }
0x3a: {  	_ = 	snop  }
0x3b: {  	_ = 	snop  }
0x3c: {  	p2 =	seq.s32 s10, $0x1;
	s10 =	sld [smem:$0x3FB1]  }
0x3d: {  	_ =	shalt  }
0x3e: {  	_ =	shalt  }
0x3f: {  	_ =	shalt  }
0x40: {  	_ =	shalt  }
0x41: {  	_ =	shalt  }
0x42: {  	_ =	shalt  }
0x43: {  	_ =	shalt  }
0x44: {  	_ =	shalt  }
0x45: {  	_ =	shalt  }
0x46: {  	_ =	shalt  }
0x47: {  	_ =	shalt  }
0x48: {  	_ =	shalt  }
0x49: {  	_ =	shalt  }
0x4a: {  	_ =	shalt  }
0x4b: {  	_ =	shalt  }
0x4c: {  	_ =	shalt  }
0x4d: {  	_ =	shalt  }
0x4e: {  	_ =	shalt  }
0x4f: {  	_ =	shalt  }
0x50: {  	_ =	shalt  }
0x51: {  	_ =	shalt  }
0x52: {  	_ =	shalt  }
0x53: {  	_ =	shalt  }
0x54: {  	_ =	shalt  }
0x55: {  	_ =	shalt  }
0x56: {  	_ =	shalt  }
0x57: {  	_ =	shalt  }
0x58: {  	_ =	shalt  }
0x59: {  	_ =	shalt  }
0x5a: {  	_ =	shalt  }
0x5b: {  	_ =	shalt  }
0x5c: {  	_ =	shalt  }
0x5d: {  	_ =	shalt  }
0x5e: {  	_ =	shalt  }
0x5f: {  	_ =	shalt  }
0x60: {  	_ =	shalt  }
0x61: {  	_ =	shalt  }
0x62: {  	_ =	shalt  }
0x63: {  	_ =	shalt  }
0x64: {  	_ =	shalt  }
0x65: {  	_ =	shalt  }
0x66: {  	_ =	shalt  }
0x67: {  	_ =	shalt  }
0x68: {  	_ =	shalt  }
0x69: {  	_ =	shalt  }
0x6a: {  	_ =	shalt  }
0x6b: {  	_ =	shalt  }
0x6c: {  	_ =	shalt  }
0x6d: {  	_ =	shalt  }
0x6e: {  	_ =	shalt  }
0x6f: {  	_ =	shalt  }
0x70: {  	_ =	shalt  }
0x71: {  	_ =	shalt  }
0x72: {  	_ =	shalt  }
0x73: {  	_ =	shalt  }
0x74: {  	_ =	shalt  }
0x75: {  	_ =	shalt  }
0x76: {  	_ =	shalt  }
0x77: {  	_ =	shalt  }
0x78: {  	_ =	shalt  }
0x79: {  	_ =	shalt  }
0x7a: {  	_ =	shalt  }
0x7b: {  	_ =	shalt  }
0x7c: {  	_ =	shalt  }
0x7d: {  	_ =	shalt  }
0x7e: {  	_ =	shalt  }
0x7f: {  	_ =	shalt  }
0x80: {  	_ =	shalt  }
0x81: {  	_ =	shalt  }
0x82: {  	_ =	shalt  }
0x83: {  	_ =	shalt  }
0x84: {  	_ =	shalt  }
0x85: {  	_ =	shalt  }
0x86: {  	_ =	shalt  }
0x87: {  	_ =	shalt  }
.Lfunc_end0:
.L_simem_size_0:
called_computation_lowered:
.L_overlay_start_0:
0x88: {  	s2 =	sld [smem:$0x3FD9]  }
0x89: {  	s3 =	sld [smem:$0x3FFE];
	_ =	sdelay $0x1  }
0x8a: {  	s1 =	srdreg.scid  }
0x8b: {  	s0 =	sand.u32 $0x1, s1  }
0x8c: {  	s14 =	sshll.u32 s0, $0xA;
	s2 =	sadd.s32 s3, s2  }
0x8d: {  	s2 =	sadd.s32 s2, s14  }
0x8e: {  	[smem:$0x3FBD] =	sst s2  }
0x8f: {  	_ = 	snop  }
0x90: {  	s2 =	sld [smem:$0x3FD0];
	_ =	sdelay $0x2  }
0x91: {  	s4 =	simm.s32 $0xB;
	s5 =	simm.s32 $0x10;
	s15 =	sld [smem:$0x3FC9]  }
0x92: {  	[smem:s5], [sflag:s4] =	dma.local [hbm:s2], $0x1  }
0x93: {  	_ =	swait.eq [sflag:s4], $0x1  }
0x94: {  	[sflag:s4] =	ssyncset.done $0x0  }
0x95: {  	[sflag:s4] =	ssyncadd.s32 $0xFFFFFFFF  }
0x96: {  	s16 =	sld [smem:$0x10];
	(tm) =	ssettm $0x1  }
0x97: {  	s17 =	sld [smem:$0x3FFB];
	_ =	sdelay $0x3  }
0x98: {  	_ =	strace s17  }
0x99: {  	s4 =	sld [smem:$0x3FFC];
	_ =	sdelay $0x3  }
0x9a: {  	_ =	strace s4  }
0x9b: {  	s4 =	sld [smem:$0x3FFD];
	_ =	sdelay $0x3  }
0x9c: {  	_ =	strace s4  }
0x9d: {  	_ =	strace $0x8FFFFFFF  }
0x9e: {  	s18 =	sld [smem:$0x3FDB];
	_ =	sdelay $0x1  }
0x9f: {  	s19 =	simm.s32 $_scs_section_size  }
0xa0: {  	s6 =	simm.s32 $_size__tile_overlayer_lowered;
	s7 =	simm.s32 $_tile_overlayer_lowered  }
0xa1: {  	s22 =	simm.s32 $0x1BFF;
	s21 =	sshll.u32 s7, $0x1;
	s4 =	sadd.s32 s19, s18  }
0xa2: {  	s8 =	simm.s32 $0x0;
	s20 =	sshll.u32 s6, $0x1;
	s6 =	sadd.s32 s21, s4  }
0xa3: {  	[timem:s8], [sflag:s22] =	dma.local [hbm:s6], s20  }
0xa4: {  	_ =	swait.ge [sflag:s22], s20  }
0xa5: {  	s5 =	ssub.s32 $0x0, s20;
	[sflag:s22] =	ssyncset.done $0x0  }
0xa6: {  	[sflag:s22] =	ssyncadd.s32 s5;
	_ =	sdelay $0x1  }
0xa7: {  	s23 =	simm.s32 $0x1B8B  }
0xa8: {  	_ =	swait.ge [sflag:s23], $0x1  }
0xa9: {  	[sflag:s23] =	ssyncset.done $0x0  }
0xaa: {  	s25 =	simm.s32 $0x1B8E;
	s24 =	sld [smem:$0x3FFE];
	[sflag:s23] =	ssyncadd.s32 $0xFFFFFFFF  }
0xab: {  	s26 =	simm.s32 $execute0_lowered;
	[smem:$0x3FD2] =	sst s25  }
0xac: {  	s6 =	sshll.u32 s26, $0x1;
	_ =	strace $0x80000046;
	[dreg:$0x1] =	wrdreg $0xFFFFFFFF  }
0xad: {  	s28 =	simm.s32 $_size_execute0_lowered;
	s4 =	sadd.s32 s4, s6;
	[dreg:$0x0] =	wrdreg $0x0  }
0xae: {  	s6 =	sshll.u32 s28, $0x1;
	[dreg:$0x2] =	wrdreg s4  }
0xaf: {  	[dreg:$0x3] =	wrdreg s6  }
0xb0: {  	[dreg:$0x4] =	wrdreg $0xC0  }
0xb1: {  	_ =	task [dreg:s8], $0x5FFFF  }
0xb2: {  	[dreg:$0x1] =	wrdreg $0xFFFFFFFF  }
0xb3: {  	[dreg:$0x0] =	wrdreg $0x60  }
0xb4: {  	[dreg:$0x2] =	wrdreg s15  }
0xb5: {  	[dreg:$0x3] =	wrdreg s16  }
0xb6: {  	[dreg:$0x4] =	wrdreg s24  }
0xb7: {  	[dreg:$0x5] =	wrdreg $0x9  }
0xb8: {  	_ =	task.clear_ibuf [dreg:s8], $0x6FFFF;
	_ =	strace $0x90000046  }
0xb9: {  	s29 =	simm.s32 $0x9;
	_ =	strace $0x80000048  }
0xba: {  	_ =	swait.ge [sflag:s29], $0x1  }
0xbb: {  	[sflag:s29] =	ssyncadd.s32 $0xFFFFFFFF  }
0xbc: {  	_ =	strace $0x90000048  }
0xbd: {  	_ =	sfence  }
0xbe: {  	s30 =	sld [smem:$0x0];
	_ =	sdelay $0x2  }
0xbf: {  	s31 =	sshll.u32 s1, $0xD;
	s1 =	sshrl.u32 s1, $0x2  }
0xc0: {  	s3 =	sand.u32 $0x4000, s31;
	s1 =	sadd.s32 s1, s30  }
0xc1: {  	s0 =	sor.u32 s3, s0;
	s1 =	sshll.u32 s1, $0x11  }
0xc2: {  	s0 =	sor.u32 s1, s0  }
0xc3: {  	s0 =	sadd.s32 $0x8F2B, s0  }
0xc4: {  	[sflag:s0] =	ssyncadd.remote.s32 $0x1  }
0xc5: {  	_ =	sfence.sel $0xFFFF  }
0xc6: {  	[dreg:$0x0] =	wrdreg $0xFFFFFFFF;
	(pc) =	sbr.abs _section_cstart, $3  }
0xc7: {  	[dreg:$0x1] =	wrdreg $0xFFFFFFFF  }
0xc8: {  	_ =	task.clear_ibuf [dreg:s8], $0x2FFFF;
	_ =	strace $0x9FFFFFFF  }
0xc9: {  	(tm) =	ssettm $0x7FFFFFFF  }
tec
execute0_lowered:
.L_overlay_start_1:
0x0: {  	(tag) =	ssettag $0x1  }
0x1: {  	s1 =	rddreg [dreg:$0x0]  }
0x2: {  	s0 =	srdreg.scid;
	s3 =	rddreg [dreg:$0x1]  }
0x3: {  	s2 =	stileid.u32;
	s6 =	rddreg [dreg:$0x2];
	s4 =	simm.s32 $0x0  }
0x4: {  	s16 =	simm.s32 $0x180;
	s19 =	simm.s32 $0x1;
	s20 =	simm.s32 $0x50  }
0x5: {  	s23 =	simm.s32 $0x2;
	s0 =	sand.u32 $0x1, s0;
	s2 =	sshll.u32 s2, $0x1  }
0x6: {  	s26 =	simm.s32 $0xE;
	s28 =	simm.s32 $0xF;
	s2 =	sor.u32 s0, s2  }
0x7: {  	s29 =	simm.s32 $0x10;
	s30 =	simm.s32 $0xD;
	s5 =	smul.u32 $0x2710, s2  }
0x8: {  	s31 =	simm.s32 $0x0;
	[smem:$0x7FF] =	sst s4;
	s0 =	ssub.s32 $0x2, s0  }
0x9: {  	s6 =	sadd.s32 $0x1200, s6;
	s8 =	sshrl.u32 s0, $0x1;
	s2 =	sshrl.u32 s5, $0x3  }
0xa: {  	_ =	strace $0x80000047;
	s0 =	ssub.s32 s0, s8;
	s7 =	sadd.s32 s3, s2  }
0xb: {  	s13 =	smax.u32 s0, $0x1;
	s8 =	sadd.s32 $0x9C40, s7;
	s9 =	sadd.s32 $0xA, s7  }
0xc: {  	s10 =	sadd.s32 $0x9C4A, s7;
	s11 =	sadd.s32 $0x14, s7;
	s12 =	sadd.s32 $0x9C54, s7  }
.LBB2_1:
0xd: {  	[tilespmem:s4], [sflag:$0x1] =	stream.linear.gather [hbm4b:s7+s4], $0x50, $0x38;
	[tilespmem:$0x1E400] =	vst v63  }
0xe: {  	s0 =	simm.s32 $0x80  }
0xf: {  	[tilespmem:s0], [sflag:$0x1] =	stream.linear.gather [hbm4b:s8+s4], $0x50, $0x38;
	[tilespmem:$0x1E400] =	vst v63  }
0x10: {  	s2 =	simm.s32 $0x100  }
0x11: {  	[tilespmem:s2], [sflag:$0x2] =	stream.linear.gather [hbm4b:s9+s4], $0x50, $0x38;
	[tilespmem:$0x1E400] =	vst v63  }
0x12: {  	_ = 	snop  }
0x13: {  	[tilespmem:s16], [sflag:$0x2] =	stream.linear.gather [hbm4b:s10+s4], $0x50, $0x38;
	[tilespmem:$0x1E400] =	vst v63  }
0x14: {  	s14 =	simm.s32 $0x200  }
0x15: {  	[tilespmem:s14], [sflag:$0x3] =	stream.linear.gather [hbm4b:s11+s4], $0x50, $0x38;
	[tilespmem:$0x1E400] =	vst v63  }
0x16: {  	s18 =	simm.s32 $0x280  }
0x17: {  	[tilespmem:s18], [sflag:$0x3] =	stream.linear.gather [hbm4b:s12+s4], $0x50, $0x38;
	[tilespmem:$0x1E400] =	vst v63  }
0x18: {  	_ =	swait.ge [sflag:s19], $0x50  }
0x19: {  	[sflag:s19] =	ssyncset.done $0x0  }
0x1a: {  	[sflag:s19] =	ssyncadd.s32 $0xFFFFFFB0  }
0x1b: {  	_ =	swait.ge [sflag:s19], $0x50  }
0x1c: {  	[sflag:s19] =	ssyncset.done $0x0  }
0x1d: {  	s21 =	simm.s32 $0x400;
	[sflag:s19] =	ssyncadd.s32 $0xFFFFFFB0  }
0x1e: {  	[tilespmem:s21], [sflag:$0x5] =	stream.indirect.gather [hbm4b:s1+s20], $0x80, s4, s20, $0xb8;
	[tilespmem:$0x1E400] =	vst v63  }
0x1f: {  	s22 =	simm.s32 $0xA400  }
0x20: {  	[tilespmem:s22], [sflag:$0x9] =	stream.indirect.gather [hbm4b:s1+s20], $0x80, s0, s20, $0xb8;
	[tilespmem:$0x1E400] =	vst v63  }
0x21: {  	_ =	swait.ge [sflag:s23], $0x50  }
0x22: {  	[sflag:s23] =	ssyncset.done $0x0  }
0x23: {  	[sflag:s23] =	ssyncadd.s32 $0xFFFFFFB0  }
0x24: {  	_ =	swait.ge [sflag:s23], $0x50  }
0x25: {  	[sflag:s23] =	ssyncset.done $0x0  }
0x26: {  	s24 =	simm.s32 $0x2C00;
	[sflag:s23] =	ssyncadd.s32 $0xFFFFFFB0  }
0x27: {  	[tilespmem:s24], [sflag:$0x6] =	stream.indirect.gather [hbm4b:s1+s20], $0x80, s2, s20, $0xb8;
	[tilespmem:$0x1E400] =	vst v63  }
0x28: {  	s25 =	simm.s32 $0xCC00;
	s0 =	simm.s32 $0x0;
	s2 =	simm.s32 $0x0  }
0x29: {  	[tilespmem:s25], [sflag:$0xA] =	stream.indirect.gather [hbm4b:s1+s20], $0x80, s16, s20, $0xb8;
	[tilespmem:$0x1E400] =	vst v63  }
.LBB2_2:
0x2a: {  	p0 =	sgt.u32 s0, $0x79  }
.Ltmp0:
0x2b: {  	_ = 	snop;
	(pc) =	sbr.rel @p0 .LBB2_4-.Ltmp0, $2  }
0x2c: {  	_ =	sdelay $0x2  }
0x2d: {  	s17 =	sand.u32 $0x3, s0  }
0x2e: {  	s14 =	sadd.s32 $0x3, s0  }
0x2f: {  	s15 =	smul.u32 $0x50, s14;
	_ =	sdelay $0x1  }
0x30: {  	s15 =	sadd.s32 s5, s15  }
.Ltmp1:
0x31: {  	s14 =	sand.u32 $0x3, s14;
	s15 =	sshrl.u32 s15, $0x3;
	(pc) =	sbr.rel .LBB2_5-.Ltmp1, $4  }
0x32: {  	s18 =	sadd.s32 $0x1, s14;
	s14 =	sshll.u32 s14, $0x8;
	s15 =	sadd.s32 s3, s15  }
0x33: {  	[tilespmem:s14], [sflag:s18] =	stream.linear.gather [hbm4b:s15+s4], $0x50, $0x38;
	[tilespmem:$0x1E400] =	vst v63  }
0x34: {  	s14 =	sor.u32 $0x80, s14;
	s15 =	sadd.s32 $0x9C40, s15  }
0x35: {  	[tilespmem:s14], [sflag:s18] =	stream.linear.gather [hbm4b:s15+s4], $0x50, $0x38;
	[tilespmem:$0x1E400] =	vst v63  }
.LBB2_4:
0x36: {  	p0 =	sne.s32 s0, $0x7A  }
.Ltmp2:
0x37: {  	_ = 	snop;
	(pc) =	sbr.rel @p0 .LBB2_6-.Ltmp2, $1  }
0x38: {  	_ =	sdelay $0x3  }
.LBB2_5:
0x39: {  	s14 =	sxor.u32 $0x2, s17  }
0x3a: {  	s15 =	sadd.s32 $0x1, s14  }
0x3b: {  	_ =	swait.ge [sflag:s15], $0x50  }
0x3c: {  	[sflag:s15] =	ssyncset.done $0x0  }
0x3d: {  	[sflag:s15] =	ssyncadd.s32 $0xFFFFFFB0  }
0x3e: {  	_ =	swait.ge [sflag:s15], $0x50  }
0x3f: {  	p0 =	slt.u32 s0, $0x2;
	[sflag:s15] =	ssyncset.done $0x0  }
0x40: {  	[sflag:s15] =	ssyncadd.s32 $0xFFFFFFB0;
	s15 =	sadd.s32 @!p0 $0xD, s14  }
0x41: {  	s18 =	smul.u32 $0x2800, s14;
	_ =	swait.ge @!p0 [sflag:s15], $0x2800  }
0x42: {  	s21 =	sshll.u32 s14, $0x8;
	[sflag:s15] =	ssyncset.done @!p0 $0x0  }
0x43: {  	s22 =	sadd.s32 $0x5, s14;
	s24 =	sor.u32 $0x400, s18;
	[sflag:s15] =	ssyncadd.s32 @!p0 $0xFFFFD800  }
0x44: {  	[tilespmem:s24], [sflag:s22] =	stream.indirect.gather [hbm4b:s1+s20], $0x80, s21, s20, $0xb8;
	[tilespmem:$0x1E400] =	vst v63  }
0x45: {  	s25 =	sor.u32 $0x80, s21;
	s18 =	sadd.s32 $0xA400, s18;
	s14 =	sadd.s32 $0x9, s14  }
0x46: {  	[tilespmem:s18], [sflag:s14] =	stream.indirect.gather [hbm4b:s1+s20], $0x80, s25, s20, $0xb8;
	[tilespmem:$0x1E400] =	vst v63  }
.LBB2_6:
0x47: {  	s14 =	sadd.s32 $0x5, s17  }
0x48: {  	_ =	swait.ge [sflag:s14], $0x2800  }
0x49: {  	s15 =	sand.u32 $0x3, s2;
	[sflag:s14] =	ssyncset.done $0x0  }
0x4a: {  	s25 =	sadd.s32 $0x9, s17;
	s15 =	smul.u32 $0xA000, s15;
	[sflag:s14] =	ssyncadd.s32 $0xFFFFD800  }
0x4b: {  	_ =	swait.ge [sflag:s25], $0x2800  }
0x4c: {  	s21 =	sshrl.u32 s15, $0x2;
	[sflag:s25] =	ssyncset.done $0x0  }
0x4d: {  	s18 =	sor.u32 $0x500, s21;
	[sflag:s25] =	ssyncadd.s32 $0xFFFFD800  }
0x4e: {  	s15 =	sadd.s32 $0xA500, s21;
	v0 =	vld [tilespmem:s18+$0x80]  }
0x4f: {  	v1 =	vld [tilespmem:s15+$0x80];
	_ =	sdelay $0x2  }
0x50: {  	v2 =	vld [tilespmem:s18+$0xFFFFFF80]  }
0x51: {  	v3 =	vld [tilespmem:s15+$0xFFFFFF80]  }
0x52: {  	v4 =	vld [tilespmem:s15+$0xFFFFFF00];
	v0 =	vmul.f32 v1, v0  }
0x53: {  	s22 =	sadd.s32 $0x14500, s21;
	v1 =	vld [tilespmem:s18+$0xFFFFFF00]  }
0x54: {  	[tilespmem:s22+$0x80] =	vst v0  }
0x55: {  	v0 =	vld [tilespmem:s18+$0x90]  }
0x56: {  	v2 =	vmul.f32 v3, v2;
	v3 =	vld [tilespmem:s15+$0x90]  }
0x57: {  	v5 =	vld [tilespmem:s18+$0x0]  }
0x58: {  	v6 =	vld [tilespmem:s15+$0x0];
	[tilespmem:s22+$0xFFFFFF80] =	vst v2;
	v1 =	vmul.f32 v4, v1  }
0x59: {  	v2 =	vld [tilespmem:s18+$0xFFFFFF90]  }
0x5a: {  	v4 =	vld [tilespmem:s15+$0xFFFFFF90];
	[tilespmem:s22+$0xFFFFFF00] =	vst v1  }
0x5b: {  	v1 =	vld [tilespmem:s18+$0xFFFFFF10];
	v0 =	vmul.f32 v3, v0  }
0x5c: {  	v3 =	vld [tilespmem:s15+$0xFFFFFF10]  }
0x5d: {  	v5 =	vmul.f32 v6, v5;
	[tilespmem:s22+$0x90] =	vst v0  }
0x5e: {  	v0 =	vld [tilespmem:s18+$0xA0]  }
0x5f: {  	[tilespmem:s22+$0x0] =	vst v5;
	v2 =	vmul.f32 v4, v2;
	v4 =	vld [tilespmem:s15+$0xA0]  }
0x60: {  	v5 =	vld [tilespmem:s18+$0x10]  }
0x61: {  	v6 =	vld [tilespmem:s15+$0x10];
	[tilespmem:s22+$0xFFFFFF90] =	vst v2;
	v1 =	vmul.f32 v3, v1  }
0x62: {  	v2 =	vld [tilespmem:s18+$0xFFFFFFA0]  }
0x63: {  	v3 =	vld [tilespmem:s15+$0xFFFFFFA0];
	[tilespmem:s22+$0xFFFFFF10] =	vst v1  }
0x64: {  	v1 =	vld [tilespmem:s18+$0xFFFFFF20];
	v0 =	vmul.f32 v4, v0  }
0x65: {  	v4 =	vld [tilespmem:s15+$0xFFFFFF20]  }
0x66: {  	v5 =	vmul.f32 v6, v5;
	[tilespmem:s22+$0xA0] =	vst v0  }
0x67: {  	v0 =	vld [tilespmem:s18+$0xB0]  }
0x68: {  	[tilespmem:s22+$0x10] =	vst v5;
	v2 =	vmul.f32 v3, v2;
	v3 =	vld [tilespmem:s15+$0xB0]  }
0x69: {  	v5 =	vld [tilespmem:s18+$0x20]  }
0x6a: {  	[tilespmem:s22+$0xFFFFFFA0] =	vst v2;
	v2 =	vld [tilespmem:s15+$0x20];
	v1 =	vmul.f32 v4, v1  }
0x6b: {  	v4 =	vld [tilespmem:s18+$0xFFFFFFB0]  }
0x6c: {  	v6 =	vld [tilespmem:s15+$0xFFFFFFB0];
	[tilespmem:s22+$0xFFFFFF20] =	vst v1  }
0x6d: {  	v1 =	vld [tilespmem:s18+$0xFFFFFF30];
	v0 =	vmul.f32 v3, v0  }
0x6e: {  	v3 =	vld [tilespmem:s15+$0xFFFFFF30]  }
0x6f: {  	v2 =	vmul.f32 v2, v5;
	[tilespmem:s22+$0xB0] =	vst v0  }
0x70: {  	v0 =	vld [tilespmem:s18+$0xC0]  }
0x71: {  	v4 =	vmul.f32 v6, v4;
	[tilespmem:s22+$0x20] =	vst v2;
	v2 =	vld [tilespmem:s15+$0xC0]  }
0x72: {  	v5 =	vld [tilespmem:s18+$0x30]  }
0x73: {  	[tilespmem:s22+$0xFFFFFFB0] =	vst v4;
	v1 =	vmul.f32 v3, v1;
	v3 =	vld [tilespmem:s15+$0x30]  }
0x74: {  	v4 =	vld [tilespmem:s18+$0xFFFFFFC0]  }
0x75: {  	[tilespmem:s22+$0xFFFFFF30] =	vst v1;
	v1 =	vld [tilespmem:s15+$0xFFFFFFC0]  }
0x76: {  	v6 =	vld [tilespmem:s18+$0xFFFFFF40];
	v0 =	vmul.f32 v2, v0  }
0x77: {  	v2 =	vld [tilespmem:s15+$0xFFFFFF40]  }
0x78: {  	v3 =	vmul.f32 v3, v5;
	[tilespmem:s22+$0xC0] =	vst v0  }
0x79: {  	v0 =	vld [tilespmem:s18+$0xD0]  }
0x7a: {  	v1 =	vmul.f32 v1, v4;
	[tilespmem:s22+$0x30] =	vst v3;
	v3 =	vld [tilespmem:s15+$0xD0]  }
0x7b: {  	v4 =	vld [tilespmem:s18+$0x40]  }
0x7c: {  	v2 =	vmul.f32 v2, v6;
	[tilespmem:s22+$0xFFFFFFC0] =	vst v1;
	v1 =	vld [tilespmem:s15+$0x40]  }
0x7d: {  	v5 =	vld [tilespmem:s18+$0xFFFFFFD0]  }
0x7e: {  	[tilespmem:s22+$0xFFFFFF40] =	vst v2;
	v2 =	vld [tilespmem:s15+$0xFFFFFFD0]  }
0x7f: {  	v6 =	vld [tilespmem:s18+$0xFFFFFF50];
	v0 =	vmul.f32 v3, v0  }
0x80: {  	v3 =	vld [tilespmem:s15+$0xFFFFFF50]  }
0x81: {  	v1 =	vmul.f32 v1, v4;
	[tilespmem:s22+$0xD0] =	vst v0  }
0x82: {  	v7 =	vld [tilespmem:s18+$0xE0]  }
0x83: {  	v0 =	vmul.f32 v2, v5;
	v5 =	vld [tilespmem:s15+$0xE0];
	[tilespmem:s22+$0x40] =	vst v1  }
0x84: {  	v1 =	vld [tilespmem:s18+$0x50]  }
0x85: {  	v2 =	vmul.f32 v3, v6;
	[tilespmem:s22+$0xFFFFFFD0] =	vst v0;
	v4 =	vld [tilespmem:s15+$0x50]  }
0x86: {  	v0 =	vld [tilespmem:s18+$0xFFFFFFE0]  }
0x87: {  	v3 =	vld [tilespmem:s15+$0xFFFFFFE0];
	[tilespmem:s22+$0xFFFFFF50] =	vst v2  }
0x88: {  	s14 =	sadd.s32 $0x200, s18;
	v2 =	vld [tilespmem:s18+$0xFFFFFF60];
	v6 =	vmul.f32 v5, v7  }
0x89: {  	s21 =	smov.u32 s15;
	s24 =	smov.u32 s22;
	s25 =	simm.s32 $0x0;
	v5 =	vld [tilespmem:s15+$0xFFFFFF60]  }
.LBB2_7:
0x8a: {  	v7 =	vld [tilespmem:s14+$0x80];
	v1 =	vmul.f32 v4, v1;
	[tilespmem:s22+$0xE0] =	vst v6  }
0x8b: {  	v4 =	vld [tilespmem:s18+$0xF0]  }
0x8c: {  	s21 =	sadd.s32 $0x200, s21;
	v0 =	vmul.f32 v3, v0;
	[tilespmem:s22+$0x50] =	vst v1;
	v1 =	vld [tilespmem:s15+$0xF0]  }
0x8d: {  	v3 =	vld [tilespmem:s21+$0x80]  }
0x8e: {  	v6 =	vld [tilespmem:s21+$0xFFFFFF00];
	v2 =	vmul.f32 v5, v2;
	[tilespmem:s22+$0xFFFFFFE0] =	vst v0  }
0x8f: {  	v0 =	vld [tilespmem:s14+$0xFFFFFF80]  }
0x90: {  	v5 =	vld [tilespmem:s21+$0xFFFFFF80];
	[tilespmem:s22+$0xFFFFFF60] =	vst v2  }
0x91: {  	v2 =	vld [tilespmem:s14+$0x0];
	v1 =	vmul.f32 v1, v4  }
0x92: {  	v4 =	vld [tilespmem:s21+$0x0];
	v3 =	vmul.f32 v3, v7  }
0x93: {  	s22 =	sadd.s32 $0x200, s22;
	v7 =	vld [tilespmem:s14+$0xFFFFFF00];
	[tilespmem:s24+$0xF0] =	vst v1  }
0x94: {  	s25 =	sadd.s32 $0x4, s25;
	[tilespmem:s22+$0x80] =	vst v3;
	v1 =	vld [tilespmem:s18+$0x60]  }
0x95: {  	p0 =	slt.u32 s25, $0x4C;
	v0 =	vmul.f32 v5, v0;
	v3 =	vld [tilespmem:s14+$0x90]  }
0x96: {  	v5 =	vld [tilespmem:s21+$0x90]  }
0x97: {  	[tilespmem:s22+$0xFFFFFF80] =	vst v0;
	v0 =	vmul.f32 v4, v2;
	v2 =	vld [tilespmem:s15+$0x60]  }
0x98: {  	v4 =	vmul.f32 v6, v7;
	v6 =	vld [tilespmem:s14+$0xFFFFFF90]  }
0x99: {  	v7 =	vld [tilespmem:s21+$0xFFFFFF90];
	[tilespmem:s22+$0x0] =	vst v0  }
0x9a: {  	[tilespmem:s22+$0xFFFFFF00] =	vst v4;
	v0 =	vld [tilespmem:s14+$0x10]  }
0x9b: {  	v4 =	vld [tilespmem:s14+$0xFFFFFF10];
	v3 =	vmul.f32 v5, v3  }
0x9c: {  	v5 =	vld [tilespmem:s21+$0xFFFFFF10];
	v1 =	vmul.f32 v2, v1  }
0x9d: {  	v2 =	vld [tilespmem:s21+$0x10];
	[tilespmem:s22+$0x90] =	vst v3  }
0x9e: {  	v3 =	vmul.f32 v7, v6;
	v6 =	vld [tilespmem:s14+$0xA0];
	[tilespmem:s24+$0x60] =	vst v1  }
0x9f: {  	v1 =	vld [tilespmem:s21+$0xA0]  }
0xa0: {  	[tilespmem:s22+$0xFFFFFF90] =	vst v3;
	v3 =	vld [tilespmem:s18+$0xFFFFFF70]  }
0xa1: {  	v4 =	vmul.f32 v5, v4;
	v5 =	vld [tilespmem:s14+$0xFFFFFFA0]  }
0xa2: {  	v7 =	vld [tilespmem:s21+$0xFFFFFFA0];
	v0 =	vmul.f32 v2, v0  }
0xa3: {  	[tilespmem:s22+$0xFFFFFF10] =	vst v4;
	v2 =	vld [tilespmem:s15+$0xFFFFFF70]  }
0xa4: {  	v4 =	vld [tilespmem:s14+$0xFFFFFF20];
	[tilespmem:s22+$0x10] =	vst v0;
	v0 =	vmul.f32 v1, v6  }
0xa5: {  	v1 =	vld [tilespmem:s21+$0xFFFFFF20]  }
0xa6: {  	v6 =	vld [tilespmem:s14+$0x20];
	[tilespmem:s22+$0xA0] =	vst v0  }
0xa7: {  	v0 =	vmul.f32 v7, v5;
	v5 =	vld [tilespmem:s14+$0xB0]  }
0xa8: {  	v7 =	vld [tilespmem:s21+$0xB0];
	v2 =	vmul.f32 v2, v3  }
0xa9: {  	[tilespmem:s22+$0xFFFFFFA0] =	vst v0;
	v0 =	vld [tilespmem:s21+$0x20]  }
0xaa: {  	v1 =	vmul.f32 v1, v4;
	v3 =	vld [tilespmem:s14+$0xFFFFFFB0];
	[tilespmem:s24+$0xFFFFFF70] =	vst v2  }
0xab: {  	v2 =	vld [tilespmem:s21+$0xFFFFFFB0]  }
0xac: {  	[tilespmem:s22+$0xFFFFFF20] =	vst v1;
	v1 =	vld [tilespmem:s18+$0xFFFFFFF0]  }
0xad: {  	v4 =	vld [tilespmem:s14+$0xFFFFFF30];
	v5 =	vmul.f32 v7, v5  }
0xae: {  	v7 =	vld [tilespmem:s21+$0xFFFFFF30];
	v0 =	vmul.f32 v0, v6  }
0xaf: {  	[tilespmem:s22+$0xB0] =	vst v5;
	v5 =	vld [tilespmem:s15+$0xFFFFFFF0]  }
0xb0: {  	v2 =	vmul.f32 v2, v3;
	[tilespmem:s22+$0x20] =	vst v0;
	v0 =	vld [tilespmem:s14+$0xC0]  }
0xb1: {  	v3 =	vld [tilespmem:s21+$0xC0]  }
0xb2: {  	[tilespmem:s22+$0xFFFFFFB0] =	vst v2;
	v2 =	vld [tilespmem:s14+$0x30]  }
0xb3: {  	v4 =	vmul.f32 v7, v4;
	v6 =	vld [tilespmem:s21+$0x30]  }
0xb4: {  	v7 =	vld [tilespmem:s14+$0xFFFFFFC0];
	v1 =	vmul.f32 v5, v1  }
0xb5: {  	[tilespmem:s22+$0xFFFFFF30] =	vst v4;
	v4 =	vld [tilespmem:s21+$0xFFFFFFC0]  }
0xb6: {  	v5 =	vld [tilespmem:s14+$0xFFFFFF40];
	v0 =	vmul.f32 v3, v0;
	[tilespmem:s24+$0xFFFFFFF0] =	vst v1  }
0xb7: {  	v1 =	vld [tilespmem:s21+$0xFFFFFF40]  }
0xb8: {  	v2 =	vmul.f32 v6, v2;
	[tilespmem:s22+$0xC0] =	vst v0;
	v3 =	vld [tilespmem:s18+$0x70];
	s18 =	smov.u32 s14  }
0xb9: {  	v0 =	vld [tilespmem:s14+$0xD0]  }
0xba: {  	v4 =	vmul.f32 v4, v7;
	[tilespmem:s22+$0x30] =	vst v2;
	v2 =	vld [tilespmem:s21+$0xD0]  }
0xbb: {  	v6 =	vld [tilespmem:s14+$0x40]  }
0xbc: {  	v1 =	vmul.f32 v1, v5;
	[tilespmem:s22+$0xFFFFFFC0] =	vst v4;
	v4 =	vld [tilespmem:s21+$0x40]  }
0xbd: {  	v5 =	vld [tilespmem:s14+$0xFFFFFFD0]  }
0xbe: {  	[tilespmem:s22+$0xFFFFFF40] =	vst v1;
	v1 =	vld [tilespmem:s21+$0xFFFFFFD0]  }
0xbf: {  	v7 =	vld [tilespmem:s14+$0xFFFFFF50];
	v0 =	vmul.f32 v2, v0  }
0xc0: {  	v2 =	vld [tilespmem:s21+$0xFFFFFF50]  }
0xc1: {  	v4 =	vmul.f32 v4, v6;
	[tilespmem:s22+$0xD0] =	vst v0;
	v6 =	vld [tilespmem:s15+$0x70];
	s15 =	smov.u32 s21  }
0xc2: {  	v8 =	vld [tilespmem:s14+$0xE0]  }
0xc3: {  	v0 =	vmul.f32 v1, v5;
	[tilespmem:s22+$0x40] =	vst v4;
	v5 =	vld [tilespmem:s21+$0xE0]  }
0xc4: {  	v1 =	vld [tilespmem:s14+$0x50]  }
.Ltmp3:
0xc5: {  	v2 =	vmul.f32 v2, v7;
	[tilespmem:s22+$0xFFFFFFD0] =	vst v0;
	v4 =	vld [tilespmem:s21+$0x50];
	(pc) =	sbr.rel @p0 .LBB2_7-.Ltmp3, $4  }
0xc6: {  	v0 =	vld [tilespmem:s14+$0xFFFFFFE0];
	v7 =	vmul.f32 v6, v3  }
0xc7: {  	[tilespmem:s22+$0xFFFFFF50] =	vst v2;
	v3 =	vld [tilespmem:s21+$0xFFFFFFE0]  }
0xc8: {  	v2 =	vld [tilespmem:s14+$0xFFFFFF60];
	v6 =	vmul.f32 v5, v8;
	[tilespmem:s24+$0x70] =	vst v7;
	s24 =	smov.u32 s22  }
0xc9: {  	s14 =	sadd.s32 $0x200, s14;
	v5 =	vld [tilespmem:s21+$0xFFFFFF60]  }
0xca: {  	v1 =	vmul.f32 v4, v1;
	_ =	sdelay $0x1  }
0xcb: {  	[tilespmem:s22+$0x50] =	vst v1  }
0xcc: {  	v1 =	vld [tilespmem:s18+$0x60]  }
0xcd: {  	v55 =	vld [tilespmem:s15+$0x60]  }
0xce: {  	[tilespmem:s22+$0xE0] =	vst v6;
	v0 =	vmul.f32 v3, v0  }
0xcf: {  	v56 =	vld [tilespmem:s18+$0xF0]  }
0xd0: {  	v57 =	vld [tilespmem:s15+$0xF0];
	v2 =	vmul.f32 v5, v2;
	[tilespmem:s22+$0xFFFFFFE0] =	vst v0  }
0xd1: {  	v60 =	vld [tilespmem:s18+$0xFFFFFFF0]  }
0xd2: {  	v61 =	vld [tilespmem:s15+$0xFFFFFFF0];
	[tilespmem:s22+$0xFFFFFF60] =	vst v2;
	v58 =	vmul.f32 v55, v1  }
0xd3: {  	v2 =	vld [tilespmem:s18+$0xFFFFFF70]  }
0xd4: {  	v59 =	vld [tilespmem:s15+$0xFFFFFF70];
	[tilespmem:s24+$0x60] =	vst v58  }
0xd5: {  	v62 =	vld [tilespmem:s18+$0x70]  }
0xd6: {  	v7 =	vld [tilespmem:s15+$0x70];
	_ =	sdelay $0x1  }
0xd7: {  	s14 =	smul.u32 $0x50, s0;
	s0 =	sadd.s32 $0x1, s0;
	v3 =	vmul.f32 v57, v56  }
0xd8: {  	p0 =	sne.s32 s0, $0x7D;
	s22 =	smul.u32 $0xA000, s17;
	v0 =	vmul.f32 v61, v60  }
.Ltmp4:
0xd9: {  	[tilespmem:s24+$0xF0] =	vst v3;
	v1 =	vmul.f32 v59, v2;
	(pc) =	sbr.rel @p0 .LBB2_2-.Ltmp4, $4  }
0xda: {  	s14 =	sadd.s32 s5, s14;
	[tilespmem:s24+$0xFFFFFFF0] =	vst v0;
	v63 =	vmul.f32 v7, v62  }
0xdb: {  	s25 =	sadd.s32 $0xD, s17;
	s14 =	sshll.u32 s14, $0x4;
	s15 =	sshrl.u32 s22, $0x2;
	[tilespmem:s24+$0xFFFFFF70] =	vst v1  }
0xdc: {  	s2 =	sadd.s32 $0x1, s2;
	s14 =	sadd.s32 s6, s14;
	s15 =	sadd.s32 $0x14400, s15;
	[tilespmem:s24+$0x70] =	vst v63  }
0xdd: {  	[hbm4b:s14+s4] =	stream.linear.scatter [tilespmem:s15], [sflag:s25], $0x2800, $0x38;
	[tilespmem:$0x1E400] =	vst v63  }
0xde: {  	_ =	swait.ge [sflag:s26], $0x2800  }
0xdf: {  	[sflag:s26] =	ssyncset.done $0x0  }
0xe0: {  	[sflag:s26] =	ssyncadd.s32 $0xFFFFD800  }
0xe1: {  	_ =	swait.ge [sflag:s28], $0x2800  }
0xe2: {  	[sflag:s28] =	ssyncset.done $0x0  }
0xe3: {  	s31 =	sadd.s32 $0x1, s31;
	[sflag:s28] =	ssyncadd.s32 $0xFFFFD800  }
0xe4: {  	p0 =	sne.s32 s31, s13;
	_ =	swait.ge [sflag:s29], $0x2800  }
.Ltmp5:
0xe5: {  	[sflag:s29] =	ssyncset.done $0x0;
	(pc) =	sbr.rel @p0 .LBB2_1-.Ltmp5, $4  }
0xe6: {  	[sflag:s29] =	ssyncadd.s32 $0xFFFFD800  }
0xe7: {  	_ =	swait.ge [sflag:s30], $0x2800  }
0xe8: {  	[sflag:s30] =	ssyncset.done $0x0  }
0xe9: {  	[sflag:s30] =	ssyncadd.s32 $0xFFFFD800  }
0xea: {  	_ =	sfence.sel $0x180000  }
0xeb: {  	[bflag:$0x0] =	sbarrier.arrive $0xFFFF  }
0xec: {  	_ =	strace $0x90000047  }
0xed: {  	s0 =	stileid.u32;
	[bflag:$0x2] =	sbarrier.arrive $0xFFFF  }
0xee: {  	p0 =	sne.s32 s0, $0x0;
	s0 =	rddreg [dreg:$0x3]  }
0xef: {  	s0 =	sadd.s32 @!p0 $0x100000, s0  }
0xf0: {  	[sflag:s0] =	ssyncadd.tile.s32 @!p0 $0x1;
	_ =	shalt  }
.Lfunc_end2:
_tile_overlayer_lowered:
.L_overlay_start_2:
0xf1: {  	(tag) =	ssettag $0x2  }
0xf2: {  	s0 =	rddreg [dreg:$0x0];
	s2 =	stileid.u32  }
0xf3: {  	s1 =	rddreg [dreg:$0x1];
	p0 =	sne.s32 s2, $0x0  }
0xf4: {  	s3 =	rddreg [dreg:$0x2];
	[bflag:$0x3] =	sbarrier.arrive $0xFFFF;
	s2 =	simm.s32 @!p0 $0x1C11  }
0xf5: {  	[timem:s3], [sflag:s2] =	dma.local @!p0 [hbm:s0], s1  }
0xf6: {  	s0 =	simm.s32 @!p0 $0x11  }
0xf7: {  	_ =	swait.ge @!p0 [sflag:s0], s1  }
0xf8: {  	s1 =	ssub.s32 @!p0 $0x0, s1;
	[sflag:s0] =	ssyncset.done @!p0 $0x0  }
0xf9: {  	[sflag:s0] =	ssyncadd.s32 @!p0 s1  }
0xfa: {  	[bflag:$0x3] =	sbarrier.arrive $0xFFFF  }
0xfb: {  	_ =	shalt  }

// kernel: kernel.9.cloned.1.call-start
scs
__scs_entry_jumppad:
0x0: {  	(pc) =	sbr.rel $0x88, $3  }
0x1: {  	(tag) =	ssettag $0x0;
	lr =	simm.s32 $0x1  }
0x2: {  	[smem:$0x3F96] =	sst lr;
	_ =	strace $0xD0000000  }
0x3: {  	_ = 	snop  }
0x4: {  	_ = 	snop  }
0x5: {  	_ = 	snop  }
0x6: {  	_ = 	snop  }
0x7: {  	_ = 	snop  }
__scs_overlays_trampoline_lowered:
0x8: {  	[smem:$0x3FA5] =	sst s0  }
0x9: {  	[smem:$0x3FA6] =	sst s1  }
0xa: {  	[smem:$0x3FA7] =	sst s2  }
0xb: {  	[smem:$0x3FA8] =	sst s3  }
0xc: {  	[smem:$0x3FA9] =	sst s4  }
0xd: {  	[smem:$0x3FAA] =	sst s5  }
0xe: {  	[smem:$0x3FAB] =	sst s6  }
0xf: {  	[smem:$0x3FAC] =	sst s7  }
0x10: {  	[smem:$0x3FAD] =	sst s8  }
0x11: {  	[smem:$0x3FAE] =	sst s9;
	s0 =	simm.s32 @!p0 $0x0  }
0x12: {  	s1 =	sld [smem:$0x3F94];
	s0 =	simm.s32 @p0 $0x1  }
0x13: {  	[smem:$0x3FAF] =	sst s0;
	s0 =	simm.s32 @!p1 $0x0  }
0x14: {  	s2 =	sld [smem:$0x3F93];
	s0 =	simm.s32 @p1 $0x1  }
0x15: {  	[smem:$0x3FB0] =	sst s0;
	s0 =	simm.s32 @!p2 $0x0  }
0x16: {  	s3 =	sld [smem:$0x3FDB];
	s0 =	simm.s32 @p2 $0x1  }
0x17: {  	s4 =	simm.s32 $0x1BF5;
	[smem:$0x3FB2] =	sst s0  }
0x18: {  	s0 =	sld [smem:$0x3F95];
	_ =	swait.ge [sflag:s4], $0x0  }
0x19: {  	s7 =	sld [smem:$0x3F96]  }
0x1a: {  	s8 =	sadd.s32 $0xFFFFE003, lr  }
0x1b: {  	s9 =	sadd.s32 $0xFFFFFEF7, lr;
	s5 =	simm.s32 $0xFFFFFFFF;
	p2 =	slt.u32 s8, $0xFFFFF086  }
0x1c: {  	p1 =	slt.u32 s9, $0xF7A;
	s5 =	simm.s32 @!p2 $0x0  }
0x1d: {  	s5 =	simm.s32 @p1 $0x1;
	p0 =	seq.s32 s7, s2  }
0x1e: {  	s7 =	smul.u32 @!p0 $0xF7A, s2;
	p2 =	seq.s32 @!p0 s5, $0x0  }
0x1f: {  	s9 =	smul.u32 $0xF7A, s1;
	s8 =	simm.s32 @!p0 $0x1BF5;
	p2 =	por !p2, p0  }
0x20: {  	[sflag:s8] =	ssyncset.s32 @!p0 $0xFFFFF086;
	s6 =	sadd.s32 @!p0 s3, s7;
	s7 =	simm.s32 @!p0 $0x108  }
0x21: {  	s3 =	sadd.s32 s3, s9;
	s6 =	sadd.s32 @!p0 $0x88, s6;
	s7 =	simm.s32 @p2 $0x1082  }
0x22: {  	[simem:s7], [sflag:s8] =	dma.local @!p0 [hbm:s6], $0xF7A  }
0x23: {  	s9 =	sor.u32 $0xD0000000, s2;
	s6 =	simm.s32 $0x108;
	_ =	swait.ge @!p0 [sflag:s8], $0x0  }
0x24: {  	s3 =	sadd.s32 $0x88, s3;
	s6 =	simm.s32 @!p1 $0x1082;
	[sflag:s4] =	ssyncset.s32 $0xFFFFF086  }
0x25: {  	[simem:s6], [sflag:s4] =	dma.local [hbm:s3], $0xF7A  }
0x26: {  	[smem:$0x3F96] =	sst s1;
	(tag) =	ssettag s2;
	_ =	strace s9  }
0x27: {  	s1 =	sld [smem:$0x3FA6]  }
0x28: {  	s2 =	sld [smem:$0x3FA7]  }
0x29: {  	s4 =	sld [smem:$0x3FA9]  }
0x2a: {  	p0 =	seq.s32 s5, $0x0;
	s5 =	sld [smem:$0x3FAA]  }
0x2b: {  	s6 =	sld [smem:$0x3FAB]  }
0x2c: {  	s7 =	sld [smem:$0x3FAC]  }
0x2d: {  	s3 =	simm.s32 $0x108;
	s8 =	sld [smem:$0x3FAD]  }
0x2e: {  	s3 =	simm.s32 @!p0 $0x1082;
	s9 =	sld [smem:$0x3FAE]  }
0x2f: {  	lr =	sadd.s32 s0, s3;
	s0 =	sld [smem:$0x3FA5]  }
0x30: {  	s3 =	sld [smem:$0x3FA8]  }
0x31: {  	[smem:$0x3FB1] =	sst s10  }
0x32: {  	s10 =	sld [smem:$0x3FAF];
	_ =	sdelay $0x3  }
0x33: {  	p0 =	seq.s32 s10, $0x1;
	s10 =	sld [smem:$0x3FB1];
	_ =	sdelay $0x3  }
0x34: {  	[smem:$0x3FB1] =	sst s10  }
0x35: {  	s10 =	sld [smem:$0x3FB0];
	_ =	sdelay $0x3  }
0x36: {  	p1 =	seq.s32 s10, $0x1;
	s10 =	sld [smem:$0x3FB1];
	_ =	sdelay $0x3  }
0x37: {  	[smem:$0x3FB1] =	sst s10  }
0x38: {  	s10 =	sld [smem:$0x3FB2]  }
0x39: {  	_ = 	snop;
	(pc) =	sbr.ind lr, $3  }
0x3a: {  	_ = 	snop  }
0x3b: {  	_ = 	snop  }
0x3c: {  	p2 =	seq.s32 s10, $0x1;
	s10 =	sld [smem:$0x3FB1]  }
0x3d: {  	_ =	shalt  }
0x3e: {  	_ =	shalt  }
0x3f: {  	_ =	shalt  }
0x40: {  	_ =	shalt  }
0x41: {  	_ =	shalt  }
0x42: {  	_ =	shalt  }
0x43: {  	_ =	shalt  }
0x44: {  	_ =	shalt  }
0x45: {  	_ =	shalt  }
0x46: {  	_ =	shalt  }
0x47: {  	_ =	shalt  }
0x48: {  	_ =	shalt  }
0x49: {  	_ =	shalt  }
0x4a: {  	_ =	shalt  }
0x4b: {  	_ =	shalt  }
0x4c: {  	_ =	shalt  }
0x4d: {  	_ =	shalt  }
0x4e: {  	_ =	shalt  }
0x4f: {  	_ =	shalt  }
0x50: {  	_ =	shalt  }
0x51: {  	_ =	shalt  }
0x52: {  	_ =	shalt  }
0x53: {  	_ =	shalt  }
0x54: {  	_ =	shalt  }
0x55: {  	_ =	shalt  }
0x56: {  	_ =	shalt  }
0x57: {  	_ =	shalt  }
0x58: {  	_ =	shalt  }
0x59: {  	_ =	shalt  }
0x5a: {  	_ =	shalt  }
0x5b: {  	_ =	shalt  }
0x5c: {  	_ =	shalt  }
0x5d: {  	_ =	shalt  }
0x5e: {  	_ =	shalt  }
0x5f: {  	_ =	shalt  }
0x60: {  	_ =	shalt  }
0x61: {  	_ =	shalt  }
0x62: {  	_ =	shalt  }
0x63: {  	_ =	shalt  }
0x64: {  	_ =	shalt  }
0x65: {  	_ =	shalt  }
0x66: {  	_ =	shalt  }
0x67: {  	_ =	shalt  }
0x68: {  	_ =	shalt  }
0x69: {  	_ =	shalt  }
0x6a: {  	_ =	shalt  }
0x6b: {  	_ =	shalt  }
0x6c: {  	_ =	shalt  }
0x6d: {  	_ =	shalt  }
0x6e: {  	_ =	shalt  }
0x6f: {  	_ =	shalt  }
0x70: {  	_ =	shalt  }
0x71: {  	_ =	shalt  }
0x72: {  	_ =	shalt  }
0x73: {  	_ =	shalt  }
0x74: {  	_ =	shalt  }
0x75: {  	_ =	shalt  }
0x76: {  	_ =	shalt  }
0x77: {  	_ =	shalt  }
0x78: {  	_ =	shalt  }
0x79: {  	_ =	shalt  }
0x7a: {  	_ =	shalt  }
0x7b: {  	_ =	shalt  }
0x7c: {  	_ =	shalt  }
0x7d: {  	_ =	shalt  }
0x7e: {  	_ =	shalt  }
0x7f: {  	_ =	shalt  }
0x80: {  	_ =	shalt  }
0x81: {  	_ =	shalt  }
0x82: {  	_ =	shalt  }
0x83: {  	_ =	shalt  }
0x84: {  	_ =	shalt  }
0x85: {  	_ =	shalt  }
0x86: {  	_ =	shalt  }
0x87: {  	_ =	shalt  }
.Lfunc_end0:
.L_simem_size_0:
called_computation.1_lowered:
.L_overlay_start_0:
0x88: {  	s2 =	sld [smem:$0x3FD9]  }
0x89: {  	s3 =	sld [smem:$0x3FFE];
	_ =	sdelay $0x1  }
0x8a: {  	s1 =	srdreg.scid  }
0x8b: {  	s0 =	sand.u32 $0x1, s1  }
0x8c: {  	s17 =	sshll.u32 s0, $0xA;
	s2 =	sadd.s32 s3, s2  }
0x8d: {  	s2 =	sadd.s32 s2, s17  }
0x8e: {  	[smem:$0x3FBD] =	sst s2  }
0x8f: {  	_ = 	snop  }
0x90: {  	s18 =	sld [smem:$0x3FC9];
	(tm) =	ssettm $0x1  }
0x91: {  	s19 =	sld [smem:$0x3FFB];
	_ =	sdelay $0x3  }
0x92: {  	_ =	strace s19  }
0x93: {  	s2 =	sld [smem:$0x3FFC];
	_ =	sdelay $0x3  }
0x94: {  	_ =	strace s2  }
0x95: {  	s2 =	sld [smem:$0x3FFD];
	_ =	sdelay $0x3  }
0x96: {  	_ =	strace s2  }
0x97: {  	_ =	strace $0x8FFFFFFF  }
0x98: {  	s20 =	sld [smem:$0x3FDB];
	_ =	sdelay $0x1  }
0x99: {  	s4 =	simm.s32 $_scs_section_size  }
0x9a: {  	s5 =	simm.s32 $_size__tile_overlayer_lowered;
	s6 =	simm.s32 $_tile_overlayer_lowered  }
0x9b: {  	s7 =	simm.s32 $0x1BFF;
	s21 =	sshll.u32 s6, $0x1;
	s4 =	sadd.s32 s4, s20  }
0x9c: {  	s22 =	simm.s32 $0x0;
	s5 =	sshll.u32 s5, $0x1;
	s6 =	sadd.s32 s21, s4  }
0x9d: {  	[timem:s22], [sflag:s7] =	dma.local [hbm:s6], s5  }
0x9e: {  	_ =	swait.ge [sflag:s7], s5  }
0x9f: {  	s5 =	ssub.s32 $0x0, s5;
	[sflag:s7] =	ssyncset.done $0x0  }
0xa0: {  	[sflag:s7] =	ssyncadd.s32 s5;
	_ =	sdelay $0x1  }
0xa1: {  	s23 =	simm.s32 $0x1B8B  }
0xa2: {  	_ =	swait.ge [sflag:s23], $0x1  }
0xa3: {  	[sflag:s23] =	ssyncset.done $0x0  }
0xa4: {  	[sflag:s23] =	ssyncadd.s32 $0xFFFFFFFF  }
0xa5: {  	s5 =	sld [smem:$0x0]  }
0xa6: {  	s6 =	sand.u32 $0xFFFFFFFE, s1  }
0xa7: {  	p0 =	sne.s32 s1, s6  }
0xa8: {  	s6 =	sshll.u32 @p0 s6, $0xE  }
0xa9: {  	s6 =	sadd.s32 @p0 $0x11B8D, s6;
	s7 =	sshll.u32 @p0 s5, $0x11  }
0xaa: {  	s6 =	sor.u32 @p0 s7, s6  }
0xab: {  	[sflag:s6] =	ssyncadd.remote.s32 @p0 $0x1;
	_ =	sdelay $0x1  }
0xac: {  	s6 =	simm.s32 @p0 $0x1B8D  }
0xad: {  	_ =	swait.eq @p0 [sflag:s6], $0x1  }
0xae: {  	[sflag:s6] =	ssyncadd.s32 @p0 $0xFFFFFFFF  }
0xaf: {  	s7 =	sshll.u32 @!p0 s1, $0xE  }
0xb0: {  	s7 =	sor.u32 @!p0 $0x4000, s7;
	s6 =	simm.s32 @!p0 $0x1B8D  }
0xb1: {  	s5 =	sshll.u32 @!p0 s5, $0x11;
	s7 =	sadd.s32 @!p0 $0x11B8D, s7;
	_ =	swait.eq @!p0 [sflag:s6], $0x1  }
0xb2: {  	s5 =	sor.u32 @!p0 s5, s7;
	[sflag:s6] =	ssyncadd.s32 @!p0 $0xFFFFFFFF  }
0xb3: {  	s25 =	simm.s32 $0x1B8E;
	s24 =	sld [smem:$0x3FFE];
	[sflag:s5] =	ssyncadd.remote.s32 @!p0 $0x1  }
0xb4: {  	s26 =	simm.s32 $execute0_lowered;
	[smem:$0x3FD2] =	sst s25  }
0xb5: {  	s6 =	sshll.u32 s26, $0x1;
	_ =	strace $0x80000049;
	[dreg:$0x1] =	wrdreg $0xFFFFFFFF  }
0xb6: {  	s28 =	simm.s32 $_size_execute0_lowered;
	s4 =	sadd.s32 s4, s6;
	[dreg:$0x0] =	wrdreg $0x0  }
0xb7: {  	s6 =	sshll.u32 s28, $0x1;
	[dreg:$0x2] =	wrdreg s4  }
0xb8: {  	[dreg:$0x3] =	wrdreg s6  }
0xb9: {  	[dreg:$0x4] =	wrdreg $0xC0  }
0xba: {  	_ =	task [dreg:s22], $0x5FFFF  }
0xbb: {  	[dreg:$0x1] =	wrdreg $0xFFFFFFFF  }
0xbc: {  	[dreg:$0x0] =	wrdreg $0x60  }
0xbd: {  	[dreg:$0x2] =	wrdreg s18  }
0xbe: {  	[dreg:$0x3] =	wrdreg s24  }
0xbf: {  	[dreg:$0x4] =	wrdreg $0xA  }
0xc0: {  	_ =	task.clear_ibuf [dreg:s22], $0x5FFFF;
	_ =	strace $0x90000049  }
0xc1: {  	s29 =	simm.s32 $0xA;
	_ =	strace $0x8000004B  }
0xc2: {  	_ =	swait.ge [sflag:s29], $0x1  }
0xc3: {  	[sflag:s29] =	ssyncadd.s32 $0xFFFFFFFF  }
0xc4: {  	_ =	strace $0x9000004B  }
0xc5: {  	_ =	sfence  }
0xc6: {  	s30 =	sld [smem:$0x0];
	_ =	sdelay $0x2  }
0xc7: {  	s31 =	sshll.u32 s1, $0xD;
	s1 =	sshrl.u32 s1, $0x2  }
0xc8: {  	s4 =	sand.u32 $0x4000, s31;
	s1 =	sadd.s32 s1, s30  }
0xc9: {  	s0 =	sor.u32 s4, s0;
	s1 =	sshll.u32 s1, $0x11  }
0xca: {  	s0 =	sor.u32 s1, s0  }
0xcb: {  	s0 =	sadd.s32 $0x8F2B, s0  }
0xcc: {  	[sflag:s0] =	ssyncadd.remote.s32 $0x1  }
0xcd: {  	_ =	sfence.sel $0xFFFF  }
0xce: {  	[dreg:$0x0] =	wrdreg $0xFFFFFFFF;
	(pc) =	sbr.abs _section_cstart, $3  }
0xcf: {  	[dreg:$0x1] =	wrdreg $0xFFFFFFFF  }
0xd0: {  	_ =	task.clear_ibuf [dreg:s22], $0x2FFFF;
	_ =	strace $0x9FFFFFFF  }
0xd1: {  	(tm) =	ssettm $0x7FFFFFFF  }
tec
execute0_lowered:
.L_overlay_start_1:
0x0: {  	(tag) =	ssettag $0x1  }
0x1: {  	s2 =	rddreg [dreg:$0x0]  }
0x2: {  	s0 =	srdreg.scid;
	s3 =	stileid.u32  }
0x3: {  	s1 =	rddreg [dreg:$0x1];
	s16 =	simm.s32 $0x180;
	s19 =	simm.s32 $0x1  }
0x4: {  	s20 =	simm.s32 $0x50;
	s23 =	simm.s32 $0x2;
	s28 =	simm.s32 $0xF  }
0x5: {  	s29 =	simm.s32 $0x10;
	s0 =	sand.u32 $0x1, s0;
	s4 =	sshll.u32 s3, $0x1  }
0x6: {  	s30 =	simm.s32 $0xD;
	s31 =	simm.s32 $0x0;
	s4 =	sor.u32 s0, s4  }
0x7: {  	s3 =	simm.s32 $0x0;
	s5 =	sadd.s32 $0x4E3200, s1;
	s4 =	smul.u32 $0x2710, s4  }
0x8: {  	s6 =	sadd.s32 $0x4F6C00, s1;
	[smem:$0x7FF] =	sst s3;
	s0 =	ssub.s32 $0x2, s0  }
0x9: {  	_ =	strace $0x8000004A;
	s26 =	sshrl.u32 s0, $0x1;
	s7 =	sshrl.u32 s4, $0x3  }
0xa: {  	s0 =	ssub.s32 s0, s26;
	s26 =	simm.s32 $0xE;
	s7 =	sadd.s32 s5, s7  }
0xb: {  	s13 =	smax.u32 s0, $0x1;
	s8 =	sadd.s32 $0x9C40, s7;
	s9 =	sadd.s32 $0xA, s7  }
0xc: {  	s10 =	sadd.s32 $0x9C4A, s7;
	s11 =	sadd.s32 $0x14, s7;
	s12 =	sadd.s32 $0x9C54, s7  }
.LBB2_1:
0xd: {  	[tilespmem:s3], [sflag:$0x1] =	stream.linear.gather [hbm4b:s7+s3], $0x50, $0x38;
	[tilespmem:$0x1E400] =	vst v63  }
0xe: {  	s0 =	simm.s32 $0x80  }
0xf: {  	[tilespmem:s0], [sflag:$0x1] =	stream.linear.gather [hbm4b:s8+s3], $0x50, $0x38;
	[tilespmem:$0x1E400] =	vst v63  }
0x10: {  	s1 =	simm.s32 $0x100  }
0x11: {  	[tilespmem:s1], [sflag:$0x2] =	stream.linear.gather [hbm4b:s9+s3], $0x50, $0x38;
	[tilespmem:$0x1E400] =	vst v63  }
0x12: {  	_ = 	snop  }
0x13: {  	[tilespmem:s16], [sflag:$0x2] =	stream.linear.gather [hbm4b:s10+s3], $0x50, $0x38;
	[tilespmem:$0x1E400] =	vst v63  }
0x14: {  	s14 =	simm.s32 $0x200  }
0x15: {  	[tilespmem:s14], [sflag:$0x3] =	stream.linear.gather [hbm4b:s11+s3], $0x50, $0x38;
	[tilespmem:$0x1E400] =	vst v63  }
0x16: {  	s18 =	simm.s32 $0x280  }
0x17: {  	[tilespmem:s18], [sflag:$0x3] =	stream.linear.gather [hbm4b:s12+s3], $0x50, $0x38;
	[tilespmem:$0x1E400] =	vst v63  }
0x18: {  	_ =	swait.ge [sflag:s19], $0x50  }
0x19: {  	[sflag:s19] =	ssyncset.done $0x0  }
0x1a: {  	[sflag:s19] =	ssyncadd.s32 $0xFFFFFFB0  }
0x1b: {  	_ =	swait.ge [sflag:s19], $0x50  }
0x1c: {  	[sflag:s19] =	ssyncset.done $0x0  }
0x1d: {  	s21 =	simm.s32 $0x400;
	[sflag:s19] =	ssyncadd.s32 $0xFFFFFFB0  }
0x1e: {  	[tilespmem:s21], [sflag:$0x5] =	stream.indirect.gather [hbm4b:s2+s20], $0x80, s3, s20, $0xb8;
	[tilespmem:$0x1E400] =	vst v63  }
0x1f: {  	s22 =	simm.s32 $0xA400  }
0x20: {  	[tilespmem:s22], [sflag:$0x9] =	stream.indirect.gather [hbm4b:s2+s20], $0x80, s0, s20, $0xb8;
	[tilespmem:$0x1E400] =	vst v63  }
0x21: {  	_ =	swait.ge [sflag:s23], $0x50  }
0x22: {  	[sflag:s23] =	ssyncset.done $0x0  }
0x23: {  	[sflag:s23] =	ssyncadd.s32 $0xFFFFFFB0  }
0x24: {  	_ =	swait.ge [sflag:s23], $0x50  }
0x25: {  	[sflag:s23] =	ssyncset.done $0x0  }
0x26: {  	s24 =	simm.s32 $0x2C00;
	[sflag:s23] =	ssyncadd.s32 $0xFFFFFFB0  }
0x27: {  	[tilespmem:s24], [sflag:$0x6] =	stream.indirect.gather [hbm4b:s2+s20], $0x80, s1, s20, $0xb8;
	[tilespmem:$0x1E400] =	vst v63  }
0x28: {  	s25 =	simm.s32 $0xCC00;
	s0 =	simm.s32 $0x0;
	s1 =	simm.s32 $0x0  }
0x29: {  	[tilespmem:s25], [sflag:$0xA] =	stream.indirect.gather [hbm4b:s2+s20], $0x80, s16, s20, $0xb8;
	[tilespmem:$0x1E400] =	vst v63  }
.LBB2_2:
0x2a: {  	p0 =	sgt.u32 s0, $0x79  }
.Ltmp0:
0x2b: {  	_ = 	snop;
	(pc) =	sbr.rel @p0 .LBB2_4-.Ltmp0, $2  }
0x2c: {  	_ =	sdelay $0x2  }
0x2d: {  	s17 =	sand.u32 $0x3, s0  }
0x2e: {  	s14 =	sadd.s32 $0x3, s0  }
0x2f: {  	s15 =	smul.u32 $0x50, s14;
	_ =	sdelay $0x1  }
0x30: {  	s15 =	sadd.s32 s4, s15  }
.Ltmp1:
0x31: {  	s14 =	sand.u32 $0x3, s14;
	s15 =	sshrl.u32 s15, $0x3;
	(pc) =	sbr.rel .LBB2_5-.Ltmp1, $4  }
0x32: {  	s18 =	sadd.s32 $0x1, s14;
	s14 =	sshll.u32 s14, $0x8;
	s15 =	sadd.s32 s5, s15  }
0x33: {  	[tilespmem:s14], [sflag:s18] =	stream.linear.gather [hbm4b:s15+s3], $0x50, $0x38;
	[tilespmem:$0x1E400] =	vst v63  }
0x34: {  	s14 =	sor.u32 $0x80, s14;
	s15 =	sadd.s32 $0x9C40, s15  }
0x35: {  	[tilespmem:s14], [sflag:s18] =	stream.linear.gather [hbm4b:s15+s3], $0x50, $0x38;
	[tilespmem:$0x1E400] =	vst v63  }
.LBB2_4:
0x36: {  	p0 =	sne.s32 s0, $0x7A  }
.Ltmp2:
0x37: {  	_ = 	snop;
	(pc) =	sbr.rel @p0 .LBB2_6-.Ltmp2, $1  }
0x38: {  	_ =	sdelay $0x3  }
.LBB2_5:
0x39: {  	s14 =	sxor.u32 $0x2, s17  }
0x3a: {  	s15 =	sadd.s32 $0x1, s14  }
0x3b: {  	_ =	swait.ge [sflag:s15], $0x50  }
0x3c: {  	[sflag:s15] =	ssyncset.done $0x0  }
0x3d: {  	[sflag:s15] =	ssyncadd.s32 $0xFFFFFFB0  }
0x3e: {  	_ =	swait.ge [sflag:s15], $0x50  }
0x3f: {  	p0 =	slt.u32 s0, $0x2;
	[sflag:s15] =	ssyncset.done $0x0  }
0x40: {  	[sflag:s15] =	ssyncadd.s32 $0xFFFFFFB0;
	s15 =	sadd.s32 @!p0 $0xD, s14  }
0x41: {  	s18 =	smul.u32 $0x2800, s14;
	_ =	swait.ge @!p0 [sflag:s15], $0x2800  }
0x42: {  	s21 =	sshll.u32 s14, $0x8;
	[sflag:s15] =	ssyncset.done @!p0 $0x0  }
0x43: {  	s22 =	sadd.s32 $0x5, s14;
	s24 =	sor.u32 $0x400, s18;
	[sflag:s15] =	ssyncadd.s32 @!p0 $0xFFFFD800  }
0x44: {  	[tilespmem:s24], [sflag:s22] =	stream.indirect.gather [hbm4b:s2+s20], $0x80, s21, s20, $0xb8;
	[tilespmem:$0x1E400] =	vst v63  }
0x45: {  	s25 =	sor.u32 $0x80, s21;
	s18 =	sadd.s32 $0xA400, s18;
	s14 =	sadd.s32 $0x9, s14  }
0x46: {  	[tilespmem:s18], [sflag:s14] =	stream.indirect.gather [hbm4b:s2+s20], $0x80, s25, s20, $0xb8;
	[tilespmem:$0x1E400] =	vst v63  }
.LBB2_6:
0x47: {  	s14 =	sadd.s32 $0x5, s17  }
0x48: {  	_ =	swait.ge [sflag:s14], $0x2800  }
0x49: {  	s15 =	sand.u32 $0x3, s1;
	[sflag:s14] =	ssyncset.done $0x0  }
0x4a: {  	s25 =	sadd.s32 $0x9, s17;
	s15 =	smul.u32 $0xA000, s15;
	[sflag:s14] =	ssyncadd.s32 $0xFFFFD800  }
0x4b: {  	_ =	swait.ge [sflag:s25], $0x2800  }
0x4c: {  	s21 =	sshrl.u32 s15, $0x2;
	[sflag:s25] =	ssyncset.done $0x0  }
0x4d: {  	s18 =	sor.u32 $0x500, s21;
	[sflag:s25] =	ssyncadd.s32 $0xFFFFD800  }
0x4e: {  	s15 =	sadd.s32 $0xA500, s21;
	v0 =	vld [tilespmem:s18+$0x80]  }
0x4f: {  	v1 =	vld [tilespmem:s15+$0x80];
	_ =	sdelay $0x2  }
0x50: {  	v2 =	vld [tilespmem:s18+$0xFFFFFF80]  }
0x51: {  	v3 =	vld [tilespmem:s15+$0xFFFFFF80]  }
0x52: {  	v4 =	vld [tilespmem:s15+$0xFFFFFF00];
	v0 =	vmul.f32 v1, v0  }
0x53: {  	s22 =	sadd.s32 $0x14500, s21;
	v1 =	vld [tilespmem:s18+$0xFFFFFF00]  }
0x54: {  	[tilespmem:s22+$0x80] =	vst v0  }
0x55: {  	v0 =	vld [tilespmem:s18+$0x90]  }
0x56: {  	v2 =	vmul.f32 v3, v2;
	v3 =	vld [tilespmem:s15+$0x90]  }
0x57: {  	v5 =	vld [tilespmem:s18+$0x0]  }
0x58: {  	v6 =	vld [tilespmem:s15+$0x0];
	[tilespmem:s22+$0xFFFFFF80] =	vst v2;
	v1 =	vmul.f32 v4, v1  }
0x59: {  	v2 =	vld [tilespmem:s18+$0xFFFFFF90]  }
0x5a: {  	v4 =	vld [tilespmem:s15+$0xFFFFFF90];
	[tilespmem:s22+$0xFFFFFF00] =	vst v1  }
0x5b: {  	v1 =	vld [tilespmem:s18+$0xFFFFFF10];
	v0 =	vmul.f32 v3, v0  }
0x5c: {  	v3 =	vld [tilespmem:s15+$0xFFFFFF10]  }
0x5d: {  	v5 =	vmul.f32 v6, v5;
	[tilespmem:s22+$0x90] =	vst v0  }
0x5e: {  	v0 =	vld [tilespmem:s18+$0xA0]  }
0x5f: {  	[tilespmem:s22+$0x0] =	vst v5;
	v2 =	vmul.f32 v4, v2;
	v4 =	vld [tilespmem:s15+$0xA0]  }
0x60: {  	v5 =	vld [tilespmem:s18+$0x10]  }
0x61: {  	v6 =	vld [tilespmem:s15+$0x10];
	[tilespmem:s22+$0xFFFFFF90] =	vst v2;
	v1 =	vmul.f32 v3, v1  }
0x62: {  	v2 =	vld [tilespmem:s18+$0xFFFFFFA0]  }
0x63: {  	v3 =	vld [tilespmem:s15+$0xFFFFFFA0];
	[tilespmem:s22+$0xFFFFFF10] =	vst v1  }
0x64: {  	v1 =	vld [tilespmem:s18+$0xFFFFFF20];
	v0 =	vmul.f32 v4, v0  }
0x65: {  	v4 =	vld [tilespmem:s15+$0xFFFFFF20]  }
0x66: {  	v5 =	vmul.f32 v6, v5;
	[tilespmem:s22+$0xA0] =	vst v0  }
0x67: {  	v0 =	vld [tilespmem:s18+$0xB0]  }
0x68: {  	[tilespmem:s22+$0x10] =	vst v5;
	v2 =	vmul.f32 v3, v2;
	v3 =	vld [tilespmem:s15+$0xB0]  }
0x69: {  	v5 =	vld [tilespmem:s18+$0x20]  }
0x6a: {  	[tilespmem:s22+$0xFFFFFFA0] =	vst v2;
	v2 =	vld [tilespmem:s15+$0x20];
	v1 =	vmul.f32 v4, v1  }
0x6b: {  	v4 =	vld [tilespmem:s18+$0xFFFFFFB0]  }
0x6c: {  	v6 =	vld [tilespmem:s15+$0xFFFFFFB0];
	[tilespmem:s22+$0xFFFFFF20] =	vst v1  }
0x6d: {  	v1 =	vld [tilespmem:s18+$0xFFFFFF30];
	v0 =	vmul.f32 v3, v0  }
0x6e: {  	v3 =	vld [tilespmem:s15+$0xFFFFFF30]  }
0x6f: {  	v2 =	vmul.f32 v2, v5;
	[tilespmem:s22+$0xB0] =	vst v0  }
0x70: {  	v0 =	vld [tilespmem:s18+$0xC0]  }
0x71: {  	v4 =	vmul.f32 v6, v4;
	[tilespmem:s22+$0x20] =	vst v2;
	v2 =	vld [tilespmem:s15+$0xC0]  }
0x72: {  	v5 =	vld [tilespmem:s18+$0x30]  }
0x73: {  	[tilespmem:s22+$0xFFFFFFB0] =	vst v4;
	v1 =	vmul.f32 v3, v1;
	v3 =	vld [tilespmem:s15+$0x30]  }
0x74: {  	v4 =	vld [tilespmem:s18+$0xFFFFFFC0]  }
0x75: {  	[tilespmem:s22+$0xFFFFFF30] =	vst v1;
	v1 =	vld [tilespmem:s15+$0xFFFFFFC0]  }
0x76: {  	v6 =	vld [tilespmem:s18+$0xFFFFFF40];
	v0 =	vmul.f32 v2, v0  }
0x77: {  	v2 =	vld [tilespmem:s15+$0xFFFFFF40]  }
0x78: {  	v3 =	vmul.f32 v3, v5;
	[tilespmem:s22+$0xC0] =	vst v0  }
0x79: {  	v0 =	vld [tilespmem:s18+$0xD0]  }
0x7a: {  	v1 =	vmul.f32 v1, v4;
	[tilespmem:s22+$0x30] =	vst v3;
	v3 =	vld [tilespmem:s15+$0xD0]  }
0x7b: {  	v4 =	vld [tilespmem:s18+$0x40]  }
0x7c: {  	v2 =	vmul.f32 v2, v6;
	[tilespmem:s22+$0xFFFFFFC0] =	vst v1;
	v1 =	vld [tilespmem:s15+$0x40]  }
0x7d: {  	v5 =	vld [tilespmem:s18+$0xFFFFFFD0]  }
0x7e: {  	[tilespmem:s22+$0xFFFFFF40] =	vst v2;
	v2 =	vld [tilespmem:s15+$0xFFFFFFD0]  }
0x7f: {  	v6 =	vld [tilespmem:s18+$0xFFFFFF50];
	v0 =	vmul.f32 v3, v0  }
0x80: {  	v3 =	vld [tilespmem:s15+$0xFFFFFF50]  }
0x81: {  	v1 =	vmul.f32 v1, v4;
	[tilespmem:s22+$0xD0] =	vst v0  }
0x82: {  	v7 =	vld [tilespmem:s18+$0xE0]  }
0x83: {  	v0 =	vmul.f32 v2, v5;
	v5 =	vld [tilespmem:s15+$0xE0];
	[tilespmem:s22+$0x40] =	vst v1  }
0x84: {  	v1 =	vld [tilespmem:s18+$0x50]  }
0x85: {  	v2 =	vmul.f32 v3, v6;
	[tilespmem:s22+$0xFFFFFFD0] =	vst v0;
	v4 =	vld [tilespmem:s15+$0x50]  }
0x86: {  	v0 =	vld [tilespmem:s18+$0xFFFFFFE0]  }
0x87: {  	v3 =	vld [tilespmem:s15+$0xFFFFFFE0];
	[tilespmem:s22+$0xFFFFFF50] =	vst v2  }
0x88: {  	s14 =	sadd.s32 $0x200, s18;
	v2 =	vld [tilespmem:s18+$0xFFFFFF60];
	v6 =	vmul.f32 v5, v7  }
0x89: {  	s21 =	smov.u32 s15;
	s24 =	smov.u32 s22;
	s25 =	simm.s32 $0x0;
	v5 =	vld [tilespmem:s15+$0xFFFFFF60]  }
.LBB2_7:
0x8a: {  	v7 =	vld [tilespmem:s14+$0x80];
	v1 =	vmul.f32 v4, v1;
	[tilespmem:s22+$0xE0] =	vst v6  }
0x8b: {  	v4 =	vld [tilespmem:s18+$0xF0]  }
0x8c: {  	s21 =	sadd.s32 $0x200, s21;
	v0 =	vmul.f32 v3, v0;
	[tilespmem:s22+$0x50] =	vst v1;
	v1 =	vld [tilespmem:s15+$0xF0]  }
0x8d: {  	v3 =	vld [tilespmem:s21+$0x80]  }
0x8e: {  	v6 =	vld [tilespmem:s21+$0xFFFFFF00];
	v2 =	vmul.f32 v5, v2;
	[tilespmem:s22+$0xFFFFFFE0] =	vst v0  }
0x8f: {  	v0 =	vld [tilespmem:s14+$0xFFFFFF80]  }
0x90: {  	v5 =	vld [tilespmem:s21+$0xFFFFFF80];
	[tilespmem:s22+$0xFFFFFF60] =	vst v2  }
0x91: {  	v2 =	vld [tilespmem:s14+$0x0];
	v1 =	vmul.f32 v1, v4  }
0x92: {  	v4 =	vld [tilespmem:s21+$0x0];
	v3 =	vmul.f32 v3, v7  }
0x93: {  	s22 =	sadd.s32 $0x200, s22;
	v7 =	vld [tilespmem:s14+$0xFFFFFF00];
	[tilespmem:s24+$0xF0] =	vst v1  }
0x94: {  	s25 =	sadd.s32 $0x4, s25;
	[tilespmem:s22+$0x80] =	vst v3;
	v1 =	vld [tilespmem:s18+$0x60]  }
0x95: {  	p0 =	slt.u32 s25, $0x4C;
	v0 =	vmul.f32 v5, v0;
	v3 =	vld [tilespmem:s14+$0x90]  }
0x96: {  	v5 =	vld [tilespmem:s21+$0x90]  }
0x97: {  	[tilespmem:s22+$0xFFFFFF80] =	vst v0;
	v0 =	vmul.f32 v4, v2;
	v2 =	vld [tilespmem:s15+$0x60]  }
0x98: {  	v4 =	vmul.f32 v6, v7;
	v6 =	vld [tilespmem:s14+$0xFFFFFF90]  }
0x99: {  	v7 =	vld [tilespmem:s21+$0xFFFFFF90];
	[tilespmem:s22+$0x0] =	vst v0  }
0x9a: {  	[tilespmem:s22+$0xFFFFFF00] =	vst v4;
	v0 =	vld [tilespmem:s14+$0x10]  }
0x9b: {  	v4 =	vld [tilespmem:s14+$0xFFFFFF10];
	v3 =	vmul.f32 v5, v3  }
0x9c: {  	v5 =	vld [tilespmem:s21+$0xFFFFFF10];
	v1 =	vmul.f32 v2, v1  }
0x9d: {  	v2 =	vld [tilespmem:s21+$0x10];
	[tilespmem:s22+$0x90] =	vst v3  }
0x9e: {  	v3 =	vmul.f32 v7, v6;
	v6 =	vld [tilespmem:s14+$0xA0];
	[tilespmem:s24+$0x60] =	vst v1  }
0x9f: {  	v1 =	vld [tilespmem:s21+$0xA0]  }
0xa0: {  	[tilespmem:s22+$0xFFFFFF90] =	vst v3;
	v3 =	vld [tilespmem:s18+$0xFFFFFF70]  }
0xa1: {  	v4 =	vmul.f32 v5, v4;
	v5 =	vld [tilespmem:s14+$0xFFFFFFA0]  }
0xa2: {  	v7 =	vld [tilespmem:s21+$0xFFFFFFA0];
	v0 =	vmul.f32 v2, v0  }
0xa3: {  	[tilespmem:s22+$0xFFFFFF10] =	vst v4;
	v2 =	vld [tilespmem:s15+$0xFFFFFF70]  }
0xa4: {  	v4 =	vld [tilespmem:s14+$0xFFFFFF20];
	[tilespmem:s22+$0x10] =	vst v0;
	v0 =	vmul.f32 v1, v6  }
0xa5: {  	v1 =	vld [tilespmem:s21+$0xFFFFFF20]  }
0xa6: {  	v6 =	vld [tilespmem:s14+$0x20];
	[tilespmem:s22+$0xA0] =	vst v0  }
0xa7: {  	v0 =	vmul.f32 v7, v5;
	v5 =	vld [tilespmem:s14+$0xB0]  }
0xa8: {  	v7 =	vld [tilespmem:s21+$0xB0];
	v2 =	vmul.f32 v2, v3  }
0xa9: {  	[tilespmem:s22+$0xFFFFFFA0] =	vst v0;
	v0 =	vld [tilespmem:s21+$0x20]  }
0xaa: {  	v1 =	vmul.f32 v1, v4;
	v3 =	vld [tilespmem:s14+$0xFFFFFFB0];
	[tilespmem:s24+$0xFFFFFF70] =	vst v2  }
0xab: {  	v2 =	vld [tilespmem:s21+$0xFFFFFFB0]  }
0xac: {  	[tilespmem:s22+$0xFFFFFF20] =	vst v1;
	v1 =	vld [tilespmem:s18+$0xFFFFFFF0]  }
0xad: {  	v4 =	vld [tilespmem:s14+$0xFFFFFF30];
	v5 =	vmul.f32 v7, v5  }
0xae: {  	v7 =	vld [tilespmem:s21+$0xFFFFFF30];
	v0 =	vmul.f32 v0, v6  }
0xaf: {  	[tilespmem:s22+$0xB0] =	vst v5;
	v5 =	vld [tilespmem:s15+$0xFFFFFFF0]  }
0xb0: {  	v2 =	vmul.f32 v2, v3;
	[tilespmem:s22+$0x20] =	vst v0;
	v0 =	vld [tilespmem:s14+$0xC0]  }
0xb1: {  	v3 =	vld [tilespmem:s21+$0xC0]  }
0xb2: {  	[tilespmem:s22+$0xFFFFFFB0] =	vst v2;
	v2 =	vld [tilespmem:s14+$0x30]  }
0xb3: {  	v4 =	vmul.f32 v7, v4;
	v6 =	vld [tilespmem:s21+$0x30]  }
0xb4: {  	v7 =	vld [tilespmem:s14+$0xFFFFFFC0];
	v1 =	vmul.f32 v5, v1  }
0xb5: {  	[tilespmem:s22+$0xFFFFFF30] =	vst v4;
	v4 =	vld [tilespmem:s21+$0xFFFFFFC0]  }
0xb6: {  	v5 =	vld [tilespmem:s14+$0xFFFFFF40];
	v0 =	vmul.f32 v3, v0;
	[tilespmem:s24+$0xFFFFFFF0] =	vst v1  }
0xb7: {  	v1 =	vld [tilespmem:s21+$0xFFFFFF40]  }
0xb8: {  	v2 =	vmul.f32 v6, v2;
	[tilespmem:s22+$0xC0] =	vst v0;
	v3 =	vld [tilespmem:s18+$0x70];
	s18 =	smov.u32 s14  }
0xb9: {  	v0 =	vld [tilespmem:s14+$0xD0]  }
0xba: {  	v4 =	vmul.f32 v4, v7;
	[tilespmem:s22+$0x30] =	vst v2;
	v2 =	vld [tilespmem:s21+$0xD0]  }
0xbb: {  	v6 =	vld [tilespmem:s14+$0x40]  }
0xbc: {  	v1 =	vmul.f32 v1, v5;
	[tilespmem:s22+$0xFFFFFFC0] =	vst v4;
	v4 =	vld [tilespmem:s21+$0x40]  }
0xbd: {  	v5 =	vld [tilespmem:s14+$0xFFFFFFD0]  }
0xbe: {  	[tilespmem:s22+$0xFFFFFF40] =	vst v1;
	v1 =	vld [tilespmem:s21+$0xFFFFFFD0]  }
0xbf: {  	v7 =	vld [tilespmem:s14+$0xFFFFFF50];
	v0 =	vmul.f32 v2, v0  }
0xc0: {  	v2 =	vld [tilespmem:s21+$0xFFFFFF50]  }
0xc1: {  	v4 =	vmul.f32 v4, v6;
	[tilespmem:s22+$0xD0] =	vst v0;
	v6 =	vld [tilespmem:s15+$0x70];
	s15 =	smov.u32 s21  }
0xc2: {  	v8 =	vld [tilespmem:s14+$0xE0]  }
0xc3: {  	v0 =	vmul.f32 v1, v5;
	[tilespmem:s22+$0x40] =	vst v4;
	v5 =	vld [tilespmem:s21+$0xE0]  }
0xc4: {  	v1 =	vld [tilespmem:s14+$0x50]  }
.Ltmp3:
0xc5: {  	v2 =	vmul.f32 v2, v7;
	[tilespmem:s22+$0xFFFFFFD0] =	vst v0;
	v4 =	vld [tilespmem:s21+$0x50];
	(pc) =	sbr.rel @p0 .LBB2_7-.Ltmp3, $4  }
0xc6: {  	v0 =	vld [tilespmem:s14+$0xFFFFFFE0];
	v7 =	vmul.f32 v6, v3  }
0xc7: {  	[tilespmem:s22+$0xFFFFFF50] =	vst v2;
	v3 =	vld [tilespmem:s21+$0xFFFFFFE0]  }
0xc8: {  	v2 =	vld [tilespmem:s14+$0xFFFFFF60];
	v6 =	vmul.f32 v5, v8;
	[tilespmem:s24+$0x70] =	vst v7;
	s24 =	smov.u32 s22  }
0xc9: {  	s14 =	sadd.s32 $0x200, s14;
	v5 =	vld [tilespmem:s21+$0xFFFFFF60]  }
0xca: {  	v1 =	vmul.f32 v4, v1;
	_ =	sdelay $0x1  }
0xcb: {  	[tilespmem:s22+$0x50] =	vst v1  }
0xcc: {  	v1 =	vld [tilespmem:s18+$0x60]  }
0xcd: {  	v55 =	vld [tilespmem:s15+$0x60]  }
0xce: {  	[tilespmem:s22+$0xE0] =	vst v6;
	v0 =	vmul.f32 v3, v0  }
0xcf: {  	v56 =	vld [tilespmem:s18+$0xF0]  }
0xd0: {  	v57 =	vld [tilespmem:s15+$0xF0];
	v2 =	vmul.f32 v5, v2;
	[tilespmem:s22+$0xFFFFFFE0] =	vst v0  }
0xd1: {  	v60 =	vld [tilespmem:s18+$0xFFFFFFF0]  }
0xd2: {  	v61 =	vld [tilespmem:s15+$0xFFFFFFF0];
	[tilespmem:s22+$0xFFFFFF60] =	vst v2;
	v58 =	vmul.f32 v55, v1  }
0xd3: {  	v2 =	vld [tilespmem:s18+$0xFFFFFF70]  }
0xd4: {  	v59 =	vld [tilespmem:s15+$0xFFFFFF70];
	[tilespmem:s24+$0x60] =	vst v58  }
0xd5: {  	v62 =	vld [tilespmem:s18+$0x70]  }
0xd6: {  	v7 =	vld [tilespmem:s15+$0x70];
	_ =	sdelay $0x1  }
0xd7: {  	s14 =	smul.u32 $0x50, s0;
	s0 =	sadd.s32 $0x1, s0;
	v3 =	vmul.f32 v57, v56  }
0xd8: {  	p0 =	sne.s32 s0, $0x7D;
	s22 =	smul.u32 $0xA000, s17;
	v0 =	vmul.f32 v61, v60  }
.Ltmp4:
0xd9: {  	[tilespmem:s24+$0xF0] =	vst v3;
	v1 =	vmul.f32 v59, v2;
	(pc) =	sbr.rel @p0 .LBB2_2-.Ltmp4, $4  }
0xda: {  	s14 =	sadd.s32 s4, s14;
	[tilespmem:s24+$0xFFFFFFF0] =	vst v0;
	v63 =	vmul.f32 v7, v62  }
0xdb: {  	s25 =	sadd.s32 $0xD, s17;
	s14 =	sshll.u32 s14, $0x4;
	s15 =	sshrl.u32 s22, $0x2;
	[tilespmem:s24+$0xFFFFFF70] =	vst v1  }
0xdc: {  	s1 =	sadd.s32 $0x1, s1;
	s14 =	sadd.s32 s6, s14;
	s15 =	sadd.s32 $0x14400, s15;
	[tilespmem:s24+$0x70] =	vst v63  }
0xdd: {  	[hbm4b:s14+s3] =	stream.linear.scatter [tilespmem:s15], [sflag:s25], $0x2800, $0x38;
	[tilespmem:$0x1E400] =	vst v63  }
0xde: {  	_ =	swait.ge [sflag:s26], $0x2800  }
0xdf: {  	[sflag:s26] =	ssyncset.done $0x0  }
0xe0: {  	[sflag:s26] =	ssyncadd.s32 $0xFFFFD800  }
0xe1: {  	_ =	swait.ge [sflag:s28], $0x2800  }
0xe2: {  	[sflag:s28] =	ssyncset.done $0x0  }
0xe3: {  	s31 =	sadd.s32 $0x1, s31;
	[sflag:s28] =	ssyncadd.s32 $0xFFFFD800  }
0xe4: {  	p0 =	sne.s32 s31, s13;
	_ =	swait.ge [sflag:s29], $0x2800  }
.Ltmp5:
0xe5: {  	[sflag:s29] =	ssyncset.done $0x0;
	(pc) =	sbr.rel @p0 .LBB2_1-.Ltmp5, $4  }
0xe6: {  	[sflag:s29] =	ssyncadd.s32 $0xFFFFD800  }
0xe7: {  	_ =	swait.ge [sflag:s30], $0x2800  }
0xe8: {  	[sflag:s30] =	ssyncset.done $0x0  }
0xe9: {  	[sflag:s30] =	ssyncadd.s32 $0xFFFFD800  }
0xea: {  	_ =	sfence.sel $0x180000  }
0xeb: {  	[bflag:$0x0] =	sbarrier.arrive $0xFFFF  }
0xec: {  	_ =	strace $0x9000004A  }
0xed: {  	s0 =	stileid.u32;
	[bflag:$0x2] =	sbarrier.arrive $0xFFFF  }
0xee: {  	p0 =	sne.s32 s0, $0x0;
	s0 =	rddreg [dreg:$0x2]  }
0xef: {  	s0 =	sadd.s32 @!p0 $0x100000, s0  }
0xf0: {  	[sflag:s0] =	ssyncadd.tile.s32 @!p0 $0x1;
	_ =	shalt  }
.Lfunc_end2:
_tile_overlayer_lowered:
.L_overlay_start_2:
0xf1: {  	(tag) =	ssettag $0x2  }
0xf2: {  	s0 =	rddreg [dreg:$0x0];
	s2 =	stileid.u32  }
0xf3: {  	s1 =	rddreg [dreg:$0x1];
	p0 =	sne.s32 s2, $0x0  }
0xf4: {  	s3 =	rddreg [dreg:$0x2];
	[bflag:$0x3] =	sbarrier.arrive $0xFFFF;
	s2 =	simm.s32 @!p0 $0x1C11  }
0xf5: {  	[timem:s3], [sflag:s2] =	dma.local @!p0 [hbm:s0], s1  }
0xf6: {  	s0 =	simm.s32 @!p0 $0x11  }
0xf7: {  	_ =	swait.ge @!p0 [sflag:s0], s1  }
0xf8: {  	s1 =	ssub.s32 @!p0 $0x0, s1;
	[sflag:s0] =	ssyncset.done @!p0 $0x0  }
0xf9: {  	[sflag:s0] =	ssyncadd.s32 @!p0 s1  }
0xfa: {  	[bflag:$0x3] =	sbarrier.arrive $0xFFFF  }
0xfb: {  	_ =	shalt  }

</sc_bundles>
